<compile_context>
chip_gen: v7x
topology: tpu7x:2x2x1
jax: 0.10.2.dev20260603
libtpu: 0.0.44.dev20260713+nightly
codegen_flags: <defaults>
</compile_context>

<pallas_src>
import functools

import jax
import jax.numpy as jnp
from jax import lax
from jax.experimental import pallas as pl
from jax.experimental.pallas import tpu as pltpu
from jax.experimental.pallas import tpu_sc as plsc

N = 8_000_000
NG = 4
NBINS = 51
NQ = NBINS - 1
NC = 2
NS = 16
NW = NC * NS
PERW = N // NW
CH = 10_000
NCHUNK = PERW // CH
CHH = 5_008

H1 = NG * 16384
H1P = H1 + 128
H1S = H1P // NS
S2 = NG * 128
H2 = S2 * 512
H2P = H2 + 128
H2S = H2P // NS
BIG = 2**31 - 1

@functools.cache
def _mesh():
    return plsc.VectorSubcoreMesh(
        core_axis_name="c", subcore_axis_name="s",
        num_cores=NC, num_subcores=NS)


def _key_u32(xk):
    b = lax.bitcast_convert_type(xk, jnp.uint32)
    flip = jnp.where(b >= jnp.uint32(0x80000000),
                     jnp.uint32(0xFFFFFFFF), jnp.uint32(0x80000000))
    return b ^ flip


def _fill(ref, nelem, value, dtype):
    def body(i, _):
        ref[pl.ds(i * 16, 16)] = jnp.full((16,), value, dtype)
        return 0
    lax.fori_loop(0, nelem // 16, body, 0)


def _byte_lookup(words_ref, cell):
    w = plsc.load_gather(words_ref, [cell >> 2])
    return (w >> ((cell & 3) * 8)) & 255


def _p1_body(x_hbm, g_hbm, out_hbm, xv, gv, idxv, onesv, spm):
    c = lax.axis_index("c")
    s = lax.axis_index("s")
    wid = s * NC + c
    dump = H1 + s * 8
    _fill(idxv, CH, 0, jnp.int32)
    pltpu.sync_copy(idxv.at[pl.ds(0, H1S)], spm.at[pl.ds(s * H1S, H1S)])
    _fill(onesv, CH, 1, jnp.int32)
    plsc.subcore_barrier()

    def chunk(j, _):
        base = wid * PERW + j * CH
        pltpu.sync_copy(x_hbm.at[pl.ds(base, CH)], xv)
        pltpu.sync_copy(g_hbm.at[pl.ds(base, CH)], gv)

        @plsc.parallel_loop(0, CH // 16, unroll=4)
        def inner(i):
            xk = xv[pl.ds(i * 16, 16)]
            gk = gv[pl.ds(i * 16, 16)]
            key = _key_u32(xk)
            cell = gk * 16384 + (key >> jnp.uint32(18)).astype(jnp.int32)
            cell = jnp.where(xk == 0.0, dump, cell)
            idxv[pl.ds(i * 16, 16)] = cell
        pltpu.sync_copy(onesv, spm.at[idxv], add=True)
        return 0
    lax.fori_loop(0, NCHUNK, chunk, 0)
    plsc.subcore_barrier()
    pltpu.sync_copy(spm.at[pl.ds(s * H1S, H1S)], idxv.at[pl.ds(0, H1S)])
    pltpu.sync_copy(idxv.at[pl.ds(0, H1S)],
                    out_hbm.at[pl.ds(c * H1P + s * H1S, H1S)])


def _p2_body(x_hbm, g_hbm, m16_hbm, out_hbm, xv, gv, idxv, onesv, m16v, spm):
    c = lax.axis_index("c")
    s = lax.axis_index("s")
    wid = s * NC + c
    dump = H2 + s * 8
    pltpu.sync_copy(m16_hbm, m16v)
    _fill(idxv, CH, 0, jnp.int32)
    for off, sz in ((0, CH), (CH, H2S - CH)):
        pltpu.sync_copy(idxv.at[pl.ds(0, sz)],
                        spm.at[pl.ds(s * H2S + off, sz)])
    _fill(onesv, CH, 1, jnp.int32)
    plsc.subcore_barrier()

    def chunk(j, _):
        base = wid * PERW + j * CH
        pltpu.sync_copy(x_hbm.at[pl.ds(base, CH)], xv)
        pltpu.sync_copy(g_hbm.at[pl.ds(base, CH)], gv)

        @plsc.parallel_loop(0, CH // 16, unroll=4)
        def inner(i):
            xk = xv[pl.ds(i * 16, 16)]
            gk = gv[pl.ds(i * 16, 16)]
            key = _key_u32(xk)
            c14 = gk * 16384 + (key >> jnp.uint32(18)).astype(jnp.int32)
            v = _byte_lookup(m16v, c14)
            valid = (xk != 0.0) & (v > 0)
            gslot = gk * 128 + v - 1
            cell = gslot * 512 + ((key >> jnp.uint32(9)).astype(jnp.int32) & 511)
            idxv[pl.ds(i * 16, 16)] = jnp.where(valid, cell, dump)
        pltpu.sync_copy(onesv, spm.at[idxv], add=True)
        return 0
    lax.fori_loop(0, NCHUNK, chunk, 0)
    plsc.subcore_barrier()
    for off, sz in ((0, 8192), (8192, H2S - 8192)):
        pltpu.sync_copy(spm.at[pl.ds(s * H2S + off, sz)], idxv.at[pl.ds(0, sz)])
        pltpu.sync_copy(idxv.at[pl.ds(0, sz)],
                        out_hbm.at[pl.ds(c * H2P + s * H2S + off, sz)])


def _p3_body(x_hbm, g_hbm, m16_hbm, m24_hbm, out_hbm,
             xv, gv, idxv, onesv, m16v, m24v, spm):
    c = lax.axis_index("c")
    s = lax.axis_index("s")
    wid = s * NC + c
    dump = H2 + s * 8
    pieces = ((0, CHH), (CHH, CHH), (2 * CHH, CHH), (3 * CHH, H2S - 3 * CHH))
    pltpu.sync_copy(m16_hbm, m16v)
    pltpu.sync_copy(m24_hbm, m24v)
    _fill(idxv, CHH, 0, jnp.int32)
    for off, sz in pieces:
        pltpu.sync_copy(idxv.at[pl.ds(0, sz)],
                        spm.at[pl.ds(s * H2S + off, sz)])
    _fill(onesv, CHH, 1, jnp.int32)
    plsc.subcore_barrier()

    def chunk(j, _):
        base = wid * PERW + j * CH
        for off, n in ((0, CHH), (CHH, CH - CHH)):
            pltpu.sync_copy(x_hbm.at[pl.ds(base + off, n)], xv.at[pl.ds(0, n)])
            pltpu.sync_copy(g_hbm.at[pl.ds(base + off, n)], gv.at[pl.ds(0, n)])

            @plsc.parallel_loop(0, n // 16, unroll=4)
            def inner(i):
                xk = xv[pl.ds(i * 16, 16)]
                gk = gv[pl.ds(i * 16, 16)]
                key = _key_u32(xk)
                c14 = gk * 16384 + (key >> jnp.uint32(18)).astype(jnp.int32)
                v = _byte_lookup(m16v, c14)
                valid = (xk != 0.0) & (v > 0)
                gslot = gk * 128 + v - 1
                c23 = gslot * 512 + ((key >> jnp.uint32(9)).astype(jnp.int32)
                                     & 511)
                v3 = _byte_lookup(m24v, jnp.where(valid, c23, 0))
                valid = valid & (v3 > 0)
                gslot3 = gk * 128 + v3 - 1
                cell = gslot3 * 512 + (key.astype(jnp.int32) & 511)
                idxv[pl.ds(i * 16, 16)] = jnp.where(valid, cell, dump)
            if n < CHH:
                idxv[pl.ds(CH - CHH, 16)] = jnp.zeros((16,), jnp.int32) + dump
            pltpu.sync_copy(onesv, spm.at[idxv], add=True)
        return 0
    lax.fori_loop(0, NCHUNK, chunk, 0)
    plsc.subcore_barrier()
    for off, sz in pieces:
        pltpu.sync_copy(spm.at[pl.ds(s * H2S + off, sz)], idxv.at[pl.ds(0, sz)])
        pltpu.sync_copy(idxv.at[pl.ds(0, sz)],
                        out_hbm.at[pl.ds(c * H2P + s * H2S + off, sz)])


NR = 208


def _p4_body(x_hbm, g_hbm, l1_hbm, l2_hbm, l3_hbm, out_hbm,
             xv, gv, outv, l1v, l2v, l3v):
    c = lax.axis_index("c")
    s = lax.axis_index("s")
    wid = s * NC + c
    pltpu.sync_copy(l1_hbm, l1v)
    pltpu.sync_copy(l2_hbm, l2v)
    pltpu.sync_copy(l3_hbm, l3v)

    def chunk(j, _):
        base = wid * PERW + j * CH
        pltpu.sync_copy(x_hbm.at[pl.ds(base, CH)], xv)
        pltpu.sync_copy(g_hbm.at[pl.ds(base, CH)], gv)

        @plsc.parallel_loop(0, CH // 16, unroll=4)
        def inner(i):
            xk = xv[pl.ds(i * 16, 16)]
            gk = gv[pl.ds(i * 16, 16)]
            key = _key_u32(xk)
            c14 = gk * 16384 + (key >> jnp.uint32(18)).astype(jnp.int32)
            v1 = _byte_lookup(l1v, c14)
            mid = (key >> jnp.uint32(9)).astype(jnp.int32) & 511
            t2 = jnp.where(v1 > 50, (v1 - 51) * 512 + mid, 0)
            v2 = _byte_lookup(l2v, t2)
            low = key.astype(jnp.int32) & 511
            t3 = jnp.where(v2 > 50, (v2 - 51) * 512 + low, 0)
            v3 = _byte_lookup(l3v, t3)
            d = jnp.where(v1 <= 50, v1, jnp.where(v2 <= 50, v2, v3))
            outv[pl.ds(i * 16, 16)] = jnp.where(xk != 0.0, d, 0)
        pltpu.sync_copy(outv, out_hbm.at[pl.ds(base, CH)])
        return 0
    lax.fori_loop(0, NCHUNK, chunk, 0)


@functools.cache
def _kernels():
    i32 = jnp.int32
    cp = pltpu.CompilerParams(needs_layout_passes=False)
    p1 = pl.kernel(
        _p1_body,
        out_type=jax.ShapeDtypeStruct((NC * H1P,), i32),
        mesh=_mesh(),
        compiler_params=cp,
        scratch_types=[pltpu.VMEM((CH,), jnp.float32), pltpu.VMEM((CH,), i32),
                       pltpu.VMEM((CH,), i32), pltpu.VMEM((CH,), i32),
                       pltpu.VMEM_SHARED((H1P,), i32)])
    p2 = pl.kernel(
        _p2_body,
        out_type=jax.ShapeDtypeStruct((NC * H2P,), i32),
        mesh=_mesh(),
        compiler_params=cp,
        scratch_types=[pltpu.VMEM((CH,), jnp.float32), pltpu.VMEM((CH,), i32),
                       pltpu.VMEM((CH,), i32), pltpu.VMEM((CH,), i32),
                       pltpu.VMEM((H1 // 4,), i32),
                       pltpu.VMEM_SHARED((H2P,), i32)])
    p3 = pl.kernel(
        _p3_body,
        out_type=jax.ShapeDtypeStruct((NC * H2P,), i32),
        mesh=_mesh(),
        compiler_params=cp,
        scratch_types=[pltpu.VMEM((CHH,), jnp.float32), pltpu.VMEM((CHH,), i32),
                       pltpu.VMEM((CHH,), i32), pltpu.VMEM((CHH,), i32),
                       pltpu.VMEM((H1 // 4,), i32), pltpu.VMEM((H2 // 4,), i32),
                       pltpu.VMEM_SHARED((H2P,), i32)])
    p4 = pl.kernel(
        _p4_body,
        out_type=jax.ShapeDtypeStruct((N,), i32),
        mesh=_mesh(),
        compiler_params=cp,
        scratch_types=[pltpu.VMEM((CH,), jnp.float32), pltpu.VMEM((CH,), i32),
                       pltpu.VMEM((CH,), i32), pltpu.VMEM((NG * 4096,), i32),
                       pltpu.VMEM((NR * 128,), i32),
                       pltpu.VMEM((NR * 128,), i32)])
    return p1, p2, p3, p4


def _unique_pad128(vals):
    sv = jnp.sort(vals, axis=1)
    first = jnp.concatenate(
        [jnp.ones((NG, 1), bool), sv[:, 1:] > sv[:, :-1]], axis=1)
    us = jnp.sort(jnp.where(first, sv, BIG), axis=1)
    cells = jnp.concatenate(
        [us, jnp.full((NG, 128 - 2 * NQ), BIG, jnp.int32)], axis=1)
    slot = _count_lt(cells, vals)
    return cells, slot


def _pack_bytes(b):
    m = b.reshape(-1, 4)
    return m[:, 0] | (m[:, 1] << 8) | (m[:, 2] << 16) | (m[:, 3] << 24)


def _count_lt(rows, q):
    return (rows[:, :, None] < q[:, None, :]).sum(1, dtype=jnp.int32)


def _count_le(rows, q):
    return (rows[:, :, None] <= q[:, None, :]).sum(1, dtype=jnp.int32)


def _digit_tables(bins):
    eb = lax.bitcast_convert_type(bins, jnp.uint32)
    ekeys = jnp.sort(jnp.where(eb >= jnp.uint32(0x80000000),
                               jnp.uint32(0xFFFFFFFF),
                               jnp.uint32(0x80000000)) ^ eb, axis=1)

    b14 = jnp.broadcast_to(jnp.arange(16384, dtype=jnp.uint32)
                           << jnp.uint32(18), (NG, 16384))
    base1 = _count_lt(ekeys, b14)
    cnt1 = _count_le(ekeys, b14 + jnp.uint32(0x3FFFF)) - base1
    amb1 = (cnt1 > 0).reshape(-1)
    rs1 = jnp.cumsum(amb1.astype(jnp.int32)) - 1
    l1 = jnp.where(amb1, 51 + jnp.clip(rs1, 0, NR - 8), base1.reshape(-1))

    flat = jnp.arange(NG * 16384, dtype=jnp.int32)
    gb = -lax.top_k(-jnp.where(amb1, flat, BIG - NR), NR)[0]
    gb = jnp.clip(gb, 0, NG * 16384 - 1)
    g1, b1b = gb // 16384, gb % 16384

    mids = jnp.arange(512, dtype=jnp.uint32) << jnp.uint32(9)
    qk2 = (b1b.astype(jnp.uint32) << jnp.uint32(18))[:, None] + mids[None, :]
    ek2 = ekeys[g1]
    base2 = _count_lt(ek2, qk2)
    cnt2 = _count_le(ek2, qk2 + jnp.uint32(0x1FF)) - base2
    amb2 = (cnt2 > 0).reshape(-1)
    rs2 = jnp.cumsum(amb2.astype(jnp.int32)) - 1
    l2 = jnp.where(amb2, 51 + jnp.clip(rs2, 0, NR - 8), base2.reshape(-1))

    flat2 = jnp.arange(NR * 512, dtype=jnp.int32)
    sel2 = -lax.top_k(-jnp.where(amb2, flat2, BIG - NR), NR)[0]
    sel2 = jnp.clip(sel2, 0, NR * 512 - 1)
    qk3 = qk2.reshape(-1)[sel2]
    g2 = g1[sel2 // 512]
    lows = jnp.arange(512, dtype=jnp.uint32)
    fk = qk3[:, None] + lows[None, :]
    l3 = _count_le(ekeys[g2], fk).reshape(-1)

    return _pack_bytes(l1), _pack_bytes(l2), _pack_bytes(l3)


def _pack_map(total, idx, valid):
    vals = jnp.where(valid, jnp.arange(1, 129, dtype=jnp.int32)[None, :], 0)
    safe = jnp.where(valid, idx, total).reshape(-1)
    m = jnp.zeros((total + 8,), jnp.int32).at[safe].set(vals.reshape(-1))
    m = m[:total].reshape(-1, 4)
    return m[:, 0] | (m[:, 1] << 8) | (m[:, 2] << 16) | (m[:, 3] << 24)


def _rank_step(csum_rows, ranks):
    nb = csum_rows.shape[1]
    b = jnp.clip(_count_le(csum_rows, ranks), 0, nb - 1)
    prev = jnp.take_along_axis(csum_rows, jnp.clip(b - 1, 0, nb - 1), axis=1)
    prev = jnp.where(b > 0, prev, 0)
    return b, ranks - prev


def kernel(x, group):
    p1, p2, p3, p4 = _kernels()

    h1 = p1(x, group)
    h1 = h1.reshape(NC, H1P)[:, :H1].sum(0).reshape(NG, H1 // NG)
    csum1 = jnp.cumsum(h1, axis=1)
    n_g = csum1[:, -1]

    qs = jnp.linspace(0.0, 1.0, NBINS - 1)
    pos = qs[None, :] * jnp.maximum(n_g - 1, 0).astype(jnp.float32)[:, None]
    lo = jnp.clip(jnp.floor(pos).astype(jnp.int32), 0, N - 1)
    hi = jnp.clip(jnp.ceil(pos).astype(jnp.int32), 0, N - 1)
    frac = pos - jnp.floor(pos)
    ranks = jnp.stack([lo, hi], axis=-1).reshape(NG, 2 * NQ)

    b1, r1 = _rank_step(csum1, ranks)
    cells2, slot2 = _unique_pad128(b1)
    gslot = jnp.arange(NG, dtype=jnp.int32)[:, None] * 128 + slot2
    m16 = _pack_map(H1, jnp.arange(NG, dtype=jnp.int32)[:, None] * 16384 + cells2,
                    cells2 < BIG)

    h2 = p2(x, group, m16)
    h2 = h2.reshape(NC, H2P)[:, :H2].sum(0).reshape(S2, 512)
    csum2 = jnp.cumsum(h2, axis=1)
    rows2 = csum2[gslot.reshape(-1)]
    b2, r2 = _rank_step(rows2, r1.reshape(-1)[:, None])
    b2, r2 = b2[:, 0], r2[:, 0]

    cell24 = (gslot.reshape(-1) * 512 + b2).reshape(NG, 2 * NQ)
    cells3, slot3 = _unique_pad128(cell24)
    gslot3 = jnp.arange(NG, dtype=jnp.int32)[:, None] * 128 + slot3
    m24 = _pack_map(H2, cells3, cells3 < BIG)

    h3 = p3(x, group, m16, m24)
    h3 = h3.reshape(NC, H2P)[:, :H2].sum(0).reshape(S2, 512)
    csum3 = jnp.cumsum(h3, axis=1)
    rows3 = csum3[gslot3.reshape(-1)]
    b3, _ = _rank_step(rows3, r2[:, None])
    b3 = b3[:, 0]

    keyfull = ((b1.reshape(-1).astype(jnp.uint32) << jnp.uint32(18))
               | (b2.astype(jnp.uint32) << jnp.uint32(9))
               | b3.astype(jnp.uint32))
    fb = jnp.where(keyfull >= jnp.uint32(0x80000000),
                   keyfull ^ jnp.uint32(0x80000000), ~keyfull)
    svals = lax.bitcast_convert_type(fb, jnp.float32).reshape(NG, NQ, 2)
    s_lo, s_hi = svals[:, :, 0], svals[:, :, 1]
    bins = s_lo * (1.0 - frac) + s_hi * frac
    l1, l2, l3 = _digit_tables(bins)
    return p4(x, group, l1, l2, l3)

# --- scband reference (transcript-rebuilt; emitter-appended) ---
"""Pipeline reference for scband-binning-transform-18433999634855 (READ-ONLY COPY).

The authoritative reference and input builder live on the scoring server;
editing this copy changes nothing except your own understanding.
"""

import jax, jax.numpy as jnp
import numpy as np

N = 8000000
N_GROUPS = 4
N_BINS = 51

def setup_inputs(seed: int = 0) -> dict:
    key = jax.random.key(seed)
    k1, k2 = jax.random.split(key)
    x = jax.random.normal(k1, (N,), dtype=jnp.float32)
    group = jax.random.randint(k2, (N,), 0, N_GROUPS, dtype=jnp.int32)
    return {"x": x, "group": group}

def reference(x, group):
    # Faithful translation of BinningTransform.forward for item[from_key]=x,
    # item[group_key]=group. Groups are known to lie in [0, N_GROUPS).
    qs = jnp.linspace(0.0, 1.0, N_BINS - 1)
    n_total = x.shape[0]
    out = jnp.zeros((n_total,), dtype=jnp.int32)
    for g in range(N_GROUPS):
        gmask = group == g
        nzmask = gmask & (x != 0)
        # sort group's nonzero values to the front (others -> +inf at the end)
        vals = jnp.where(nzmask, x, jnp.inf)
        s = jnp.sort(vals)
        n = nzmask.sum()
        # np.quantile with linear interpolation: pos = q * (n - 1)
        pos = qs * jnp.maximum(n - 1, 0).astype(jnp.float32)
        lo = jnp.clip(jnp.floor(pos).astype(jnp.int32), 0, n_total - 1)
        hi = jnp.clip(jnp.ceil(pos).astype(jnp.int32), 0, n_total - 1)
        frac = pos - jnp.floor(pos)
        bins = s[lo] * (1.0 - frac) + s[hi] * frac
        # np.digitize(x, bins): index i such that bins[i-1] <= x < bins[i]
        digits = jnp.digitize(x, bins)
        binned_row = jnp.where(nzmask, digits, 0).astype(jnp.int32)
        out = jnp.where(gmask, binned_row, out)
    return out

if __name__ == "__main__":
    import jax
    _d = setup_inputs()
    print(jax.jit(kernel)(*tuple(_d.values())))

</pallas_src>

<mosaic_0001>
#map = affine_map<(d0, d1) -> (0)>
module attributes {stable_mosaic.version = 14 : i64} {
  func.func @_p1_body(%arg0: i32, %arg1: i32, %arg2: memref<8000000xf32, #tpu.memory_space<hbm>>, %arg3: memref<8000000xi32, #tpu.memory_space<hbm>>, %arg4: memref<131328xi32, #tpu.memory_space<hbm>>, %arg5: memref<10000xf32, #tpu.memory_space<vmem>>, %arg6: memref<10000xi32, #tpu.memory_space<vmem>>, %arg7: memref<10000xi32, #tpu.memory_space<vmem>>, %arg8: memref<10000xi32, #tpu.memory_space<vmem>>, %arg9: memref<65664xi32, #tpu.memory_space<vmem_shared>>) attributes {dimension_semantics = [#tpu.dimension_semantics<core_parallel>, #tpu.dimension_semantics<subcore_parallel>], iteration_bounds = array<i64: 2, 16>, scalar_prefetch = 0 : i64, scratch_operands = 5 : i64, tpu.core_type = #tpu.core_type<sc_vector_subcore>, window_params = [{transform_indices = #map}, {transform_indices = #map}, {transform_indices = #map}]} {
    %mul3A = arith.constant 2 : i32
    %mul3A_0 = arith.muli %arg1, %mul3A : i32
    %add3A = arith.addi %mul3A_0, %arg0 : i32
    %mul3A_1 = arith.constant 8 : i32
    %mul3A_2 = arith.muli %arg1, %mul3A_1 : i32
    %add3A_3 = arith.constant 65536 : i32
    %add3A_4 = arith.addi %add3A_3, %mul3A_2 : i32
    %scan3A = arith.constant 0 : i32
    %scan3A_5 = arith.constant 0 : i32
    %scan3A_6 = arith.constant 625 : i32
    %scan3A_7 = arith.addi %scan3A_5, %scan3A_6 : i32
    %scan3A_8 = arith.constant 1 : i32
    %scan3A_9 = scf.for %scan3A_35 = %scan3A_5 to %scan3A_7 step %scan3A_8 iter_args(%scan3A_36 = %scan3A) -> (i32)  : i32 {
      %broadcast_in_dim3A = arith.constant 0 : i32
      %broadcast_in_dim3A_37 = vector.broadcast %broadcast_in_dim3A : i32 to vector<16xi32>
      %mul3A_38 = arith.constant 16 : i32
      %mul3A_39 = arith.muli %scan3A_35, %mul3A_38 : i32
      %swap3A = arith.index_cast %mul3A_39 : i32 to index
      %swap3A_40 = tpu.vector_load %arg7[%swap3A] {strides = array<i32>} : memref<10000xi32, #tpu.memory_space<vmem>>, vector<16xi32>,
      tpu.vector_store %arg7[%swap3A], %broadcast_in_dim3A_37 {strides = array<i32>} : memref<10000xi32, #tpu.memory_space<vmem>>, vector<16xi32>,
      %scan3A_41 = arith.constant 0 : i32
      scf.yield %scan3A_41 : i32
    }
    %scan3A_10 = arith.constant 625 : i32
    %mul3A_11 = arith.constant 4104 : i32
    %mul3A_12 = arith.muli %arg1, %mul3A_11 : i32
    "tpu.region"() ({
      %run_scoped3A = tpu.sem_alloc : memref<!tpu.dma_semaphore, #tpu.memory_space<semaphore_mem>>
      %dma_start3A = arith.constant 0 : i32
      %dma_start3A_35 = tpu.memref_slice %arg7[%dma_start3A] : memref<10000xi32, #tpu.memory_space<vmem>> -> memref<4104xi32, #tpu.memory_space<vmem>>
      %dma_start3A_36 = tpu.memref_slice %arg9[%mul3A_12] : memref<65664xi32, #tpu.memory_space<vmem_shared>> -> memref<4104xi32, #tpu.memory_space<vmem_shared>>
      %dma_start3A_37 = tpu.memref_slice %arg9[%mul3A_12] : memref<65664xi32, #tpu.memory_space<vmem_shared>> -> memref<4104xi32, #tpu.memory_space<vmem_shared>>
      %dma_start3A_38 = arith.constant 0 : i32
      %dma_start3A_39 = tpu.memref_slice %arg7[%dma_start3A_38] : memref<10000xi32, #tpu.memory_space<vmem>> -> memref<4104xi32, #tpu.memory_space<vmem>>
      tpu.enqueue_dma source(%dma_start3A_39 : memref<4104xi32, #tpu.memory_space<vmem>>) target(%dma_start3A_37 : memref<4104xi32, #tpu.memory_space<vmem_shared>>) target_semaphore(%run_scoped3A : memref<!tpu.dma_semaphore, #tpu.memory_space<semaphore_mem>>)
      %dma_wait3A = arith.constant 0 : i32
      %dma_wait3A_40 = tpu.memref_slice %arg7[%dma_wait3A] : memref<10000xi32, #tpu.memory_space<vmem>> -> memref<4104xi32, #tpu.memory_space<vmem>>
      %dma_wait3A_41 = tpu.memref_slice %arg9[%mul3A_12] : memref<65664xi32, #tpu.memory_space<vmem_shared>> -> memref<4104xi32, #tpu.memory_space<vmem_shared>>
      %dma_wait3A_42 = tpu.memref_slice %arg9[%mul3A_12] : memref<65664xi32, #tpu.memory_space<vmem_shared>> -> memref<4104xi32, #tpu.memory_space<vmem_shared>>
      %dma_wait3A_43 = arith.constant 0 : i32
      %dma_wait3A_44 = tpu.memref_slice %arg7[%dma_wait3A_43] : memref<10000xi32, #tpu.memory_space<vmem>> -> memref<4104xi32, #tpu.memory_space<vmem>>
      tpu.wait_dma2 semaphore(%run_scoped3A : memref<!tpu.dma_semaphore, #tpu.memory_space<semaphore_mem>>) src(%dma_wait3A_44 : memref<4104xi32, #tpu.memory_space<vmem>>) dst(%dma_wait3A_42 : memref<4104xi32, #tpu.memory_space<vmem_shared>>)
      tpu.yield
    }) : () -> ()
    %scan3A_13 = arith.constant 0 : i32
    %scan3A_14 = arith.constant 0 : i32
    %scan3A_15 = arith.constant 625 : i32
    %scan3A_16 = arith.addi %scan3A_14, %scan3A_15 : i32
    %scan3A_17 = arith.constant 1 : i32
    %scan3A_18 = scf.for %scan3A_35 = %scan3A_14 to %scan3A_16 step %scan3A_17 iter_args(%scan3A_36 = %scan3A_13) -> (i32)  : i32 {
      %broadcast_in_dim3A = arith.constant 1 : i32
      %broadcast_in_dim3A_37 = vector.broadcast %broadcast_in_dim3A : i32 to vector<16xi32>
      %mul3A_38 = arith.constant 16 : i32
      %mul3A_39 = arith.muli %scan3A_35, %mul3A_38 : i32
      %swap3A = arith.index_cast %mul3A_39 : i32 to index
      %swap3A_40 = tpu.vector_load %arg8[%swap3A] {strides = array<i32>} : memref<10000xi32, #tpu.memory_space<vmem>>, vector<16xi32>,
      tpu.vector_store %arg8[%swap3A], %broadcast_in_dim3A_37 {strides = array<i32>} : memref<10000xi32, #tpu.memory_space<vmem>>, vector<16xi32>,
      %scan3A_41 = arith.constant 0 : i32
      scf.yield %scan3A_41 : i32
    }
    %scan3A_19 = arith.constant 625 : i32
    %barrier3A = arith.constant 0 : index
    tpu.barrier barrier_id(%barrier3A)
    %scan3A_20 = arith.constant 0 : i32
    %scan3A_21 = arith.constant 0 : i32
    %scan3A_22 = arith.constant 25 : i32
    %scan3A_23 = arith.addi %scan3A_21, %scan3A_22 : i32
    %scan3A_24 = arith.constant 1 : i32
    %scan3A_25 = scf.for %scan3A_35 = %scan3A_21 to %scan3A_23 step %scan3A_24 iter_args(%scan3A_36 = %scan3A_20) -> (i32)  : i32 {
      %mul3A_37 = arith.constant 250000 : i32
      %mul3A_38 = arith.muli %add3A, %mul3A_37 : i32
      %mul3A_39 = arith.constant 10000 : i32
      %mul3A_40 = arith.muli %scan3A_35, %mul3A_39 : i32
      %add3A_41 = arith.addi %mul3A_38, %mul3A_40 : i32
      "tpu.region"() ({
        %run_scoped3A = tpu.sem_alloc : memref<!tpu.dma_semaphore, #tpu.memory_space<semaphore_mem>>
        %dma_start3A = tpu.memref_slice %arg2[%add3A_41] : memref<8000000xf32, #tpu.memory_space<hbm>> -> memref<10000xf32, #tpu.memory_space<hbm>>
        %dma_start3A_45 = tpu.memref_slice %arg2[%add3A_41] : memref<8000000xf32, #tpu.memory_space<hbm>> -> memref<10000xf32, #tpu.memory_space<hbm>>
        tpu.enqueue_dma source(%dma_start3A_45 : memref<10000xf32, #tpu.memory_space<hbm>>) target(%arg5 : memref<10000xf32, #tpu.memory_space<vmem>>) target_semaphore(%run_scoped3A : memref<!tpu.dma_semaphore, #tpu.memory_space<semaphore_mem>>)
        %dma_wait3A = tpu.memref_slice %arg2[%add3A_41] : memref<8000000xf32, #tpu.memory_space<hbm>> -> memref<10000xf32, #tpu.memory_space<hbm>>
        %dma_wait3A_46 = tpu.memref_slice %arg2[%add3A_41] : memref<8000000xf32, #tpu.memory_space<hbm>> -> memref<10000xf32, #tpu.memory_space<hbm>>
        tpu.wait_dma2 semaphore(%run_scoped3A : memref<!tpu.dma_semaphore, #tpu.memory_space<semaphore_mem>>) src(%dma_wait3A_46 : memref<10000xf32, #tpu.memory_space<hbm>>) dst(%arg5 : memref<10000xf32, #tpu.memory_space<vmem>>)
        tpu.yield
      }) : () -> ()
      "tpu.region"() ({
        %run_scoped3A = tpu.sem_alloc : memref<!tpu.dma_semaphore, #tpu.memory_space<semaphore_mem>>
        %dma_start3A = tpu.memref_slice %arg3[%add3A_41] : memref<8000000xi32, #tpu.memory_space<hbm>> -> memref<10000xi32, #tpu.memory_space<hbm>>
        %dma_start3A_45 = tpu.memref_slice %arg3[%add3A_41] : memref<8000000xi32, #tpu.memory_space<hbm>> -> memref<10000xi32, #tpu.memory_space<hbm>>
        tpu.enqueue_dma source(%dma_start3A_45 : memref<10000xi32, #tpu.memory_space<hbm>>) target(%arg6 : memref<10000xi32, #tpu.memory_space<vmem>>) target_semaphore(%run_scoped3A : memref<!tpu.dma_semaphore, #tpu.memory_space<semaphore_mem>>)
        %dma_wait3A = tpu.memref_slice %arg3[%add3A_41] : memref<8000000xi32, #tpu.memory_space<hbm>> -> memref<10000xi32, #tpu.memory_space<hbm>>
        %dma_wait3A_46 = tpu.memref_slice %arg3[%add3A_41] : memref<8000000xi32, #tpu.memory_space<hbm>> -> memref<10000xi32, #tpu.memory_space<hbm>>
        tpu.wait_dma2 semaphore(%run_scoped3A : memref<!tpu.dma_semaphore, #tpu.memory_space<semaphore_mem>>) src(%dma_wait3A_46 : memref<10000xi32, #tpu.memory_space<hbm>>) dst(%arg6 : memref<10000xi32, #tpu.memory_space<vmem>>)
        tpu.yield
      }) : () -> ()
      %parallel_loop3A = arith.constant 0 : i32
      %parallel_loop3A_42 = arith.constant 625 : i32
      %parallel_loop3A_43 = arith.constant 1 : i32
      scf.for %parallel_loop3A_45 = %parallel_loop3A to %parallel_loop3A_42 step %parallel_loop3A_43  : i32 {
        %parallel_loop3A_46 = arith.constant 16 : i32
        %parallel_loop3A_47 = arith.muli %parallel_loop3A_45, %parallel_loop3A_46 : i32
        %parallel_loop3A_48 = arith.index_cast %parallel_loop3A_47 : i32 to index
        %parallel_loop3A_49 = tpu.vector_load %arg5[%parallel_loop3A_48] {strides = array<i32>} : memref<10000xf32, #tpu.memory_space<vmem>>, vector<16xf32>,
        %parallel_loop3A_50 = arith.constant 16 : i32
        %parallel_loop3A_51 = arith.muli %parallel_loop3A_45, %parallel_loop3A_50 : i32
        %parallel_loop3A_52 = arith.index_cast %parallel_loop3A_51 : i32 to index
        %parallel_loop3A_53 = tpu.vector_load %arg6[%parallel_loop3A_52] {strides = array<i32>} : memref<10000xi32, #tpu.memory_space<vmem>>, vector<16xi32>,
        %parallel_loop3A_54 = tpu.bitcast %parallel_loop3A_49 : vector<16xf32> -> vector<16xi32>
        %parallel_loop3A_55 = arith.constant -2147483648 : i32
        %parallel_loop3A_56 = vector.broadcast %parallel_loop3A_55 : i32 to vector<16xi32>
        %parallel_loop3A_57 = arith.cmpi uge, %parallel_loop3A_54, %parallel_loop3A_56 : vector<16xi32>
        %parallel_loop3A_58 = arith.constant -1 : i32
        %parallel_loop3A_59 = arith.constant -2147483648 : i32
        %parallel_loop3A_60 = vector.broadcast %parallel_loop3A_58 : i32 to vector<16xi32>
        %parallel_loop3A_61 = vector.broadcast %parallel_loop3A_59 : i32 to vector<16xi32>
        %parallel_loop3A_62 = arith.select %parallel_loop3A_57, %parallel_loop3A_60, %parallel_loop3A_61 : vector<16xi1>, vector<16xi32>
        %parallel_loop3A_63 = arith.xori %parallel_loop3A_54, %parallel_loop3A_62 : vector<16xi32>
        %parallel_loop3A_64 = arith.constant 16384 : i32
        %parallel_loop3A_65 = vector.broadcast %parallel_loop3A_64 : i32 to vector<16xi32>
        %parallel_loop3A_66 = arith.muli %parallel_loop3A_53, %parallel_loop3A_65 : vector<16xi32>
        %parallel_loop3A_67 = arith.constant 18 : i32
        %parallel_loop3A_68 = vector.broadcast %parallel_loop3A_67 : i32 to vector<16xi32>
        %parallel_loop3A_69 = arith.shrui %parallel_loop3A_63, %parallel_loop3A_68 : vector<16xi32>
        %parallel_loop3A_70 = arith.addi %parallel_loop3A_66, %parallel_loop3A_69 : vector<16xi32>
        %parallel_loop3A_71 = arith.constant 0.000000e+00 : f32
        %parallel_loop3A_72 = vector.broadcast %parallel_loop3A_71 : f32 to vector<16xf32>
        %parallel_loop3A_73 = arith.cmpf oeq, %parallel_loop3A_49, %parallel_loop3A_72 : vector<16xf32>
        %parallel_loop3A_74 = vector.broadcast %add3A_4 : i32 to vector<16xi32>
        %parallel_loop3A_75 = arith.select %parallel_loop3A_73, %parallel_loop3A_74, %parallel_loop3A_70 : vector<16xi1>, vector<16xi32>
        %parallel_loop3A_76 = arith.constant 16 : i32
        %parallel_loop3A_77 = arith.muli %parallel_loop3A_45, %parallel_loop3A_76 : i32
        %parallel_loop3A_78 = arith.index_cast %parallel_loop3A_77 : i32 to index
        %parallel_loop3A_79 = tpu.vector_load %arg7[%parallel_loop3A_78] {strides = array<i32>} : memref<10000xi32, #tpu.memory_space<vmem>>, vector<16xi32>,
        tpu.vector_store %arg7[%parallel_loop3A_78], %parallel_loop3A_75 {strides = array<i32>} : memref<10000xi32, #tpu.memory_space<vmem>>, vector<16xi32>,
      } {sc.loop_unroll_factor = 4 : i64, sc.parallel_access}
      "tpu.region"() ({
        %run_scoped3A = tpu.sem_alloc : memref<!tpu.dma_semaphore, #tpu.memory_space<semaphore_mem>>
        %dma_start3A = arith.constant 0 : i32
        %dma_start3A_45 = tpu.memref_slice %arg9[%dma_start3A] : memref<65664xi32, #tpu.memory_space<vmem_shared>> -> memref<65664xi32, #tpu.memory_space<vmem_shared>>
        tpu.enqueue_indirect_dma source(%arg8 : memref<10000xi32, #tpu.memory_space<vmem>>) target(%dma_start3A_45 : memref<65664xi32, #tpu.memory_space<vmem_shared>>) offsets(%arg7 : memref<10000xi32, #tpu.memory_space<vmem>>) semaphore(%run_scoped3A : memref<!tpu.dma_semaphore, #tpu.memory_space<semaphore_mem>>) {add = true}
        %dma_wait3A = arith.constant 0 : i32
        %dma_wait3A_46 = tpu.memref_slice %arg9[%dma_wait3A] : memref<65664xi32, #tpu.memory_space<vmem_shared>> -> memref<65664xi32, #tpu.memory_space<vmem_shared>>
        tpu.wait_indirect_dma semaphore(%run_scoped3A : memref<!tpu.dma_semaphore, #tpu.memory_space<semaphore_mem>>) src(%arg8 : memref<10000xi32, #tpu.memory_space<vmem>>) dst(%dma_wait3A_46 : memref<65664xi32, #tpu.memory_space<vmem_shared>>)
        tpu.yield
      }) : () -> ()
      %scan3A_44 = arith.constant 0 : i32
      scf.yield %scan3A_44 : i32
    }
    %scan3A_26 = arith.constant 25 : i32
    %barrier3A_27 = arith.constant 0 : index
    tpu.barrier barrier_id(%barrier3A_27)
    %mul3A_28 = arith.constant 4104 : i32
    %mul3A_29 = arith.muli %arg1, %mul3A_28 : i32
    "tpu.region"() ({
      %run_scoped3A = tpu.sem_alloc : memref<!tpu.dma_semaphore, #tpu.memory_space<semaphore_mem>>
      %dma_start3A = arith.constant 0 : i32
      %dma_start3A_35 = tpu.memref_slice %arg7[%dma_start3A] : memref<10000xi32, #tpu.memory_space<vmem>> -> memref<4104xi32, #tpu.memory_space<vmem>>
      %dma_start3A_36 = tpu.memref_slice %arg9[%mul3A_29] : memref<65664xi32, #tpu.memory_space<vmem_shared>> -> memref<4104xi32, #tpu.memory_space<vmem_shared>>
      %dma_start3A_37 = arith.constant 0 : i32
      %dma_start3A_38 = tpu.memref_slice %arg7[%dma_start3A_37] : memref<10000xi32, #tpu.memory_space<vmem>> -> memref<4104xi32, #tpu.memory_space<vmem>>
      %dma_start3A_39 = tpu.memref_slice %arg9[%mul3A_29] : memref<65664xi32, #tpu.memory_space<vmem_shared>> -> memref<4104xi32, #tpu.memory_space<vmem_shared>>
      tpu.enqueue_dma source(%dma_start3A_39 : memref<4104xi32, #tpu.memory_space<vmem_shared>>) target(%dma_start3A_38 : memref<4104xi32, #tpu.memory_space<vmem>>) target_semaphore(%run_scoped3A : memref<!tpu.dma_semaphore, #tpu.memory_space<semaphore_mem>>)
      %dma_wait3A = arith.constant 0 : i32
      %dma_wait3A_40 = tpu.memref_slice %arg7[%dma_wait3A] : memref<10000xi32, #tpu.memory_space<vmem>> -> memref<4104xi32, #tpu.memory_space<vmem>>
      %dma_wait3A_41 = tpu.memref_slice %arg9[%mul3A_29] : memref<65664xi32, #tpu.memory_space<vmem_shared>> -> memref<4104xi32, #tpu.memory_space<vmem_shared>>
      %dma_wait3A_42 = arith.constant 0 : i32
      %dma_wait3A_43 = tpu.memref_slice %arg7[%dma_wait3A_42] : memref<10000xi32, #tpu.memory_space<vmem>> -> memref<4104xi32, #tpu.memory_space<vmem>>
      %dma_wait3A_44 = tpu.memref_slice %arg9[%mul3A_29] : memref<65664xi32, #tpu.memory_space<vmem_shared>> -> memref<4104xi32, #tpu.memory_space<vmem_shared>>
      tpu.wait_dma2 semaphore(%run_scoped3A : memref<!tpu.dma_semaphore, #tpu.memory_space<semaphore_mem>>) src(%dma_wait3A_44 : memref<4104xi32, #tpu.memory_space<vmem_shared>>) dst(%dma_wait3A_43 : memref<4104xi32, #tpu.memory_space<vmem>>)
      tpu.yield
    }) : () -> ()
    %mul3A_30 = arith.constant 65664 : i32
    %mul3A_31 = arith.muli %arg0, %mul3A_30 : i32
    %mul3A_32 = arith.constant 4104 : i32
    %mul3A_33 = arith.muli %arg1, %mul3A_32 : i32
    %add3A_34 = arith.addi %mul3A_31, %mul3A_33 : i32
    "tpu.region"() ({
      %run_scoped3A = tpu.sem_alloc : memref<!tpu.dma_semaphore, #tpu.memory_space<semaphore_mem>>
      %dma_start3A = arith.constant 0 : i32
      %dma_start3A_35 = tpu.memref_slice %arg7[%dma_start3A] : memref<10000xi32, #tpu.memory_space<vmem>> -> memref<4104xi32, #tpu.memory_space<vmem>>
      %dma_start3A_36 = tpu.memref_slice %arg4[%add3A_34] : memref<131328xi32, #tpu.memory_space<hbm>> -> memref<4104xi32, #tpu.memory_space<hbm>>
      %dma_start3A_37 = tpu.memref_slice %arg4[%add3A_34] : memref<131328xi32, #tpu.memory_space<hbm>> -> memref<4104xi32, #tpu.memory_space<hbm>>
      %dma_start3A_38 = arith.constant 0 : i32
      %dma_start3A_39 = tpu.memref_slice %arg7[%dma_start3A_38] : memref<10000xi32, #tpu.memory_space<vmem>> -> memref<4104xi32, #tpu.memory_space<vmem>>
      tpu.enqueue_dma source(%dma_start3A_39 : memref<4104xi32, #tpu.memory_space<vmem>>) target(%dma_start3A_37 : memref<4104xi32, #tpu.memory_space<hbm>>) target_semaphore(%run_scoped3A : memref<!tpu.dma_semaphore, #tpu.memory_space<semaphore_mem>>)
      %dma_wait3A = arith.constant 0 : i32
      %dma_wait3A_40 = tpu.memref_slice %arg7[%dma_wait3A] : memref<10000xi32, #tpu.memory_space<vmem>> -> memref<4104xi32, #tpu.memory_space<vmem>>
      %dma_wait3A_41 = tpu.memref_slice %arg4[%add3A_34] : memref<131328xi32, #tpu.memory_space<hbm>> -> memref<4104xi32, #tpu.memory_space<hbm>>
      %dma_wait3A_42 = tpu.memref_slice %arg4[%add3A_34] : memref<131328xi32, #tpu.memory_space<hbm>> -> memref<4104xi32, #tpu.memory_space<hbm>>
      %dma_wait3A_43 = arith.constant 0 : i32
      %dma_wait3A_44 = tpu.memref_slice %arg7[%dma_wait3A_43] : memref<10000xi32, #tpu.memory_space<vmem>> -> memref<4104xi32, #tpu.memory_space<vmem>>
      tpu.wait_dma2 semaphore(%run_scoped3A : memref<!tpu.dma_semaphore, #tpu.memory_space<semaphore_mem>>) src(%dma_wait3A_44 : memref<4104xi32, #tpu.memory_space<vmem>>) dst(%dma_wait3A_42 : memref<4104xi32, #tpu.memory_space<hbm>>)
      tpu.yield
    }) : () -> ()
    return
  }
}

#map = affine_map<(d0, d1) -> (0)>
module attributes {stable_mosaic.version = 14 : i64} {
  func.func @_p2_body(%arg0: i32, %arg1: i32, %arg2: memref<8000000xf32, #tpu.memory_space<hbm>>, %arg3: memref<8000000xi32, #tpu.memory_space<hbm>>, %arg4: memref<16384xi32, #tpu.memory_space<hbm>>, %arg5: memref<524544xi32, #tpu.memory_space<hbm>>, %arg6: memref<10000xf32, #tpu.memory_space<vmem>>, %arg7: memref<10000xi32, #tpu.memory_space<vmem>>, %arg8: memref<10000xi32, #tpu.memory_space<vmem>>, %arg9: memref<10000xi32, #tpu.memory_space<vmem>>, %arg10: memref<16384xi32, #tpu.memory_space<vmem>>, %arg11: memref<262272xi32, #tpu.memory_space<vmem_shared>>) attributes {dimension_semantics = [#tpu.dimension_semantics<core_parallel>, #tpu.dimension_semantics<subcore_parallel>], iteration_bounds = array<i64: 2, 16>, scalar_prefetch = 0 : i64, scratch_operands = 6 : i64, tpu.core_type = #tpu.core_type<sc_vector_subcore>, window_params = [{transform_indices = #map}, {transform_indices = #map}, {transform_indices = #map}, {transform_indices = #map}]} {
    %mul3A = arith.constant 2 : i32
    %mul3A_0 = arith.muli %arg1, %mul3A : i32
    %add3A = arith.addi %mul3A_0, %arg0 : i32
    %mul3A_1 = arith.constant 8 : i32
    %mul3A_2 = arith.muli %arg1, %mul3A_1 : i32
    %add3A_3 = arith.constant 262144 : i32
    %add3A_4 = arith.addi %add3A_3, %mul3A_2 : i32
    "tpu.region"() ({
      %run_scoped3A = tpu.sem_alloc : memref<!tpu.dma_semaphore, #tpu.memory_space<semaphore_mem>>
      tpu.enqueue_dma source(%arg4 : memref<16384xi32, #tpu.memory_space<hbm>>) target(%arg10 : memref<16384xi32, #tpu.memory_space<vmem>>) target_semaphore(%run_scoped3A : memref<!tpu.dma_semaphore, #tpu.memory_space<semaphore_mem>>)
      tpu.wait_dma2 semaphore(%run_scoped3A : memref<!tpu.dma_semaphore, #tpu.memory_space<semaphore_mem>>) src(%arg4 : memref<16384xi32, #tpu.memory_space<hbm>>) dst(%arg10 : memref<16384xi32, #tpu.memory_space<vmem>>)
      tpu.yield
    }) : () -> ()
    %scan3A = arith.constant 0 : i32
    %scan3A_5 = arith.constant 0 : i32
    %scan3A_6 = arith.constant 625 : i32
    %scan3A_7 = arith.addi %scan3A_5, %scan3A_6 : i32
    %scan3A_8 = arith.constant 1 : i32
    %scan3A_9 = scf.for %scan3A_56 = %scan3A_5 to %scan3A_7 step %scan3A_8 iter_args(%scan3A_57 = %scan3A) -> (i32)  : i32 {
      %broadcast_in_dim3A = arith.constant 0 : i32
      %broadcast_in_dim3A_58 = vector.broadcast %broadcast_in_dim3A : i32 to vector<16xi32>
      %mul3A_59 = arith.constant 16 : i32
      %mul3A_60 = arith.muli %scan3A_56, %mul3A_59 : i32
      %swap3A = arith.index_cast %mul3A_60 : i32 to index
      %swap3A_61 = tpu.vector_load %arg8[%swap3A] {strides = array<i32>} : memref<10000xi32, #tpu.memory_space<vmem>>, vector<16xi32>,
      tpu.vector_store %arg8[%swap3A], %broadcast_in_dim3A_58 {strides = array<i32>} : memref<10000xi32, #tpu.memory_space<vmem>>, vector<16xi32>,
      %scan3A_62 = arith.constant 0 : i32
      scf.yield %scan3A_62 : i32
    }
    %scan3A_10 = arith.constant 625 : i32
    %mul3A_11 = arith.constant 16392 : i32
    %mul3A_12 = arith.muli %arg1, %mul3A_11 : i32
    %add3A_13 = arith.constant 0 : i32
    %add3A_14 = arith.addi %mul3A_12, %add3A_13 : i32
    "tpu.region"() ({
      %run_scoped3A = tpu.sem_alloc : memref<!tpu.dma_semaphore, #tpu.memory_space<semaphore_mem>>
      %dma_start3A = arith.constant 0 : i32
      %dma_start3A_56 = tpu.memref_slice %arg8[%dma_start3A] : memref<10000xi32, #tpu.memory_space<vmem>> -> memref<10000xi32, #tpu.memory_space<vmem>>
      %dma_start3A_57 = tpu.memref_slice %arg11[%add3A_14] : memref<262272xi32, #tpu.memory_space<vmem_shared>> -> memref<10000xi32, #tpu.memory_space<vmem_shared>>
      %dma_start3A_58 = tpu.memref_slice %arg11[%add3A_14] : memref<262272xi32, #tpu.memory_space<vmem_shared>> -> memref<10000xi32, #tpu.memory_space<vmem_shared>>
      %dma_start3A_59 = arith.constant 0 : i32
      %dma_start3A_60 = tpu.memref_slice %arg8[%dma_start3A_59] : memref<10000xi32, #tpu.memory_space<vmem>> -> memref<10000xi32, #tpu.memory_space<vmem>>
      tpu.enqueue_dma source(%dma_start3A_60 : memref<10000xi32, #tpu.memory_space<vmem>>) target(%dma_start3A_58 : memref<10000xi32, #tpu.memory_space<vmem_shared>>) target_semaphore(%run_scoped3A : memref<!tpu.dma_semaphore, #tpu.memory_space<semaphore_mem>>)
      %dma_wait3A = arith.constant 0 : i32
      %dma_wait3A_61 = tpu.memref_slice %arg8[%dma_wait3A] : memref<10000xi32, #tpu.memory_space<vmem>> -> memref<10000xi32, #tpu.memory_space<vmem>>
      %dma_wait3A_62 = tpu.memref_slice %arg11[%add3A_14] : memref<262272xi32, #tpu.memory_space<vmem_shared>> -> memref<10000xi32, #tpu.memory_space<vmem_shared>>
      %dma_wait3A_63 = tpu.memref_slice %arg11[%add3A_14] : memref<262272xi32, #tpu.memory_space<vmem_shared>> -> memref<10000xi32, #tpu.memory_space<vmem_shared>>
      %dma_wait3A_64 = arith.constant 0 : i32
      %dma_wait3A_65 = tpu.memref_slice %arg8[%dma_wait3A_64] : memref<10000xi32, #tpu.memory_space<vmem>> -> memref<10000xi32, #tpu.memory_space<vmem>>
      tpu.wait_dma2 semaphore(%run_scoped3A : memref<!tpu.dma_semaphore, #tpu.memory_space<semaphore_mem>>) src(%dma_wait3A_65 : memref<10000xi32, #tpu.memory_space<vmem>>) dst(%dma_wait3A_63 : memref<10000xi32, #tpu.memory_space<vmem_shared>>)
      tpu.yield
    }) : () -> ()
    %mul3A_15 = arith.constant 16392 : i32
    %mul3A_16 = arith.muli %arg1, %mul3A_15 : i32
    %add3A_17 = arith.constant 10000 : i32
    %add3A_18 = arith.addi %mul3A_16, %add3A_17 : i32
    "tpu.region"() ({
      %run_scoped3A = tpu.sem_alloc : memref<!tpu.dma_semaphore, #tpu.memory_space<semaphore_mem>>
      %dma_start3A = arith.constant 0 : i32
      %dma_start3A_56 = tpu.memref_slice %arg8[%dma_start3A] : memref<10000xi32, #tpu.memory_space<vmem>> -> memref<6392xi32, #tpu.memory_space<vmem>>
      %dma_start3A_57 = tpu.memref_slice %arg11[%add3A_18] : memref<262272xi32, #tpu.memory_space<vmem_shared>> -> memref<6392xi32, #tpu.memory_space<vmem_shared>>
      %dma_start3A_58 = tpu.memref_slice %arg11[%add3A_18] : memref<262272xi32, #tpu.memory_space<vmem_shared>> -> memref<6392xi32, #tpu.memory_space<vmem_shared>>
      %dma_start3A_59 = arith.constant 0 : i32
      %dma_start3A_60 = tpu.memref_slice %arg8[%dma_start3A_59] : memref<10000xi32, #tpu.memory_space<vmem>> -> memref<6392xi32, #tpu.memory_space<vmem>>
      tpu.enqueue_dma source(%dma_start3A_60 : memref<6392xi32, #tpu.memory_space<vmem>>) target(%dma_start3A_58 : memref<6392xi32, #tpu.memory_space<vmem_shared>>) target_semaphore(%run_scoped3A : memref<!tpu.dma_semaphore, #tpu.memory_space<semaphore_mem>>)
      %dma_wait3A = arith.constant 0 : i32
      %dma_wait3A_61 = tpu.memref_slice %arg8[%dma_wait3A] : memref<10000xi32, #tpu.memory_space<vmem>> -> memref<6392xi32, #tpu.memory_space<vmem>>
      %dma_wait3A_62 = tpu.memref_slice %arg11[%add3A_18] : memref<262272xi32, #tpu.memory_space<vmem_shared>> -> memref<6392xi32, #tpu.memory_space<vmem_shared>>
      %dma_wait3A_63 = tpu.memref_slice %arg11[%add3A_18] : memref<262272xi32, #tpu.memory_space<vmem_shared>> -> memref<6392xi32, #tpu.memory_space<vmem_shared>>
      %dma_wait3A_64 = arith.constant 0 : i32
      %dma_wait3A_65 = tpu.memref_slice %arg8[%dma_wait3A_64] : memref<10000xi32, #tpu.memory_space<vmem>> -> memref<6392xi32, #tpu.memory_space<vmem>>
      tpu.wait_dma2 semaphore(%run_scoped3A : memref<!tpu.dma_semaphore, #tpu.memory_space<semaphore_mem>>) src(%dma_wait3A_65 : memref<6392xi32, #tpu.memory_space<vmem>>) dst(%dma_wait3A_63 : memref<6392xi32, #tpu.memory_space<vmem_shared>>)
      tpu.yield
    }) : () -> ()
    %scan3A_19 = arith.constant 0 : i32
    %scan3A_20 = arith.constant 0 : i32
    %scan3A_21 = arith.constant 625 : i32
    %scan3A_22 = arith.addi %scan3A_20, %scan3A_21 : i32
    %scan3A_23 = arith.constant 1 : i32
    %scan3A_24 = scf.for %scan3A_56 = %scan3A_20 to %scan3A_22 step %scan3A_23 iter_args(%scan3A_57 = %scan3A_19) -> (i32)  : i32 {
      %broadcast_in_dim3A = arith.constant 1 : i32
      %broadcast_in_dim3A_58 = vector.broadcast %broadcast_in_dim3A : i32 to vector<16xi32>
      %mul3A_59 = arith.constant 16 : i32
      %mul3A_60 = arith.muli %scan3A_56, %mul3A_59 : i32
      %swap3A = arith.index_cast %mul3A_60 : i32 to index
      %swap3A_61 = tpu.vector_load %arg9[%swap3A] {strides = array<i32>} : memref<10000xi32, #tpu.memory_space<vmem>>, vector<16xi32>,
      tpu.vector_store %arg9[%swap3A], %broadcast_in_dim3A_58 {strides = array<i32>} : memref<10000xi32, #tpu.memory_space<vmem>>, vector<16xi32>,
      %scan3A_62 = arith.constant 0 : i32
      scf.yield %scan3A_62 : i32
    }
    %scan3A_25 = arith.constant 625 : i32
    %barrier3A = arith.constant 0 : index
    tpu.barrier barrier_id(%barrier3A)
    %scan3A_26 = arith.constant 0 : i32
    %scan3A_27 = arith.constant 0 : i32
    %scan3A_28 = arith.constant 25 : i32
    %scan3A_29 = arith.addi %scan3A_27, %scan3A_28 : i32
    %scan3A_30 = arith.constant 1 : i32
    %scan3A_31 = scf.for %scan3A_56 = %scan3A_27 to %scan3A_29 step %scan3A_30 iter_args(%scan3A_57 = %scan3A_26) -> (i32)  : i32 {
      %mul3A_58 = arith.constant 250000 : i32
      %mul3A_59 = arith.muli %add3A, %mul3A_58 : i32
      %mul3A_60 = arith.constant 10000 : i32
      %mul3A_61 = arith.muli %scan3A_56, %mul3A_60 : i32
      %add3A_62 = arith.addi %mul3A_59, %mul3A_61 : i32
      "tpu.region"() ({
        %run_scoped3A = tpu.sem_alloc : memref<!tpu.dma_semaphore, #tpu.memory_space<semaphore_mem>>
        %dma_start3A = tpu.memref_slice %arg2[%add3A_62] : memref<8000000xf32, #tpu.memory_space<hbm>> -> memref<10000xf32, #tpu.memory_space<hbm>>
        %dma_start3A_66 = tpu.memref_slice %arg2[%add3A_62] : memref<8000000xf32, #tpu.memory_space<hbm>> -> memref<10000xf32, #tpu.memory_space<hbm>>
        tpu.enqueue_dma source(%dma_start3A_66 : memref<10000xf32, #tpu.memory_space<hbm>>) target(%arg6 : memref<10000xf32, #tpu.memory_space<vmem>>) target_semaphore(%run_scoped3A : memref<!tpu.dma_semaphore, #tpu.memory_space<semaphore_mem>>)
        %dma_wait3A = tpu.memref_slice %arg2[%add3A_62] : memref<8000000xf32, #tpu.memory_space<hbm>> -> memref<10000xf32, #tpu.memory_space<hbm>>
        %dma_wait3A_67 = tpu.memref_slice %arg2[%add3A_62] : memref<8000000xf32, #tpu.memory_space<hbm>> -> memref<10000xf32, #tpu.memory_space<hbm>>
        tpu.wait_dma2 semaphore(%run_scoped3A : memref<!tpu.dma_semaphore, #tpu.memory_space<semaphore_mem>>) src(%dma_wait3A_67 : memref<10000xf32, #tpu.memory_space<hbm>>) dst(%arg6 : memref<10000xf32, #tpu.memory_space<vmem>>)
        tpu.yield
      }) : () -> ()
      "tpu.region"() ({
        %run_scoped3A = tpu.sem_alloc : memref<!tpu.dma_semaphore, #tpu.memory_space<semaphore_mem>>
        %dma_start3A = tpu.memref_slice %arg3[%add3A_62] : memref<8000000xi32, #tpu.memory_space<hbm>> -> memref<10000xi32, #tpu.memory_space<hbm>>
        %dma_start3A_66 = tpu.memref_slice %arg3[%add3A_62] : memref<8000000xi32, #tpu.memory_space<hbm>> -> memref<10000xi32, #tpu.memory_space<hbm>>
        tpu.enqueue_dma source(%dma_start3A_66 : memref<10000xi32, #tpu.memory_space<hbm>>) target(%arg7 : memref<10000xi32, #tpu.memory_space<vmem>>) target_semaphore(%run_scoped3A : memref<!tpu.dma_semaphore, #tpu.memory_space<semaphore_mem>>)
        %dma_wait3A = tpu.memref_slice %arg3[%add3A_62] : memref<8000000xi32, #tpu.memory_space<hbm>> -> memref<10000xi32, #tpu.memory_space<hbm>>
        %dma_wait3A_67 = tpu.memref_slice %arg3[%add3A_62] : memref<8000000xi32, #tpu.memory_space<hbm>> -> memref<10000xi32, #tpu.memory_space<hbm>>
        tpu.wait_dma2 semaphore(%run_scoped3A : memref<!tpu.dma_semaphore, #tpu.memory_space<semaphore_mem>>) src(%dma_wait3A_67 : memref<10000xi32, #tpu.memory_space<hbm>>) dst(%arg7 : memref<10000xi32, #tpu.memory_space<vmem>>)
        tpu.yield
      }) : () -> ()
      %parallel_loop3A = arith.constant 0 : i32
      %parallel_loop3A_63 = arith.constant 625 : i32
      %parallel_loop3A_64 = arith.constant 1 : i32
      scf.for %parallel_loop3A_66 = %parallel_loop3A to %parallel_loop3A_63 step %parallel_loop3A_64  : i32 {
        %parallel_loop3A_67 = arith.constant 16 : i32
        %parallel_loop3A_68 = arith.muli %parallel_loop3A_66, %parallel_loop3A_67 : i32
        %parallel_loop3A_69 = arith.index_cast %parallel_loop3A_68 : i32 to index
        %parallel_loop3A_70 = tpu.vector_load %arg6[%parallel_loop3A_69] {strides = array<i32>} : memref<10000xf32, #tpu.memory_space<vmem>>, vector<16xf32>,
        %parallel_loop3A_71 = arith.constant 16 : i32
        %parallel_loop3A_72 = arith.muli %parallel_loop3A_66, %parallel_loop3A_71 : i32
        %parallel_loop3A_73 = arith.index_cast %parallel_loop3A_72 : i32 to index
        %parallel_loop3A_74 = tpu.vector_load %arg7[%parallel_loop3A_73] {strides = array<i32>} : memref<10000xi32, #tpu.memory_space<vmem>>, vector<16xi32>,
        %parallel_loop3A_75 = tpu.bitcast %parallel_loop3A_70 : vector<16xf32> -> vector<16xi32>
        %parallel_loop3A_76 = arith.constant -2147483648 : i32
        %parallel_loop3A_77 = vector.broadcast %parallel_loop3A_76 : i32 to vector<16xi32>
        %parallel_loop3A_78 = arith.cmpi uge, %parallel_loop3A_75, %parallel_loop3A_77 : vector<16xi32>
        %parallel_loop3A_79 = arith.constant -1 : i32
        %parallel_loop3A_80 = arith.constant -2147483648 : i32
        %parallel_loop3A_81 = vector.broadcast %parallel_loop3A_79 : i32 to vector<16xi32>
        %parallel_loop3A_82 = vector.broadcast %parallel_loop3A_80 : i32 to vector<16xi32>
        %parallel_loop3A_83 = arith.select %parallel_loop3A_78, %parallel_loop3A_81, %parallel_loop3A_82 : vector<16xi1>, vector<16xi32>
        %parallel_loop3A_84 = arith.xori %parallel_loop3A_75, %parallel_loop3A_83 : vector<16xi32>
        %parallel_loop3A_85 = arith.constant 16384 : i32
        %parallel_loop3A_86 = vector.broadcast %parallel_loop3A_85 : i32 to vector<16xi32>
        %parallel_loop3A_87 = arith.muli %parallel_loop3A_74, %parallel_loop3A_86 : vector<16xi32>
        %parallel_loop3A_88 = arith.constant 18 : i32
        %parallel_loop3A_89 = vector.broadcast %parallel_loop3A_88 : i32 to vector<16xi32>
        %parallel_loop3A_90 = arith.shrui %parallel_loop3A_84, %parallel_loop3A_89 : vector<16xi32>
        %parallel_loop3A_91 = arith.addi %parallel_loop3A_87, %parallel_loop3A_90 : vector<16xi32>
        %parallel_loop3A_92 = arith.constant 2 : i32
        %parallel_loop3A_93 = vector.broadcast %parallel_loop3A_92 : i32 to vector<16xi32>
        %parallel_loop3A_94 = arith.shrsi %parallel_loop3A_91, %parallel_loop3A_93 : vector<16xi32>
        %parallel_loop3A_95 = tpu.vector_load_idx %arg10[%parallel_loop3A_94] : memref<16384xi32, #tpu.memory_space<vmem>>[vector<16xi32>], vector<16xi32>,
        %parallel_loop3A_96 = arith.constant 3 : i32
        %parallel_loop3A_97 = vector.broadcast %parallel_loop3A_96 : i32 to vector<16xi32>
        %parallel_loop3A_98 = arith.andi %parallel_loop3A_91, %parallel_loop3A_97 : vector<16xi32>
        %parallel_loop3A_99 = arith.constant 8 : i32
        %parallel_loop3A_100 = vector.broadcast %parallel_loop3A_99 : i32 to vector<16xi32>
        %parallel_loop3A_101 = arith.muli %parallel_loop3A_98, %parallel_loop3A_100 : vector<16xi32>
        %parallel_loop3A_102 = arith.shrsi %parallel_loop3A_95, %parallel_loop3A_101 : vector<16xi32>
        %parallel_loop3A_103 = arith.constant 255 : i32
        %parallel_loop3A_104 = vector.broadcast %parallel_loop3A_103 : i32 to vector<16xi32>
        %parallel_loop3A_105 = arith.andi %parallel_loop3A_102, %parallel_loop3A_104 : vector<16xi32>
        %parallel_loop3A_106 = arith.constant 0.000000e+00 : f32
        %parallel_loop3A_107 = vector.broadcast %parallel_loop3A_106 : f32 to vector<16xf32>
        %parallel_loop3A_108 = arith.cmpf one, %parallel_loop3A_70, %parallel_loop3A_107 : vector<16xf32>
        %parallel_loop3A_109 = arith.constant 0 : i32
        %parallel_loop3A_110 = vector.broadcast %parallel_loop3A_109 : i32 to vector<16xi32>
        %parallel_loop3A_111 = arith.cmpi sgt, %parallel_loop3A_105, %parallel_loop3A_110 : vector<16xi32>
        %parallel_loop3A_112 = arith.andi %parallel_loop3A_108, %parallel_loop3A_111 : vector<16xi1>
        %parallel_loop3A_113 = arith.constant 128 : i32
        %parallel_loop3A_114 = vector.broadcast %parallel_loop3A_113 : i32 to vector<16xi32>
        %parallel_loop3A_115 = arith.muli %parallel_loop3A_74, %parallel_loop3A_114 : vector<16xi32>
        %parallel_loop3A_116 = arith.addi %parallel_loop3A_115, %parallel_loop3A_105 : vector<16xi32>
        %parallel_loop3A_117 = arith.constant 1 : i32
        %parallel_loop3A_118 = vector.broadcast %parallel_loop3A_117 : i32 to vector<16xi32>
        %parallel_loop3A_119 = arith.subi %parallel_loop3A_116, %parallel_loop3A_118 : vector<16xi32>
        %parallel_loop3A_120 = arith.constant 512 : i32
        %parallel_loop3A_121 = vector.broadcast %parallel_loop3A_120 : i32 to vector<16xi32>
        %parallel_loop3A_122 = arith.muli %parallel_loop3A_119, %parallel_loop3A_121 : vector<16xi32>
        %parallel_loop3A_123 = arith.constant 9 : i32
        %parallel_loop3A_124 = vector.broadcast %parallel_loop3A_123 : i32 to vector<16xi32>
        %parallel_loop3A_125 = arith.shrui %parallel_loop3A_84, %parallel_loop3A_124 : vector<16xi32>
        %parallel_loop3A_126 = arith.constant 511 : i32
        %parallel_loop3A_127 = vector.broadcast %parallel_loop3A_126 : i32 to vector<16xi32>
        %parallel_loop3A_128 = arith.andi %parallel_loop3A_125, %parallel_loop3A_127 : vector<16xi32>
        %parallel_loop3A_129 = arith.addi %parallel_loop3A_122, %parallel_loop3A_128 : vector<16xi32>
        %parallel_loop3A_130 = vector.broadcast %add3A_4 : i32 to vector<16xi32>
        %parallel_loop3A_131 = arith.select %parallel_loop3A_112, %parallel_loop3A_129, %parallel_loop3A_130 : vector<16xi1>, vector<16xi32>
        %parallel_loop3A_132 = arith.constant 16 : i32
        %parallel_loop3A_133 = arith.muli %parallel_loop3A_66, %parallel_loop3A_132 : i32
        %parallel_loop3A_134 = arith.index_cast %parallel_loop3A_133 : i32 to index
        %parallel_loop3A_135 = tpu.vector_load %arg8[%parallel_loop3A_134] {strides = array<i32>} : memref<10000xi32, #tpu.memory_space<vmem>>, vector<16xi32>,
        tpu.vector_store %arg8[%parallel_loop3A_134], %parallel_loop3A_131 {strides = array<i32>} : memref<10000xi32, #tpu.memory_space<vmem>>, vector<16xi32>,
      } {sc.loop_unroll_factor = 4 : i64, sc.parallel_access}
      "tpu.region"() ({
        %run_scoped3A = tpu.sem_alloc : memref<!tpu.dma_semaphore, #tpu.memory_space<semaphore_mem>>
        %dma_start3A = arith.constant 0 : i32
        %dma_start3A_66 = tpu.memref_slice %arg11[%dma_start3A] : memref<262272xi32, #tpu.memory_space<vmem_shared>> -> memref<262272xi32, #tpu.memory_space<vmem_shared>>
        tpu.enqueue_indirect_dma source(%arg9 : memref<10000xi32, #tpu.memory_space<vmem>>) target(%dma_start3A_66 : memref<262272xi32, #tpu.memory_space<vmem_shared>>) offsets(%arg8 : memref<10000xi32, #tpu.memory_space<vmem>>) semaphore(%run_scoped3A : memref<!tpu.dma_semaphore, #tpu.memory_space<semaphore_mem>>) {add = true}
        %dma_wait3A = arith.constant 0 : i32
        %dma_wait3A_67 = tpu.memref_slice %arg11[%dma_wait3A] : memref<262272xi32, #tpu.memory_space<vmem_shared>> -> memref<262272xi32, #tpu.memory_space<vmem_shared>>
        tpu.wait_indirect_dma semaphore(%run_scoped3A : memref<!tpu.dma_semaphore, #tpu.memory_space<semaphore_mem>>) src(%arg9 : memref<10000xi32, #tpu.memory_space<vmem>>) dst(%dma_wait3A_67 : memref<262272xi32, #tpu.memory_space<vmem_shared>>)
        tpu.yield
      }) : () -> ()
      %scan3A_65 = arith.constant 0 : i32
      scf.yield %scan3A_65 : i32
    }
    %scan3A_32 = arith.constant 25 : i32
    %barrier3A_33 = arith.constant 0 : index
    tpu.barrier barrier_id(%barrier3A_33)
    %mul3A_34 = arith.constant 16392 : i32
    %mul3A_35 = arith.muli %arg1, %mul3A_34 : i32
    %add3A_36 = arith.constant 0 : i32
    %add3A_37 = arith.addi %mul3A_35, %add3A_36 : i32
    "tpu.region"() ({
      %run_scoped3A = tpu.sem_alloc : memref<!tpu.dma_semaphore, #tpu.memory_space<semaphore_mem>>
      %dma_start3A = arith.constant 0 : i32
      %dma_start3A_56 = tpu.memref_slice %arg8[%dma_start3A] : memref<10000xi32, #tpu.memory_space<vmem>> -> memref<8192xi32, #tpu.memory_space<vmem>>
      %dma_start3A_57 = tpu.memref_slice %arg11[%add3A_37] : memref<262272xi32, #tpu.memory_space<vmem_shared>> -> memref<8192xi32, #tpu.memory_space<vmem_shared>>
      %dma_start3A_58 = arith.constant 0 : i32
      %dma_start3A_59 = tpu.memref_slice %arg8[%dma_start3A_58] : memref<10000xi32, #tpu.memory_space<vmem>> -> memref<8192xi32, #tpu.memory_space<vmem>>
      %dma_start3A_60 = tpu.memref_slice %arg11[%add3A_37] : memref<262272xi32, #tpu.memory_space<vmem_shared>> -> memref<8192xi32, #tpu.memory_space<vmem_shared>>
      tpu.enqueue_dma source(%dma_start3A_60 : memref<8192xi32, #tpu.memory_space<vmem_shared>>) target(%dma_start3A_59 : memref<8192xi32, #tpu.memory_space<vmem>>) target_semaphore(%run_scoped3A : memref<!tpu.dma_semaphore, #tpu.memory_space<semaphore_mem>>)
      %dma_wait3A = arith.constant 0 : i32
      %dma_wait3A_61 = tpu.memref_slice %arg8[%dma_wait3A] : memref<10000xi32, #tpu.memory_space<vmem>> -> memref<8192xi32, #tpu.memory_space<vmem>>
      %dma_wait3A_62 = tpu.memref_slice %arg11[%add3A_37] : memref<262272xi32, #tpu.memory_space<vmem_shared>> -> memref<8192xi32, #tpu.memory_space<vmem_shared>>
      %dma_wait3A_63 = arith.constant 0 : i32
      %dma_wait3A_64 = tpu.memref_slice %arg8[%dma_wait3A_63] : memref<10000xi32, #tpu.memory_space<vmem>> -> memref<8192xi32, #tpu.memory_space<vmem>>
      %dma_wait3A_65 = tpu.memref_slice %arg11[%add3A_37] : memref<262272xi32, #tpu.memory_space<vmem_shared>> -> memref<8192xi32, #tpu.memory_space<vmem_shared>>
      tpu.wait_dma2 semaphore(%run_scoped3A : memref<!tpu.dma_semaphore, #tpu.memory_space<semaphore_mem>>) src(%dma_wait3A_65 : memref<8192xi32, #tpu.memory_space<vmem_shared>>) dst(%dma_wait3A_64 : memref<8192xi32, #tpu.memory_space<vmem>>)
      tpu.yield
    }) : () -> ()
    %mul3A_38 = arith.constant 262272 : i32
    %mul3A_39 = arith.muli %arg0, %mul3A_38 : i32
    %mul3A_40 = arith.constant 16392 : i32
    %mul3A_41 = arith.muli %arg1, %mul3A_40 : i32
    %add3A_42 = arith.addi %mul3A_39, %mul3A_41 : i32
    %add3A_43 = arith.constant 0 : i32
    %add3A_44 = arith.addi %add3A_42, %add3A_43 : i32
    "tpu.region"() ({
      %run_scoped3A = tpu.sem_alloc : memref<!tpu.dma_semaphore, #tpu.memory_space<semaphore_mem>>
      %dma_start3A = arith.constant 0 : i32
      %dma_start3A_56 = tpu.memref_slice %arg8[%dma_start3A] : memref<10000xi32, #tpu.memory_space<vmem>> -> memref<8192xi32, #tpu.memory_space<vmem>>
      %dma_start3A_57 = tpu.memref_slice %arg5[%add3A_44] : memref<524544xi32, #tpu.memory_space<hbm>> -> memref<8192xi32, #tpu.memory_space<hbm>>
      %dma_start3A_58 = tpu.memref_slice %arg5[%add3A_44] : memref<524544xi32, #tpu.memory_space<hbm>> -> memref<8192xi32, #tpu.memory_space<hbm>>
      %dma_start3A_59 = arith.constant 0 : i32
      %dma_start3A_60 = tpu.memref_slice %arg8[%dma_start3A_59] : memref<10000xi32, #tpu.memory_space<vmem>> -> memref<8192xi32, #tpu.memory_space<vmem>>
      tpu.enqueue_dma source(%dma_start3A_60 : memref<8192xi32, #tpu.memory_space<vmem>>) target(%dma_start3A_58 : memref<8192xi32, #tpu.memory_space<hbm>>) target_semaphore(%run_scoped3A : memref<!tpu.dma_semaphore, #tpu.memory_space<semaphore_mem>>)
      %dma_wait3A = arith.constant 0 : i32
      %dma_wait3A_61 = tpu.memref_slice %arg8[%dma_wait3A] : memref<10000xi32, #tpu.memory_space<vmem>> -> memref<8192xi32, #tpu.memory_space<vmem>>
      %dma_wait3A_62 = tpu.memref_slice %arg5[%add3A_44] : memref<524544xi32, #tpu.memory_space<hbm>> -> memref<8192xi32, #tpu.memory_space<hbm>>
      %dma_wait3A_63 = tpu.memref_slice %arg5[%add3A_44] : memref<524544xi32, #tpu.memory_space<hbm>> -> memref<8192xi32, #tpu.memory_space<hbm>>
      %dma_wait3A_64 = arith.constant 0 : i32
      %dma_wait3A_65 = tpu.memref_slice %arg8[%dma_wait3A_64] : memref<10000xi32, #tpu.memory_space<vmem>> -> memref<8192xi32, #tpu.memory_space<vmem>>
      tpu.wait_dma2 semaphore(%run_scoped3A : memref<!tpu.dma_semaphore, #tpu.memory_space<semaphore_mem>>) src(%dma_wait3A_65 : memref<8192xi32, #tpu.memory_space<vmem>>) dst(%dma_wait3A_63 : memref<8192xi32, #tpu.memory_space<hbm>>)
      tpu.yield
    }) : () -> ()
    %mul3A_45 = arith.constant 16392 : i32
    %mul3A_46 = arith.muli %arg1, %mul3A_45 : i32
    %add3A_47 = arith.constant 8192 : i32
    %add3A_48 = arith.addi %mul3A_46, %add3A_47 : i32
    "tpu.region"() ({
      %run_scoped3A = tpu.sem_alloc : memref<!tpu.dma_semaphore, #tpu.memory_space<semaphore_mem>>
      %dma_start3A = arith.constant 0 : i32
      %dma_start3A_56 = tpu.memref_slice %arg8[%dma_start3A] : memref<10000xi32, #tpu.memory_space<vmem>> -> memref<8200xi32, #tpu.memory_space<vmem>>
      %dma_start3A_57 = tpu.memref_slice %arg11[%add3A_48] : memref<262272xi32, #tpu.memory_space<vmem_shared>> -> memref<8200xi32, #tpu.memory_space<vmem_shared>>
      %dma_start3A_58 = arith.constant 0 : i32
      %dma_start3A_59 = tpu.memref_slice %arg8[%dma_start3A_58] : memref<10000xi32, #tpu.memory_space<vmem>> -> memref<8200xi32, #tpu.memory_space<vmem>>
      %dma_start3A_60 = tpu.memref_slice %arg11[%add3A_48] : memref<262272xi32, #tpu.memory_space<vmem_shared>> -> memref<8200xi32, #tpu.memory_space<vmem_shared>>
      tpu.enqueue_dma source(%dma_start3A_60 : memref<8200xi32, #tpu.memory_space<vmem_shared>>) target(%dma_start3A_59 : memref<8200xi32, #tpu.memory_space<vmem>>) target_semaphore(%run_scoped3A : memref<!tpu.dma_semaphore, #tpu.memory_space<semaphore_mem>>)
      %dma_wait3A = arith.constant 0 : i32
      %dma_wait3A_61 = tpu.memref_slice %arg8[%dma_wait3A] : memref<10000xi32, #tpu.memory_space<vmem>> -> memref<8200xi32, #tpu.memory_space<vmem>>
      %dma_wait3A_62 = tpu.memref_slice %arg11[%add3A_48] : memref<262272xi32, #tpu.memory_space<vmem_shared>> -> memref<8200xi32, #tpu.memory_space<vmem_shared>>
      %dma_wait3A_63 = arith.constant 0 : i32
      %dma_wait3A_64 = tpu.memref_slice %arg8[%dma_wait3A_63] : memref<10000xi32, #tpu.memory_space<vmem>> -> memref<8200xi32, #tpu.memory_space<vmem>>
      %dma_wait3A_65 = tpu.memref_slice %arg11[%add3A_48] : memref<262272xi32, #tpu.memory_space<vmem_shared>> -> memref<8200xi32, #tpu.memory_space<vmem_shared>>
      tpu.wait_dma2 semaphore(%run_scoped3A : memref<!tpu.dma_semaphore, #tpu.memory_space<semaphore_mem>>) src(%dma_wait3A_65 : memref<8200xi32, #tpu.memory_space<vmem_shared>>) dst(%dma_wait3A_64 : memref<8200xi32, #tpu.memory_space<vmem>>)
      tpu.yield
    }) : () -> ()
    %mul3A_49 = arith.constant 262272 : i32
    %mul3A_50 = arith.muli %arg0, %mul3A_49 : i32
    %mul3A_51 = arith.constant 16392 : i32
    %mul3A_52 = arith.muli %arg1, %mul3A_51 : i32
    %add3A_53 = arith.addi %mul3A_50, %mul3A_52 : i32
    %add3A_54 = arith.constant 8192 : i32
    %add3A_55 = arith.addi %add3A_53, %add3A_54 : i32
    "tpu.region"() ({
      %run_scoped3A = tpu.sem_alloc : memref<!tpu.dma_semaphore, #tpu.memory_space<semaphore_mem>>
      %dma_start3A = arith.constant 0 : i32
      %dma_start3A_56 = tpu.memref_slice %arg8[%dma_start3A] : memref<10000xi32, #tpu.memory_space<vmem>> -> memref<8200xi32, #tpu.memory_space<vmem>>
      %dma_start3A_57 = tpu.memref_slice %arg5[%add3A_55] : memref<524544xi32, #tpu.memory_space<hbm>> -> memref<8200xi32, #tpu.memory_space<hbm>>
      %dma_start3A_58 = tpu.memref_slice %arg5[%add3A_55] : memref<524544xi32, #tpu.memory_space<hbm>> -> memref<8200xi32, #tpu.memory_space<hbm>>
      %dma_start3A_59 = arith.constant 0 : i32
      %dma_start3A_60 = tpu.memref_slice %arg8[%dma_start3A_59] : memref<10000xi32, #tpu.memory_space<vmem>> -> memref<8200xi32, #tpu.memory_space<vmem>>
      tpu.enqueue_dma source(%dma_start3A_60 : memref<8200xi32, #tpu.memory_space<vmem>>) target(%dma_start3A_58 : memref<8200xi32, #tpu.memory_space<hbm>>) target_semaphore(%run_scoped3A : memref<!tpu.dma_semaphore, #tpu.memory_space<semaphore_mem>>)
      %dma_wait3A = arith.constant 0 : i32
      %dma_wait3A_61 = tpu.memref_slice %arg8[%dma_wait3A] : memref<10000xi32, #tpu.memory_space<vmem>> -> memref<8200xi32, #tpu.memory_space<vmem>>
      %dma_wait3A_62 = tpu.memref_slice %arg5[%add3A_55] : memref<524544xi32, #tpu.memory_space<hbm>> -> memref<8200xi32, #tpu.memory_space<hbm>>
      %dma_wait3A_63 = tpu.memref_slice %arg5[%add3A_55] : memref<524544xi32, #tpu.memory_space<hbm>> -> memref<8200xi32, #tpu.memory_space<hbm>>
      %dma_wait3A_64 = arith.constant 0 : i32
      %dma_wait3A_65 = tpu.memref_slice %arg8[%dma_wait3A_64] : memref<10000xi32, #tpu.memory_space<vmem>> -> memref<8200xi32, #tpu.memory_space<vmem>>
      tpu.wait_dma2 semaphore(%run_scoped3A : memref<!tpu.dma_semaphore, #tpu.memory_space<semaphore_mem>>) src(%dma_wait3A_65 : memref<8200xi32, #tpu.memory_space<vmem>>) dst(%dma_wait3A_63 : memref<8200xi32, #tpu.memory_space<hbm>>)
      tpu.yield
    }) : () -> ()
    return
  }
}

#map = affine_map<(d0, d1) -> (0)>
module attributes {stable_mosaic.version = 14 : i64} {
  func.func @_p4_body(%arg0: i32, %arg1: i32, %arg2: memref<8000000xf32, #tpu.memory_space<hbm>>, %arg3: memref<8000000xi32, #tpu.memory_space<hbm>>, %arg4: memref<16384xi32, #tpu.memory_space<hbm>>, %arg5: memref<26624xi32, #tpu.memory_space<hbm>>, %arg6: memref<26624xi32, #tpu.memory_space<hbm>>, %arg7: memref<8000000xi32, #tpu.memory_space<hbm>>, %arg8: memref<10000xf32, #tpu.memory_space<vmem>>, %arg9: memref<10000xi32, #tpu.memory_space<vmem>>, %arg10: memref<10000xi32, #tpu.memory_space<vmem>>, %arg11: memref<16384xi32, #tpu.memory_space<vmem>>, %arg12: memref<26624xi32, #tpu.memory_space<vmem>>, %arg13: memref<26624xi32, #tpu.memory_space<vmem>>) attributes {dimension_semantics = [#tpu.dimension_semantics<core_parallel>, #tpu.dimension_semantics<subcore_parallel>], iteration_bounds = array<i64: 2, 16>, scalar_prefetch = 0 : i64, scratch_operands = 6 : i64, tpu.core_type = #tpu.core_type<sc_vector_subcore>, window_params = [{transform_indices = #map}, {transform_indices = #map}, {transform_indices = #map}, {transform_indices = #map}, {transform_indices = #map}, {transform_indices = #map}]} {
    %mul3A = arith.constant 2 : i32
    %mul3A_0 = arith.muli %arg1, %mul3A : i32
    %add3A = arith.addi %mul3A_0, %arg0 : i32
    "tpu.region"() ({
      %run_scoped3A = tpu.sem_alloc : memref<!tpu.dma_semaphore, #tpu.memory_space<semaphore_mem>>
      tpu.enqueue_dma source(%arg4 : memref<16384xi32, #tpu.memory_space<hbm>>) target(%arg11 : memref<16384xi32, #tpu.memory_space<vmem>>) target_semaphore(%run_scoped3A : memref<!tpu.dma_semaphore, #tpu.memory_space<semaphore_mem>>)
      tpu.wait_dma2 semaphore(%run_scoped3A : memref<!tpu.dma_semaphore, #tpu.memory_space<semaphore_mem>>) src(%arg4 : memref<16384xi32, #tpu.memory_space<hbm>>) dst(%arg11 : memref<16384xi32, #tpu.memory_space<vmem>>)
      tpu.yield
    }) : () -> ()
    "tpu.region"() ({
      %run_scoped3A = tpu.sem_alloc : memref<!tpu.dma_semaphore, #tpu.memory_space<semaphore_mem>>
      tpu.enqueue_dma source(%arg5 : memref<26624xi32, #tpu.memory_space<hbm>>) target(%arg12 : memref<26624xi32, #tpu.memory_space<vmem>>) target_semaphore(%run_scoped3A : memref<!tpu.dma_semaphore, #tpu.memory_space<semaphore_mem>>)
      tpu.wait_dma2 semaphore(%run_scoped3A : memref<!tpu.dma_semaphore, #tpu.memory_space<semaphore_mem>>) src(%arg5 : memref<26624xi32, #tpu.memory_space<hbm>>) dst(%arg12 : memref<26624xi32, #tpu.memory_space<vmem>>)
      tpu.yield
    }) : () -> ()
    "tpu.region"() ({
      %run_scoped3A = tpu.sem_alloc : memref<!tpu.dma_semaphore, #tpu.memory_space<semaphore_mem>>
      tpu.enqueue_dma source(%arg6 : memref<26624xi32, #tpu.memory_space<hbm>>) target(%arg13 : memref<26624xi32, #tpu.memory_space<vmem>>) target_semaphore(%run_scoped3A : memref<!tpu.dma_semaphore, #tpu.memory_space<semaphore_mem>>)
      tpu.wait_dma2 semaphore(%run_scoped3A : memref<!tpu.dma_semaphore, #tpu.memory_space<semaphore_mem>>) src(%arg6 : memref<26624xi32, #tpu.memory_space<hbm>>) dst(%arg13 : memref<26624xi32, #tpu.memory_space<vmem>>)
      tpu.yield
    }) : () -> ()
    %scan3A = arith.constant 0 : i32
    %scan3A_1 = arith.constant 0 : i32
    %scan3A_2 = arith.constant 25 : i32
    %scan3A_3 = arith.addi %scan3A_1, %scan3A_2 : i32
    %scan3A_4 = arith.constant 1 : i32
    %scan3A_5 = scf.for %scan3A_7 = %scan3A_1 to %scan3A_3 step %scan3A_4 iter_args(%scan3A_8 = %scan3A) -> (i32)  : i32 {
      %mul3A_9 = arith.constant 250000 : i32
      %mul3A_10 = arith.muli %add3A, %mul3A_9 : i32
      %mul3A_11 = arith.constant 10000 : i32
      %mul3A_12 = arith.muli %scan3A_7, %mul3A_11 : i32
      %add3A_13 = arith.addi %mul3A_10, %mul3A_12 : i32
      "tpu.region"() ({
        %run_scoped3A = tpu.sem_alloc : memref<!tpu.dma_semaphore, #tpu.memory_space<semaphore_mem>>
        %dma_start3A = tpu.memref_slice %arg2[%add3A_13] : memref<8000000xf32, #tpu.memory_space<hbm>> -> memref<10000xf32, #tpu.memory_space<hbm>>
        %dma_start3A_17 = tpu.memref_slice %arg2[%add3A_13] : memref<8000000xf32, #tpu.memory_space<hbm>> -> memref<10000xf32, #tpu.memory_space<hbm>>
        tpu.enqueue_dma source(%dma_start3A_17 : memref<10000xf32, #tpu.memory_space<hbm>>) target(%arg8 : memref<10000xf32, #tpu.memory_space<vmem>>) target_semaphore(%run_scoped3A : memref<!tpu.dma_semaphore, #tpu.memory_space<semaphore_mem>>)
        %dma_wait3A = tpu.memref_slice %arg2[%add3A_13] : memref<8000000xf32, #tpu.memory_space<hbm>> -> memref<10000xf32, #tpu.memory_space<hbm>>
        %dma_wait3A_18 = tpu.memref_slice %arg2[%add3A_13] : memref<8000000xf32, #tpu.memory_space<hbm>> -> memref<10000xf32, #tpu.memory_space<hbm>>
        tpu.wait_dma2 semaphore(%run_scoped3A : memref<!tpu.dma_semaphore, #tpu.memory_space<semaphore_mem>>) src(%dma_wait3A_18 : memref<10000xf32, #tpu.memory_space<hbm>>) dst(%arg8 : memref<10000xf32, #tpu.memory_space<vmem>>)
        tpu.yield
      }) : () -> ()
      "tpu.region"() ({
        %run_scoped3A = tpu.sem_alloc : memref<!tpu.dma_semaphore, #tpu.memory_space<semaphore_mem>>
        %dma_start3A = tpu.memref_slice %arg3[%add3A_13] : memref<8000000xi32, #tpu.memory_space<hbm>> -> memref<10000xi32, #tpu.memory_space<hbm>>
        %dma_start3A_17 = tpu.memref_slice %arg3[%add3A_13] : memref<8000000xi32, #tpu.memory_space<hbm>> -> memref<10000xi32, #tpu.memory_space<hbm>>
        tpu.enqueue_dma source(%dma_start3A_17 : memref<10000xi32, #tpu.memory_space<hbm>>) target(%arg9 : memref<10000xi32, #tpu.memory_space<vmem>>) target_semaphore(%run_scoped3A : memref<!tpu.dma_semaphore, #tpu.memory_space<semaphore_mem>>)
        %dma_wait3A = tpu.memref_slice %arg3[%add3A_13] : memref<8000000xi32, #tpu.memory_space<hbm>> -> memref<10000xi32, #tpu.memory_space<hbm>>
        %dma_wait3A_18 = tpu.memref_slice %arg3[%add3A_13] : memref<8000000xi32, #tpu.memory_space<hbm>> -> memref<10000xi32, #tpu.memory_space<hbm>>
        tpu.wait_dma2 semaphore(%run_scoped3A : memref<!tpu.dma_semaphore, #tpu.memory_space<semaphore_mem>>) src(%dma_wait3A_18 : memref<10000xi32, #tpu.memory_space<hbm>>) dst(%arg9 : memref<10000xi32, #tpu.memory_space<vmem>>)
        tpu.yield
      }) : () -> ()
      %parallel_loop3A = arith.constant 0 : i32
      %parallel_loop3A_14 = arith.constant 625 : i32
      %parallel_loop3A_15 = arith.constant 1 : i32
      scf.for %parallel_loop3A_17 = %parallel_loop3A to %parallel_loop3A_14 step %parallel_loop3A_15  : i32 {
        %parallel_loop3A_18 = arith.constant 16 : i32
        %parallel_loop3A_19 = arith.muli %parallel_loop3A_17, %parallel_loop3A_18 : i32
        %parallel_loop3A_20 = arith.index_cast %parallel_loop3A_19 : i32 to index
        %parallel_loop3A_21 = tpu.vector_load %arg8[%parallel_loop3A_20] {strides = array<i32>} : memref<10000xf32, #tpu.memory_space<vmem>>, vector<16xf32>,
        %parallel_loop3A_22 = arith.constant 16 : i32
        %parallel_loop3A_23 = arith.muli %parallel_loop3A_17, %parallel_loop3A_22 : i32
        %parallel_loop3A_24 = arith.index_cast %parallel_loop3A_23 : i32 to index
        %parallel_loop3A_25 = tpu.vector_load %arg9[%parallel_loop3A_24] {strides = array<i32>} : memref<10000xi32, #tpu.memory_space<vmem>>, vector<16xi32>,
        %parallel_loop3A_26 = tpu.bitcast %parallel_loop3A_21 : vector<16xf32> -> vector<16xi32>
        %parallel_loop3A_27 = arith.constant -2147483648 : i32
        %parallel_loop3A_28 = vector.broadcast %parallel_loop3A_27 : i32 to vector<16xi32>
        %parallel_loop3A_29 = arith.cmpi uge, %parallel_loop3A_26, %parallel_loop3A_28 : vector<16xi32>
        %parallel_loop3A_30 = arith.constant -1 : i32
        %parallel_loop3A_31 = arith.constant -2147483648 : i32
        %parallel_loop3A_32 = vector.broadcast %parallel_loop3A_30 : i32 to vector<16xi32>
        %parallel_loop3A_33 = vector.broadcast %parallel_loop3A_31 : i32 to vector<16xi32>
        %parallel_loop3A_34 = arith.select %parallel_loop3A_29, %parallel_loop3A_32, %parallel_loop3A_33 : vector<16xi1>, vector<16xi32>
        %parallel_loop3A_35 = arith.xori %parallel_loop3A_26, %parallel_loop3A_34 : vector<16xi32>
        %parallel_loop3A_36 = arith.constant 16384 : i32
        %parallel_loop3A_37 = vector.broadcast %parallel_loop3A_36 : i32 to vector<16xi32>
        %parallel_loop3A_38 = arith.muli %parallel_loop3A_25, %parallel_loop3A_37 : vector<16xi32>
        %parallel_loop3A_39 = arith.constant 18 : i32
        %parallel_loop3A_40 = vector.broadcast %parallel_loop3A_39 : i32 to vector<16xi32>
        %parallel_loop3A_41 = arith.shrui %parallel_loop3A_35, %parallel_loop3A_40 : vector<16xi32>
        %parallel_loop3A_42 = arith.addi %parallel_loop3A_38, %parallel_loop3A_41 : vector<16xi32>
        %parallel_loop3A_43 = arith.constant 2 : i32
        %parallel_loop3A_44 = vector.broadcast %parallel_loop3A_43 : i32 to vector<16xi32>
        %parallel_loop3A_45 = arith.shrsi %parallel_loop3A_42, %parallel_loop3A_44 : vector<16xi32>
        %parallel_loop3A_46 = tpu.vector_load_idx %arg11[%parallel_loop3A_45] : memref<16384xi32, #tpu.memory_space<vmem>>[vector<16xi32>], vector<16xi32>,
        %parallel_loop3A_47 = arith.constant 3 : i32
        %parallel_loop3A_48 = vector.broadcast %parallel_loop3A_47 : i32 to vector<16xi32>
        %parallel_loop3A_49 = arith.andi %parallel_loop3A_42, %parallel_loop3A_48 : vector<16xi32>
        %parallel_loop3A_50 = arith.constant 8 : i32
        %parallel_loop3A_51 = vector.broadcast %parallel_loop3A_50 : i32 to vector<16xi32>
        %parallel_loop3A_52 = arith.muli %parallel_loop3A_49, %parallel_loop3A_51 : vector<16xi32>
        %parallel_loop3A_53 = arith.shrsi %parallel_loop3A_46, %parallel_loop3A_52 : vector<16xi32>
        %parallel_loop3A_54 = arith.constant 255 : i32
        %parallel_loop3A_55 = vector.broadcast %parallel_loop3A_54 : i32 to vector<16xi32>
        %parallel_loop3A_56 = arith.andi %parallel_loop3A_53, %parallel_loop3A_55 : vector<16xi32>
        %parallel_loop3A_57 = arith.constant 9 : i32
        %parallel_loop3A_58 = vector.broadcast %parallel_loop3A_57 : i32 to vector<16xi32>
        %parallel_loop3A_59 = arith.shrui %parallel_loop3A_35, %parallel_loop3A_58 : vector<16xi32>
        %parallel_loop3A_60 = arith.constant 511 : i32
        %parallel_loop3A_61 = vector.broadcast %parallel_loop3A_60 : i32 to vector<16xi32>
        %parallel_loop3A_62 = arith.andi %parallel_loop3A_59, %parallel_loop3A_61 : vector<16xi32>
        %parallel_loop3A_63 = arith.constant 50 : i32
        %parallel_loop3A_64 = vector.broadcast %parallel_loop3A_63 : i32 to vector<16xi32>
        %parallel_loop3A_65 = arith.cmpi sgt, %parallel_loop3A_56, %parallel_loop3A_64 : vector<16xi32>
        %parallel_loop3A_66 = arith.constant 51 : i32
        %parallel_loop3A_67 = vector.broadcast %parallel_loop3A_66 : i32 to vector<16xi32>
        %parallel_loop3A_68 = arith.subi %parallel_loop3A_56, %parallel_loop3A_67 : vector<16xi32>
        %parallel_loop3A_69 = arith.constant 512 : i32
        %parallel_loop3A_70 = vector.broadcast %parallel_loop3A_69 : i32 to vector<16xi32>
        %parallel_loop3A_71 = arith.muli %parallel_loop3A_68, %parallel_loop3A_70 : vector<16xi32>
        %parallel_loop3A_72 = arith.addi %parallel_loop3A_71, %parallel_loop3A_62 : vector<16xi32>
        %parallel_loop3A_73 = arith.constant 0 : i32
        %parallel_loop3A_74 = vector.broadcast %parallel_loop3A_73 : i32 to vector<16xi32>
        %parallel_loop3A_75 = arith.select %parallel_loop3A_65, %parallel_loop3A_72, %parallel_loop3A_74 : vector<16xi1>, vector<16xi32>
        %parallel_loop3A_76 = arith.constant 2 : i32
        %parallel_loop3A_77 = vector.broadcast %parallel_loop3A_76 : i32 to vector<16xi32>
        %parallel_loop3A_78 = arith.shrsi %parallel_loop3A_75, %parallel_loop3A_77 : vector<16xi32>
        %parallel_loop3A_79 = tpu.vector_load_idx %arg12[%parallel_loop3A_78] : memref<26624xi32, #tpu.memory_space<vmem>>[vector<16xi32>], vector<16xi32>,
        %parallel_loop3A_80 = arith.constant 3 : i32
        %parallel_loop3A_81 = vector.broadcast %parallel_loop3A_80 : i32 to vector<16xi32>
        %parallel_loop3A_82 = arith.andi %parallel_loop3A_75, %parallel_loop3A_81 : vector<16xi32>
        %parallel_loop3A_83 = arith.constant 8 : i32
        %parallel_loop3A_84 = vector.broadcast %parallel_loop3A_83 : i32 to vector<16xi32>
        %parallel_loop3A_85 = arith.muli %parallel_loop3A_82, %parallel_loop3A_84 : vector<16xi32>
        %parallel_loop3A_86 = arith.shrsi %parallel_loop3A_79, %parallel_loop3A_85 : vector<16xi32>
        %parallel_loop3A_87 = arith.constant 255 : i32
        %parallel_loop3A_88 = vector.broadcast %parallel_loop3A_87 : i32 to vector<16xi32>
        %parallel_loop3A_89 = arith.andi %parallel_loop3A_86, %parallel_loop3A_88 : vector<16xi32>
        %parallel_loop3A_90 = arith.constant 511 : i32
        %parallel_loop3A_91 = vector.broadcast %parallel_loop3A_90 : i32 to vector<16xi32>
        %parallel_loop3A_92 = arith.andi %parallel_loop3A_35, %parallel_loop3A_91 : vector<16xi32>
        %parallel_loop3A_93 = arith.constant 50 : i32
        %parallel_loop3A_94 = vector.broadcast %parallel_loop3A_93 : i32 to vector<16xi32>
        %parallel_loop3A_95 = arith.cmpi sgt, %parallel_loop3A_89, %parallel_loop3A_94 : vector<16xi32>
        %parallel_loop3A_96 = arith.constant 51 : i32
        %parallel_loop3A_97 = vector.broadcast %parallel_loop3A_96 : i32 to vector<16xi32>
        %parallel_loop3A_98 = arith.subi %parallel_loop3A_89, %parallel_loop3A_97 : vector<16xi32>
        %parallel_loop3A_99 = arith.constant 512 : i32
        %parallel_loop3A_100 = vector.broadcast %parallel_loop3A_99 : i32 to vector<16xi32>
        %parallel_loop3A_101 = arith.muli %parallel_loop3A_98, %parallel_loop3A_100 : vector<16xi32>
        %parallel_loop3A_102 = arith.addi %parallel_loop3A_101, %parallel_loop3A_92 : vector<16xi32>
        %parallel_loop3A_103 = arith.constant 0 : i32
        %parallel_loop3A_104 = vector.broadcast %parallel_loop3A_103 : i32 to vector<16xi32>
        %parallel_loop3A_105 = arith.select %parallel_loop3A_95, %parallel_loop3A_102, %parallel_loop3A_104 : vector<16xi1>, vector<16xi32>
        %parallel_loop3A_106 = arith.constant 2 : i32
        %parallel_loop3A_107 = vector.broadcast %parallel_loop3A_106 : i32 to vector<16xi32>
        %parallel_loop3A_108 = arith.shrsi %parallel_loop3A_105, %parallel_loop3A_107 : vector<16xi32>
        %parallel_loop3A_109 = tpu.vector_load_idx %arg13[%parallel_loop3A_108] : memref<26624xi32, #tpu.memory_space<vmem>>[vector<16xi32>], vector<16xi32>,
        %parallel_loop3A_110 = arith.constant 3 : i32
        %parallel_loop3A_111 = vector.broadcast %parallel_loop3A_110 : i32 to vector<16xi32>
        %parallel_loop3A_112 = arith.andi %parallel_loop3A_105, %parallel_loop3A_111 : vector<16xi32>
        %parallel_loop3A_113 = arith.constant 8 : i32
        %parallel_loop3A_114 = vector.broadcast %parallel_loop3A_113 : i32 to vector<16xi32>
        %parallel_loop3A_115 = arith.muli %parallel_loop3A_112, %parallel_loop3A_114 : vector<16xi32>
        %parallel_loop3A_116 = arith.shrsi %parallel_loop3A_109, %parallel_loop3A_115 : vector<16xi32>
        %parallel_loop3A_117 = arith.constant 255 : i32
        %parallel_loop3A_118 = vector.broadcast %parallel_loop3A_117 : i32 to vector<16xi32>
        %parallel_loop3A_119 = arith.andi %parallel_loop3A_116, %parallel_loop3A_118 : vector<16xi32>
        %parallel_loop3A_120 = arith.constant 50 : i32
        %parallel_loop3A_121 = vector.broadcast %parallel_loop3A_120 : i32 to vector<16xi32>
        %parallel_loop3A_122 = arith.cmpi sle, %parallel_loop3A_56, %parallel_loop3A_121 : vector<16xi32>
        %parallel_loop3A_123 = arith.constant 50 : i32
        %parallel_loop3A_124 = vector.broadcast %parallel_loop3A_123 : i32 to vector<16xi32>
        %parallel_loop3A_125 = arith.cmpi sle, %parallel_loop3A_89, %parallel_loop3A_124 : vector<16xi32>
        %parallel_loop3A_126 = arith.select %parallel_loop3A_125, %parallel_loop3A_89, %parallel_loop3A_119 : vector<16xi1>, vector<16xi32>
        %parallel_loop3A_127 = arith.select %parallel_loop3A_122, %parallel_loop3A_56, %parallel_loop3A_126 : vector<16xi1>, vector<16xi32>
        %parallel_loop3A_128 = arith.constant 0.000000e+00 : f32
        %parallel_loop3A_129 = vector.broadcast %parallel_loop3A_128 : f32 to vector<16xf32>
        %parallel_loop3A_130 = arith.cmpf one, %parallel_loop3A_21, %parallel_loop3A_129 : vector<16xf32>
        %parallel_loop3A_131 = arith.constant 0 : i32
        %parallel_loop3A_132 = vector.broadcast %parallel_loop3A_131 : i32 to vector<16xi32>
        %parallel_loop3A_133 = arith.select %parallel_loop3A_130, %parallel_loop3A_127, %parallel_loop3A_132 : vector<16xi1>, vector<16xi32>
        %parallel_loop3A_134 = arith.constant 16 : i32
        %parallel_loop3A_135 = arith.muli %parallel_loop3A_17, %parallel_loop3A_134 : i32
        %parallel_loop3A_136 = arith.index_cast %parallel_loop3A_135 : i32 to index
        %parallel_loop3A_137 = tpu.vector_load %arg10[%parallel_loop3A_136] {strides = array<i32>} : memref<10000xi32, #tpu.memory_space<vmem>>, vector<16xi32>,
        tpu.vector_store %arg10[%parallel_loop3A_136], %parallel_loop3A_133 {strides = array<i32>} : memref<10000xi32, #tpu.memory_space<vmem>>, vector<16xi32>,
      } {sc.loop_unroll_factor = 4 : i64, sc.parallel_access}
      "tpu.region"() ({
        %run_scoped3A = tpu.sem_alloc : memref<!tpu.dma_semaphore, #tpu.memory_space<semaphore_mem>>
        %dma_start3A = tpu.memref_slice %arg7[%add3A_13] : memref<8000000xi32, #tpu.memory_space<hbm>> -> memref<10000xi32, #tpu.memory_space<hbm>>
        %dma_start3A_17 = tpu.memref_slice %arg7[%add3A_13] : memref<8000000xi32, #tpu.memory_space<hbm>> -> memref<10000xi32, #tpu.memory_space<hbm>>
        tpu.enqueue_dma source(%arg10 : memref<10000xi32, #tpu.memory_space<vmem>>) target(%dma_start3A_17 : memref<10000xi32, #tpu.memory_space<hbm>>) target_semaphore(%run_scoped3A : memref<!tpu.dma_semaphore, #tpu.memory_space<semaphore_mem>>)
        %dma_wait3A = tpu.memref_slice %arg7[%add3A_13] : memref<8000000xi32, #tpu.memory_space<hbm>> -> memref<10000xi32, #tpu.memory_space<hbm>>
        %dma_wait3A_18 = tpu.memref_slice %arg7[%add3A_13] : memref<8000000xi32, #tpu.memory_space<hbm>> -> memref<10000xi32, #tpu.memory_space<hbm>>
        tpu.wait_dma2 semaphore(%run_scoped3A : memref<!tpu.dma_semaphore, #tpu.memory_space<semaphore_mem>>) src(%arg10 : memref<10000xi32, #tpu.memory_space<vmem>>) dst(%dma_wait3A_18 : memref<10000xi32, #tpu.memory_space<hbm>>)
        tpu.yield
      }) : () -> ()
      %scan3A_16 = arith.constant 0 : i32
      scf.yield %scan3A_16 : i32
    }
    %scan3A_6 = arith.constant 25 : i32
    return
  }
}

#map = affine_map<(d0, d1) -> (0)>
module attributes {stable_mosaic.version = 14 : i64} {
  func.func @_p3_body(%arg0: i32, %arg1: i32, %arg2: memref<8000000xf32, #tpu.memory_space<hbm>>, %arg3: memref<8000000xi32, #tpu.memory_space<hbm>>, %arg4: memref<16384xi32, #tpu.memory_space<hbm>>, %arg5: memref<65536xi32, #tpu.memory_space<hbm>>, %arg6: memref<524544xi32, #tpu.memory_space<hbm>>, %arg7: memref<5008xf32, #tpu.memory_space<vmem>>, %arg8: memref<5008xi32, #tpu.memory_space<vmem>>, %arg9: memref<5008xi32, #tpu.memory_space<vmem>>, %arg10: memref<5008xi32, #tpu.memory_space<vmem>>, %arg11: memref<16384xi32, #tpu.memory_space<vmem>>, %arg12: memref<65536xi32, #tpu.memory_space<vmem>>, %arg13: memref<262272xi32, #tpu.memory_space<vmem_shared>>) attributes {dimension_semantics = [#tpu.dimension_semantics<core_parallel>, #tpu.dimension_semantics<subcore_parallel>], iteration_bounds = array<i64: 2, 16>, scalar_prefetch = 0 : i64, scratch_operands = 7 : i64, tpu.core_type = #tpu.core_type<sc_vector_subcore>, window_params = [{transform_indices = #map}, {transform_indices = #map}, {transform_indices = #map}, {transform_indices = #map}, {transform_indices = #map}]} {
    %mul3A = arith.constant 2 : i32
    %mul3A_0 = arith.muli %arg1, %mul3A : i32
    %add3A = arith.addi %mul3A_0, %arg0 : i32
    %mul3A_1 = arith.constant 8 : i32
    %mul3A_2 = arith.muli %arg1, %mul3A_1 : i32
    %add3A_3 = arith.constant 262144 : i32
    %add3A_4 = arith.addi %add3A_3, %mul3A_2 : i32
    "tpu.region"() ({
      %run_scoped3A = tpu.sem_alloc : memref<!tpu.dma_semaphore, #tpu.memory_space<semaphore_mem>>
      tpu.enqueue_dma source(%arg4 : memref<16384xi32, #tpu.memory_space<hbm>>) target(%arg11 : memref<16384xi32, #tpu.memory_space<vmem>>) target_semaphore(%run_scoped3A : memref<!tpu.dma_semaphore, #tpu.memory_space<semaphore_mem>>)
      tpu.wait_dma2 semaphore(%run_scoped3A : memref<!tpu.dma_semaphore, #tpu.memory_space<semaphore_mem>>) src(%arg4 : memref<16384xi32, #tpu.memory_space<hbm>>) dst(%arg11 : memref<16384xi32, #tpu.memory_space<vmem>>)
      tpu.yield
    }) : () -> ()
    "tpu.region"() ({
      %run_scoped3A = tpu.sem_alloc : memref<!tpu.dma_semaphore, #tpu.memory_space<semaphore_mem>>
      tpu.enqueue_dma source(%arg5 : memref<65536xi32, #tpu.memory_space<hbm>>) target(%arg12 : memref<65536xi32, #tpu.memory_space<vmem>>) target_semaphore(%run_scoped3A : memref<!tpu.dma_semaphore, #tpu.memory_space<semaphore_mem>>)
      tpu.wait_dma2 semaphore(%run_scoped3A : memref<!tpu.dma_semaphore, #tpu.memory_space<semaphore_mem>>) src(%arg5 : memref<65536xi32, #tpu.memory_space<hbm>>) dst(%arg12 : memref<65536xi32, #tpu.memory_space<vmem>>)
      tpu.yield
    }) : () -> ()
    %scan3A = arith.constant 0 : i32
    %scan3A_5 = arith.constant 0 : i32
    %scan3A_6 = arith.constant 313 : i32
    %scan3A_7 = arith.addi %scan3A_5, %scan3A_6 : i32
    %scan3A_8 = arith.constant 1 : i32
    %scan3A_9 = scf.for %scan3A_86 = %scan3A_5 to %scan3A_7 step %scan3A_8 iter_args(%scan3A_87 = %scan3A) -> (i32)  : i32 {
      %broadcast_in_dim3A = arith.constant 0 : i32
      %broadcast_in_dim3A_88 = vector.broadcast %broadcast_in_dim3A : i32 to vector<16xi32>
      %mul3A_89 = arith.constant 16 : i32
      %mul3A_90 = arith.muli %scan3A_86, %mul3A_89 : i32
      %swap3A = arith.index_cast %mul3A_90 : i32 to index
      %swap3A_91 = tpu.vector_load %arg9[%swap3A] {strides = array<i32>} : memref<5008xi32, #tpu.memory_space<vmem>>, vector<16xi32>,
      tpu.vector_store %arg9[%swap3A], %broadcast_in_dim3A_88 {strides = array<i32>} : memref<5008xi32, #tpu.memory_space<vmem>>, vector<16xi32>,
      %scan3A_92 = arith.constant 0 : i32
      scf.yield %scan3A_92 : i32
    }
    %scan3A_10 = arith.constant 313 : i32
    %mul3A_11 = arith.constant 16392 : i32
    %mul3A_12 = arith.muli %arg1, %mul3A_11 : i32
    %add3A_13 = arith.constant 0 : i32
    %add3A_14 = arith.addi %mul3A_12, %add3A_13 : i32
    "tpu.region"() ({
      %run_scoped3A = tpu.sem_alloc : memref<!tpu.dma_semaphore, #tpu.memory_space<semaphore_mem>>
      %dma_start3A = arith.constant 0 : i32
      %dma_start3A_86 = tpu.memref_slice %arg9[%dma_start3A] : memref<5008xi32, #tpu.memory_space<vmem>> -> memref<5008xi32, #tpu.memory_space<vmem>>
      %dma_start3A_87 = tpu.memref_slice %arg13[%add3A_14] : memref<262272xi32, #tpu.memory_space<vmem_shared>> -> memref<5008xi32, #tpu.memory_space<vmem_shared>>
      %dma_start3A_88 = tpu.memref_slice %arg13[%add3A_14] : memref<262272xi32, #tpu.memory_space<vmem_shared>> -> memref<5008xi32, #tpu.memory_space<vmem_shared>>
      %dma_start3A_89 = arith.constant 0 : i32
      %dma_start3A_90 = tpu.memref_slice %arg9[%dma_start3A_89] : memref<5008xi32, #tpu.memory_space<vmem>> -> memref<5008xi32, #tpu.memory_space<vmem>>
      tpu.enqueue_dma source(%dma_start3A_90 : memref<5008xi32, #tpu.memory_space<vmem>>) target(%dma_start3A_88 : memref<5008xi32, #tpu.memory_space<vmem_shared>>) target_semaphore(%run_scoped3A : memref<!tpu.dma_semaphore, #tpu.memory_space<semaphore_mem>>)
      %dma_wait3A = arith.constant 0 : i32
      %dma_wait3A_91 = tpu.memref_slice %arg9[%dma_wait3A] : memref<5008xi32, #tpu.memory_space<vmem>> -> memref<5008xi32, #tpu.memory_space<vmem>>
      %dma_wait3A_92 = tpu.memref_slice %arg13[%add3A_14] : memref<262272xi32, #tpu.memory_space<vmem_shared>> -> memref<5008xi32, #tpu.memory_space<vmem_shared>>
      %dma_wait3A_93 = tpu.memref_slice %arg13[%add3A_14] : memref<262272xi32, #tpu.memory_space<vmem_shared>> -> memref<5008xi32, #tpu.memory_space<vmem_shared>>
      %dma_wait3A_94 = arith.constant 0 : i32
      %dma_wait3A_95 = tpu.memref_slice %arg9[%dma_wait3A_94] : memref<5008xi32, #tpu.memory_space<vmem>> -> memref<5008xi32, #tpu.memory_space<vmem>>
      tpu.wait_dma2 semaphore(%run_scoped3A : memref<!tpu.dma_semaphore, #tpu.memory_space<semaphore_mem>>) src(%dma_wait3A_95 : memref<5008xi32, #tpu.memory_space<vmem>>) dst(%dma_wait3A_93 : memref<5008xi32, #tpu.memory_space<vmem_shared>>)
      tpu.yield
    }) : () -> ()
    %mul3A_15 = arith.constant 16392 : i32
    %mul3A_16 = arith.muli %arg1, %mul3A_15 : i32
    %add3A_17 = arith.constant 5008 : i32
    %add3A_18 = arith.addi %mul3A_16, %add3A_17 : i32
    "tpu.region"() ({
      %run_scoped3A = tpu.sem_alloc : memref<!tpu.dma_semaphore, #tpu.memory_space<semaphore_mem>>
      %dma_start3A = arith.constant 0 : i32
      %dma_start3A_86 = tpu.memref_slice %arg9[%dma_start3A] : memref<5008xi32, #tpu.memory_space<vmem>> -> memref<5008xi32, #tpu.memory_space<vmem>>
      %dma_start3A_87 = tpu.memref_slice %arg13[%add3A_18] : memref<262272xi32, #tpu.memory_space<vmem_shared>> -> memref<5008xi32, #tpu.memory_space<vmem_shared>>
      %dma_start3A_88 = tpu.memref_slice %arg13[%add3A_18] : memref<262272xi32, #tpu.memory_space<vmem_shared>> -> memref<5008xi32, #tpu.memory_space<vmem_shared>>
      %dma_start3A_89 = arith.constant 0 : i32
      %dma_start3A_90 = tpu.memref_slice %arg9[%dma_start3A_89] : memref<5008xi32, #tpu.memory_space<vmem>> -> memref<5008xi32, #tpu.memory_space<vmem>>
      tpu.enqueue_dma source(%dma_start3A_90 : memref<5008xi32, #tpu.memory_space<vmem>>) target(%dma_start3A_88 : memref<5008xi32, #tpu.memory_space<vmem_shared>>) target_semaphore(%run_scoped3A : memref<!tpu.dma_semaphore, #tpu.memory_space<semaphore_mem>>)
      %dma_wait3A = arith.constant 0 : i32
      %dma_wait3A_91 = tpu.memref_slice %arg9[%dma_wait3A] : memref<5008xi32, #tpu.memory_space<vmem>> -> memref<5008xi32, #tpu.memory_space<vmem>>
      %dma_wait3A_92 = tpu.memref_slice %arg13[%add3A_18] : memref<262272xi32, #tpu.memory_space<vmem_shared>> -> memref<5008xi32, #tpu.memory_space<vmem_shared>>
      %dma_wait3A_93 = tpu.memref_slice %arg13[%add3A_18] : memref<262272xi32, #tpu.memory_space<vmem_shared>> -> memref<5008xi32, #tpu.memory_space<vmem_shared>>
      %dma_wait3A_94 = arith.constant 0 : i32
      %dma_wait3A_95 = tpu.memref_slice %arg9[%dma_wait3A_94] : memref<5008xi32, #tpu.memory_space<vmem>> -> memref<5008xi32, #tpu.memory_space<vmem>>
      tpu.wait_dma2 semaphore(%run_scoped3A : memref<!tpu.dma_semaphore, #tpu.memory_space<semaphore_mem>>) src(%dma_wait3A_95 : memref<5008xi32, #tpu.memory_space<vmem>>) dst(%dma_wait3A_93 : memref<5008xi32, #tpu.memory_space<vmem_shared>>)
      tpu.yield
    }) : () -> ()
    %mul3A_19 = arith.constant 16392 : i32
    %mul3A_20 = arith.muli %arg1, %mul3A_19 : i32
    %add3A_21 = arith.constant 10016 : i32
    %add3A_22 = arith.addi %mul3A_20, %add3A_21 : i32
    "tpu.region"() ({
      %run_scoped3A = tpu.sem_alloc : memref<!tpu.dma_semaphore, #tpu.memory_space<semaphore_mem>>
      %dma_start3A = arith.constant 0 : i32
      %dma_start3A_86 = tpu.memref_slice %arg9[%dma_start3A] : memref<5008xi32, #tpu.memory_space<vmem>> -> memref<5008xi32, #tpu.memory_space<vmem>>
      %dma_start3A_87 = tpu.memref_slice %arg13[%add3A_22] : memref<262272xi32, #tpu.memory_space<vmem_shared>> -> memref<5008xi32, #tpu.memory_space<vmem_shared>>
      %dma_start3A_88 = tpu.memref_slice %arg13[%add3A_22] : memref<262272xi32, #tpu.memory_space<vmem_shared>> -> memref<5008xi32, #tpu.memory_space<vmem_shared>>
      %dma_start3A_89 = arith.constant 0 : i32
      %dma_start3A_90 = tpu.memref_slice %arg9[%dma_start3A_89] : memref<5008xi32, #tpu.memory_space<vmem>> -> memref<5008xi32, #tpu.memory_space<vmem>>
      tpu.enqueue_dma source(%dma_start3A_90 : memref<5008xi32, #tpu.memory_space<vmem>>) target(%dma_start3A_88 : memref<5008xi32, #tpu.memory_space<vmem_shared>>) target_semaphore(%run_scoped3A : memref<!tpu.dma_semaphore, #tpu.memory_space<semaphore_mem>>)
      %dma_wait3A = arith.constant 0 : i32
      %dma_wait3A_91 = tpu.memref_slice %arg9[%dma_wait3A] : memref<5008xi32, #tpu.memory_space<vmem>> -> memref<5008xi32, #tpu.memory_space<vmem>>
      %dma_wait3A_92 = tpu.memref_slice %arg13[%add3A_22] : memref<262272xi32, #tpu.memory_space<vmem_shared>> -> memref<5008xi32, #tpu.memory_space<vmem_shared>>
      %dma_wait3A_93 = tpu.memref_slice %arg13[%add3A_22] : memref<262272xi32, #tpu.memory_space<vmem_shared>> -> memref<5008xi32, #tpu.memory_space<vmem_shared>>
      %dma_wait3A_94 = arith.constant 0 : i32
      %dma_wait3A_95 = tpu.memref_slice %arg9[%dma_wait3A_94] : memref<5008xi32, #tpu.memory_space<vmem>> -> memref<5008xi32, #tpu.memory_space<vmem>>
      tpu.wait_dma2 semaphore(%run_scoped3A : memref<!tpu.dma_semaphore, #tpu.memory_space<semaphore_mem>>) src(%dma_wait3A_95 : memref<5008xi32, #tpu.memory_space<vmem>>) dst(%dma_wait3A_93 : memref<5008xi32, #tpu.memory_space<vmem_shared>>)
      tpu.yield
    }) : () -> ()
    %mul3A_23 = arith.constant 16392 : i32
    %mul3A_24 = arith.muli %arg1, %mul3A_23 : i32
    %add3A_25 = arith.constant 15024 : i32
    %add3A_26 = arith.addi %mul3A_24, %add3A_25 : i32
    "tpu.region"() ({
      %run_scoped3A = tpu.sem_alloc : memref<!tpu.dma_semaphore, #tpu.memory_space<semaphore_mem>>
      %dma_start3A = arith.constant 0 : i32
      %dma_start3A_86 = tpu.memref_slice %arg9[%dma_start3A] : memref<5008xi32, #tpu.memory_space<vmem>> -> memref<1368xi32, #tpu.memory_space<vmem>>
      %dma_start3A_87 = tpu.memref_slice %arg13[%add3A_26] : memref<262272xi32, #tpu.memory_space<vmem_shared>> -> memref<1368xi32, #tpu.memory_space<vmem_shared>>
      %dma_start3A_88 = tpu.memref_slice %arg13[%add3A_26] : memref<262272xi32, #tpu.memory_space<vmem_shared>> -> memref<1368xi32, #tpu.memory_space<vmem_shared>>
      %dma_start3A_89 = arith.constant 0 : i32
      %dma_start3A_90 = tpu.memref_slice %arg9[%dma_start3A_89] : memref<5008xi32, #tpu.memory_space<vmem>> -> memref<1368xi32, #tpu.memory_space<vmem>>
      tpu.enqueue_dma source(%dma_start3A_90 : memref<1368xi32, #tpu.memory_space<vmem>>) target(%dma_start3A_88 : memref<1368xi32, #tpu.memory_space<vmem_shared>>) target_semaphore(%run_scoped3A : memref<!tpu.dma_semaphore, #tpu.memory_space<semaphore_mem>>)
      %dma_wait3A = arith.constant 0 : i32
      %dma_wait3A_91 = tpu.memref_slice %arg9[%dma_wait3A] : memref<5008xi32, #tpu.memory_space<vmem>> -> memref<1368xi32, #tpu.memory_space<vmem>>
      %dma_wait3A_92 = tpu.memref_slice %arg13[%add3A_26] : memref<262272xi32, #tpu.memory_space<vmem_shared>> -> memref<1368xi32, #tpu.memory_space<vmem_shared>>
      %dma_wait3A_93 = tpu.memref_slice %arg13[%add3A_26] : memref<262272xi32, #tpu.memory_space<vmem_shared>> -> memref<1368xi32, #tpu.memory_space<vmem_shared>>
      %dma_wait3A_94 = arith.constant 0 : i32
      %dma_wait3A_95 = tpu.memref_slice %arg9[%dma_wait3A_94] : memref<5008xi32, #tpu.memory_space<vmem>> -> memref<1368xi32, #tpu.memory_space<vmem>>
      tpu.wait_dma2 semaphore(%run_scoped3A : memref<!tpu.dma_semaphore, #tpu.memory_space<semaphore_mem>>) src(%dma_wait3A_95 : memref<1368xi32, #tpu.memory_space<vmem>>) dst(%dma_wait3A_93 : memref<1368xi32, #tpu.memory_space<vmem_shared>>)
      tpu.yield
    }) : () -> ()
    %scan3A_27 = arith.constant 0 : i32
    %scan3A_28 = arith.constant 0 : i32
    %scan3A_29 = arith.constant 313 : i32
    %scan3A_30 = arith.addi %scan3A_28, %scan3A_29 : i32
    %scan3A_31 = arith.constant 1 : i32
    %scan3A_32 = scf.for %scan3A_86 = %scan3A_28 to %scan3A_30 step %scan3A_31 iter_args(%scan3A_87 = %scan3A_27) -> (i32)  : i32 {
      %broadcast_in_dim3A = arith.constant 1 : i32
      %broadcast_in_dim3A_88 = vector.broadcast %broadcast_in_dim3A : i32 to vector<16xi32>
      %mul3A_89 = arith.constant 16 : i32
      %mul3A_90 = arith.muli %scan3A_86, %mul3A_89 : i32
      %swap3A = arith.index_cast %mul3A_90 : i32 to index
      %swap3A_91 = tpu.vector_load %arg10[%swap3A] {strides = array<i32>} : memref<5008xi32, #tpu.memory_space<vmem>>, vector<16xi32>,
      tpu.vector_store %arg10[%swap3A], %broadcast_in_dim3A_88 {strides = array<i32>} : memref<5008xi32, #tpu.memory_space<vmem>>, vector<16xi32>,
      %scan3A_92 = arith.constant 0 : i32
      scf.yield %scan3A_92 : i32
    }
    %scan3A_33 = arith.constant 313 : i32
    %barrier3A = arith.constant 0 : index
    tpu.barrier barrier_id(%barrier3A)
    %scan3A_34 = arith.constant 0 : i32
    %scan3A_35 = arith.constant 0 : i32
    %scan3A_36 = arith.constant 25 : i32
    %scan3A_37 = arith.addi %scan3A_35, %scan3A_36 : i32
    %scan3A_38 = arith.constant 1 : i32
    %scan3A_39 = scf.for %scan3A_86 = %scan3A_35 to %scan3A_37 step %scan3A_38 iter_args(%scan3A_87 = %scan3A_34) -> (i32)  : i32 {
      %mul3A_88 = arith.constant 250000 : i32
      %mul3A_89 = arith.muli %add3A, %mul3A_88 : i32
      %mul3A_90 = arith.constant 10000 : i32
      %mul3A_91 = arith.muli %scan3A_86, %mul3A_90 : i32
      %add3A_92 = arith.addi %mul3A_89, %mul3A_91 : i32
      %add3A_93 = arith.constant 0 : i32
      %add3A_94 = arith.addi %add3A_92, %add3A_93 : i32
      "tpu.region"() ({
        %run_scoped3A = tpu.sem_alloc : memref<!tpu.dma_semaphore, #tpu.memory_space<semaphore_mem>>
        %dma_start3A = arith.constant 0 : i32
        %dma_start3A_111 = tpu.memref_slice %arg7[%dma_start3A] : memref<5008xf32, #tpu.memory_space<vmem>> -> memref<5008xf32, #tpu.memory_space<vmem>>
        %dma_start3A_112 = tpu.memref_slice %arg2[%add3A_94] : memref<8000000xf32, #tpu.memory_space<hbm>> -> memref<5008xf32, #tpu.memory_space<hbm>>
        %dma_start3A_113 = arith.constant 0 : i32
        %dma_start3A_114 = tpu.memref_slice %arg7[%dma_start3A_113] : memref<5008xf32, #tpu.memory_space<vmem>> -> memref<5008xf32, #tpu.memory_space<vmem>>
        %dma_start3A_115 = tpu.memref_slice %arg2[%add3A_94] : memref<8000000xf32, #tpu.memory_space<hbm>> -> memref<5008xf32, #tpu.memory_space<hbm>>
        tpu.enqueue_dma source(%dma_start3A_115 : memref<5008xf32, #tpu.memory_space<hbm>>) target(%dma_start3A_114 : memref<5008xf32, #tpu.memory_space<vmem>>) target_semaphore(%run_scoped3A : memref<!tpu.dma_semaphore, #tpu.memory_space<semaphore_mem>>)
        %dma_wait3A = arith.constant 0 : i32
        %dma_wait3A_116 = tpu.memref_slice %arg7[%dma_wait3A] : memref<5008xf32, #tpu.memory_space<vmem>> -> memref<5008xf32, #tpu.memory_space<vmem>>
        %dma_wait3A_117 = tpu.memref_slice %arg2[%add3A_94] : memref<8000000xf32, #tpu.memory_space<hbm>> -> memref<5008xf32, #tpu.memory_space<hbm>>
        %dma_wait3A_118 = arith.constant 0 : i32
        %dma_wait3A_119 = tpu.memref_slice %arg7[%dma_wait3A_118] : memref<5008xf32, #tpu.memory_space<vmem>> -> memref<5008xf32, #tpu.memory_space<vmem>>
        %dma_wait3A_120 = tpu.memref_slice %arg2[%add3A_94] : memref<8000000xf32, #tpu.memory_space<hbm>> -> memref<5008xf32, #tpu.memory_space<hbm>>
        tpu.wait_dma2 semaphore(%run_scoped3A : memref<!tpu.dma_semaphore, #tpu.memory_space<semaphore_mem>>) src(%dma_wait3A_120 : memref<5008xf32, #tpu.memory_space<hbm>>) dst(%dma_wait3A_119 : memref<5008xf32, #tpu.memory_space<vmem>>)
        tpu.yield
      }) : () -> ()
      %add3A_95 = arith.constant 0 : i32
      %add3A_96 = arith.addi %add3A_92, %add3A_95 : i32
      "tpu.region"() ({
        %run_scoped3A = tpu.sem_alloc : memref<!tpu.dma_semaphore, #tpu.memory_space<semaphore_mem>>
        %dma_start3A = arith.constant 0 : i32
        %dma_start3A_111 = tpu.memref_slice %arg8[%dma_start3A] : memref<5008xi32, #tpu.memory_space<vmem>> -> memref<5008xi32, #tpu.memory_space<vmem>>
        %dma_start3A_112 = tpu.memref_slice %arg3[%add3A_96] : memref<8000000xi32, #tpu.memory_space<hbm>> -> memref<5008xi32, #tpu.memory_space<hbm>>
        %dma_start3A_113 = arith.constant 0 : i32
        %dma_start3A_114 = tpu.memref_slice %arg8[%dma_start3A_113] : memref<5008xi32, #tpu.memory_space<vmem>> -> memref<5008xi32, #tpu.memory_space<vmem>>
        %dma_start3A_115 = tpu.memref_slice %arg3[%add3A_96] : memref<8000000xi32, #tpu.memory_space<hbm>> -> memref<5008xi32, #tpu.memory_space<hbm>>
        tpu.enqueue_dma source(%dma_start3A_115 : memref<5008xi32, #tpu.memory_space<hbm>>) target(%dma_start3A_114 : memref<5008xi32, #tpu.memory_space<vmem>>) target_semaphore(%run_scoped3A : memref<!tpu.dma_semaphore, #tpu.memory_space<semaphore_mem>>)
        %dma_wait3A = arith.constant 0 : i32
        %dma_wait3A_116 = tpu.memref_slice %arg8[%dma_wait3A] : memref<5008xi32, #tpu.memory_space<vmem>> -> memref<5008xi32, #tpu.memory_space<vmem>>
        %dma_wait3A_117 = tpu.memref_slice %arg3[%add3A_96] : memref<8000000xi32, #tpu.memory_space<hbm>> -> memref<5008xi32, #tpu.memory_space<hbm>>
        %dma_wait3A_118 = arith.constant 0 : i32
        %dma_wait3A_119 = tpu.memref_slice %arg8[%dma_wait3A_118] : memref<5008xi32, #tpu.memory_space<vmem>> -> memref<5008xi32, #tpu.memory_space<vmem>>
        %dma_wait3A_120 = tpu.memref_slice %arg3[%add3A_96] : memref<8000000xi32, #tpu.memory_space<hbm>> -> memref<5008xi32, #tpu.memory_space<hbm>>
        tpu.wait_dma2 semaphore(%run_scoped3A : memref<!tpu.dma_semaphore, #tpu.memory_space<semaphore_mem>>) src(%dma_wait3A_120 : memref<5008xi32, #tpu.memory_space<hbm>>) dst(%dma_wait3A_119 : memref<5008xi32, #tpu.memory_space<vmem>>)
        tpu.yield
      }) : () -> ()
      %parallel_loop3A = arith.constant 0 : i32
      %parallel_loop3A_97 = arith.constant 313 : i32
      %parallel_loop3A_98 = arith.constant 1 : i32
      scf.for %parallel_loop3A_111 = %parallel_loop3A to %parallel_loop3A_97 step %parallel_loop3A_98  : i32 {
        %parallel_loop3A_112 = arith.constant 16 : i32
        %parallel_loop3A_113 = arith.muli %parallel_loop3A_111, %parallel_loop3A_112 : i32
        %parallel_loop3A_114 = arith.index_cast %parallel_loop3A_113 : i32 to index
        %parallel_loop3A_115 = tpu.vector_load %arg7[%parallel_loop3A_114] {strides = array<i32>} : memref<5008xf32, #tpu.memory_space<vmem>>, vector<16xf32>,
        %parallel_loop3A_116 = arith.constant 16 : i32
        %parallel_loop3A_117 = arith.muli %parallel_loop3A_111, %parallel_loop3A_116 : i32
        %parallel_loop3A_118 = arith.index_cast %parallel_loop3A_117 : i32 to index
        %parallel_loop3A_119 = tpu.vector_load %arg8[%parallel_loop3A_118] {strides = array<i32>} : memref<5008xi32, #tpu.memory_space<vmem>>, vector<16xi32>,
        %parallel_loop3A_120 = tpu.bitcast %parallel_loop3A_115 : vector<16xf32> -> vector<16xi32>
        %parallel_loop3A_121 = arith.constant -2147483648 : i32
        %parallel_loop3A_122 = vector.broadcast %parallel_loop3A_121 : i32 to vector<16xi32>
        %parallel_loop3A_123 = arith.cmpi uge, %parallel_loop3A_120, %parallel_loop3A_122 : vector<16xi32>
        %parallel_loop3A_124 = arith.constant -1 : i32
        %parallel_loop3A_125 = arith.constant -2147483648 : i32
        %parallel_loop3A_126 = vector.broadcast %parallel_loop3A_124 : i32 to vector<16xi32>
        %parallel_loop3A_127 = vector.broadcast %parallel_loop3A_125 : i32 to vector<16xi32>
        %parallel_loop3A_128 = arith.select %parallel_loop3A_123, %parallel_loop3A_126, %parallel_loop3A_127 : vector<16xi1>, vector<16xi32>
        %parallel_loop3A_129 = arith.xori %parallel_loop3A_120, %parallel_loop3A_128 : vector<16xi32>
        %parallel_loop3A_130 = arith.constant 16384 : i32
        %parallel_loop3A_131 = vector.broadcast %parallel_loop3A_130 : i32 to vector<16xi32>
        %parallel_loop3A_132 = arith.muli %parallel_loop3A_119, %parallel_loop3A_131 : vector<16xi32>
        %parallel_loop3A_133 = arith.constant 18 : i32
        %parallel_loop3A_134 = vector.broadcast %parallel_loop3A_133 : i32 to vector<16xi32>
        %parallel_loop3A_135 = arith.shrui %parallel_loop3A_129, %parallel_loop3A_134 : vector<16xi32>
        %parallel_loop3A_136 = arith.addi %parallel_loop3A_132, %parallel_loop3A_135 : vector<16xi32>
        %parallel_loop3A_137 = arith.constant 2 : i32
        %parallel_loop3A_138 = vector.broadcast %parallel_loop3A_137 : i32 to vector<16xi32>
        %parallel_loop3A_139 = arith.shrsi %parallel_loop3A_136, %parallel_loop3A_138 : vector<16xi32>
        %parallel_loop3A_140 = tpu.vector_load_idx %arg11[%parallel_loop3A_139] : memref<16384xi32, #tpu.memory_space<vmem>>[vector<16xi32>], vector<16xi32>,
        %parallel_loop3A_141 = arith.constant 3 : i32
        %parallel_loop3A_142 = vector.broadcast %parallel_loop3A_141 : i32 to vector<16xi32>
        %parallel_loop3A_143 = arith.andi %parallel_loop3A_136, %parallel_loop3A_142 : vector<16xi32>
        %parallel_loop3A_144 = arith.constant 8 : i32
        %parallel_loop3A_145 = vector.broadcast %parallel_loop3A_144 : i32 to vector<16xi32>
        %parallel_loop3A_146 = arith.muli %parallel_loop3A_143, %parallel_loop3A_145 : vector<16xi32>
        %parallel_loop3A_147 = arith.shrsi %parallel_loop3A_140, %parallel_loop3A_146 : vector<16xi32>
        %parallel_loop3A_148 = arith.constant 255 : i32
        %parallel_loop3A_149 = vector.broadcast %parallel_loop3A_148 : i32 to vector<16xi32>
        %parallel_loop3A_150 = arith.andi %parallel_loop3A_147, %parallel_loop3A_149 : vector<16xi32>
        %parallel_loop3A_151 = arith.constant 0.000000e+00 : f32
        %parallel_loop3A_152 = vector.broadcast %parallel_loop3A_151 : f32 to vector<16xf32>
        %parallel_loop3A_153 = arith.cmpf one, %parallel_loop3A_115, %parallel_loop3A_152 : vector<16xf32>
        %parallel_loop3A_154 = arith.constant 0 : i32
        %parallel_loop3A_155 = vector.broadcast %parallel_loop3A_154 : i32 to vector<16xi32>
        %parallel_loop3A_156 = arith.cmpi sgt, %parallel_loop3A_150, %parallel_loop3A_155 : vector<16xi32>
        %parallel_loop3A_157 = arith.andi %parallel_loop3A_153, %parallel_loop3A_156 : vector<16xi1>
        %parallel_loop3A_158 = arith.constant 128 : i32
        %parallel_loop3A_159 = vector.broadcast %parallel_loop3A_158 : i32 to vector<16xi32>
        %parallel_loop3A_160 = arith.muli %parallel_loop3A_119, %parallel_loop3A_159 : vector<16xi32>
        %parallel_loop3A_161 = arith.addi %parallel_loop3A_160, %parallel_loop3A_150 : vector<16xi32>
        %parallel_loop3A_162 = arith.constant 1 : i32
        %parallel_loop3A_163 = vector.broadcast %parallel_loop3A_162 : i32 to vector<16xi32>
        %parallel_loop3A_164 = arith.subi %parallel_loop3A_161, %parallel_loop3A_163 : vector<16xi32>
        %parallel_loop3A_165 = arith.constant 512 : i32
        %parallel_loop3A_166 = vector.broadcast %parallel_loop3A_165 : i32 to vector<16xi32>
        %parallel_loop3A_167 = arith.muli %parallel_loop3A_164, %parallel_loop3A_166 : vector<16xi32>
        %parallel_loop3A_168 = arith.constant 9 : i32
        %parallel_loop3A_169 = vector.broadcast %parallel_loop3A_168 : i32 to vector<16xi32>
        %parallel_loop3A_170 = arith.shrui %parallel_loop3A_129, %parallel_loop3A_169 : vector<16xi32>
        %parallel_loop3A_171 = arith.constant 511 : i32
        %parallel_loop3A_172 = vector.broadcast %parallel_loop3A_171 : i32 to vector<16xi32>
        %parallel_loop3A_173 = arith.andi %parallel_loop3A_170, %parallel_loop3A_172 : vector<16xi32>
        %parallel_loop3A_174 = arith.addi %parallel_loop3A_167, %parallel_loop3A_173 : vector<16xi32>
        %parallel_loop3A_175 = arith.constant 0 : i32
        %parallel_loop3A_176 = vector.broadcast %parallel_loop3A_175 : i32 to vector<16xi32>
        %parallel_loop3A_177 = arith.select %parallel_loop3A_157, %parallel_loop3A_174, %parallel_loop3A_176 : vector<16xi1>, vector<16xi32>
        %parallel_loop3A_178 = arith.constant 2 : i32
        %parallel_loop3A_179 = vector.broadcast %parallel_loop3A_178 : i32 to vector<16xi32>
        %parallel_loop3A_180 = arith.shrsi %parallel_loop3A_177, %parallel_loop3A_179 : vector<16xi32>
        %parallel_loop3A_181 = tpu.vector_load_idx %arg12[%parallel_loop3A_180] : memref<65536xi32, #tpu.memory_space<vmem>>[vector<16xi32>], vector<16xi32>,
        %parallel_loop3A_182 = arith.constant 3 : i32
        %parallel_loop3A_183 = vector.broadcast %parallel_loop3A_182 : i32 to vector<16xi32>
        %parallel_loop3A_184 = arith.andi %parallel_loop3A_177, %parallel_loop3A_183 : vector<16xi32>
        %parallel_loop3A_185 = arith.constant 8 : i32
        %parallel_loop3A_186 = vector.broadcast %parallel_loop3A_185 : i32 to vector<16xi32>
        %parallel_loop3A_187 = arith.muli %parallel_loop3A_184, %parallel_loop3A_186 : vector<16xi32>
        %parallel_loop3A_188 = arith.shrsi %parallel_loop3A_181, %parallel_loop3A_187 : vector<16xi32>
        %parallel_loop3A_189 = arith.constant 255 : i32
        %parallel_loop3A_190 = vector.broadcast %parallel_loop3A_189 : i32 to vector<16xi32>
        %parallel_loop3A_191 = arith.andi %parallel_loop3A_188, %parallel_loop3A_190 : vector<16xi32>
        %parallel_loop3A_192 = arith.constant 0 : i32
        %parallel_loop3A_193 = vector.broadcast %parallel_loop3A_192 : i32 to vector<16xi32>
        %parallel_loop3A_194 = arith.cmpi sgt, %parallel_loop3A_191, %parallel_loop3A_193 : vector<16xi32>
        %parallel_loop3A_195 = arith.andi %parallel_loop3A_157, %parallel_loop3A_194 : vector<16xi1>
        %parallel_loop3A_196 = arith.constant 128 : i32
        %parallel_loop3A_197 = vector.broadcast %parallel_loop3A_196 : i32 to vector<16xi32>
        %parallel_loop3A_198 = arith.muli %parallel_loop3A_119, %parallel_loop3A_197 : vector<16xi32>
        %parallel_loop3A_199 = arith.addi %parallel_loop3A_198, %parallel_loop3A_191 : vector<16xi32>
        %parallel_loop3A_200 = arith.constant 1 : i32
        %parallel_loop3A_201 = vector.broadcast %parallel_loop3A_200 : i32 to vector<16xi32>
        %parallel_loop3A_202 = arith.subi %parallel_loop3A_199, %parallel_loop3A_201 : vector<16xi32>
        %parallel_loop3A_203 = arith.constant 512 : i32
        %parallel_loop3A_204 = vector.broadcast %parallel_loop3A_203 : i32 to vector<16xi32>
        %parallel_loop3A_205 = arith.muli %parallel_loop3A_202, %parallel_loop3A_204 : vector<16xi32>
        %parallel_loop3A_206 = arith.constant 511 : i32
        %parallel_loop3A_207 = vector.broadcast %parallel_loop3A_206 : i32 to vector<16xi32>
        %parallel_loop3A_208 = arith.andi %parallel_loop3A_129, %parallel_loop3A_207 : vector<16xi32>
        %parallel_loop3A_209 = arith.addi %parallel_loop3A_205, %parallel_loop3A_208 : vector<16xi32>
        %parallel_loop3A_210 = vector.broadcast %add3A_4 : i32 to vector<16xi32>
        %parallel_loop3A_211 = arith.select %parallel_loop3A_195, %parallel_loop3A_209, %parallel_loop3A_210 : vector<16xi1>, vector<16xi32>
        %parallel_loop3A_212 = arith.constant 16 : i32
        %parallel_loop3A_213 = arith.muli %parallel_loop3A_111, %parallel_loop3A_212 : i32
        %parallel_loop3A_214 = arith.index_cast %parallel_loop3A_213 : i32 to index
        %parallel_loop3A_215 = tpu.vector_load %arg9[%parallel_loop3A_214] {strides = array<i32>} : memref<5008xi32, #tpu.memory_space<vmem>>, vector<16xi32>,
        tpu.vector_store %arg9[%parallel_loop3A_214], %parallel_loop3A_211 {strides = array<i32>} : memref<5008xi32, #tpu.memory_space<vmem>>, vector<16xi32>,
      } {sc.loop_unroll_factor = 4 : i64, sc.parallel_access}
      "tpu.region"() ({
        %run_scoped3A = tpu.sem_alloc : memref<!tpu.dma_semaphore, #tpu.memory_space<semaphore_mem>>
        %dma_start3A = arith.constant 0 : i32
        %dma_start3A_111 = tpu.memref_slice %arg13[%dma_start3A] : memref<262272xi32, #tpu.memory_space<vmem_shared>> -> memref<262272xi32, #tpu.memory_space<vmem_shared>>
        tpu.enqueue_indirect_dma source(%arg10 : memref<5008xi32, #tpu.memory_space<vmem>>) target(%dma_start3A_111 : memref<262272xi32, #tpu.memory_space<vmem_shared>>) offsets(%arg9 : memref<5008xi32, #tpu.memory_space<vmem>>) semaphore(%run_scoped3A : memref<!tpu.dma_semaphore, #tpu.memory_space<semaphore_mem>>) {add = true}
        %dma_wait3A = arith.constant 0 : i32
        %dma_wait3A_112 = tpu.memref_slice %arg13[%dma_wait3A] : memref<262272xi32, #tpu.memory_space<vmem_shared>> -> memref<262272xi32, #tpu.memory_space<vmem_shared>>
        tpu.wait_indirect_dma semaphore(%run_scoped3A : memref<!tpu.dma_semaphore, #tpu.memory_space<semaphore_mem>>) src(%arg10 : memref<5008xi32, #tpu.memory_space<vmem>>) dst(%dma_wait3A_112 : memref<262272xi32, #tpu.memory_space<vmem_shared>>)
        tpu.yield
      }) : () -> ()
      %add3A_99 = arith.constant 5008 : i32
      %add3A_100 = arith.addi %add3A_92, %add3A_99 : i32
      "tpu.region"() ({
        %run_scoped3A = tpu.sem_alloc : memref<!tpu.dma_semaphore, #tpu.memory_space<semaphore_mem>>
        %dma_start3A = arith.constant 0 : i32
        %dma_start3A_111 = tpu.memref_slice %arg7[%dma_start3A] : memref<5008xf32, #tpu.memory_space<vmem>> -> memref<4992xf32, #tpu.memory_space<vmem>>
        %dma_start3A_112 = tpu.memref_slice %arg2[%add3A_100] : memref<8000000xf32, #tpu.memory_space<hbm>> -> memref<4992xf32, #tpu.memory_space<hbm>>
        %dma_start3A_113 = arith.constant 0 : i32
        %dma_start3A_114 = tpu.memref_slice %arg7[%dma_start3A_113] : memref<5008xf32, #tpu.memory_space<vmem>> -> memref<4992xf32, #tpu.memory_space<vmem>>
        %dma_start3A_115 = tpu.memref_slice %arg2[%add3A_100] : memref<8000000xf32, #tpu.memory_space<hbm>> -> memref<4992xf32, #tpu.memory_space<hbm>>
        tpu.enqueue_dma source(%dma_start3A_115 : memref<4992xf32, #tpu.memory_space<hbm>>) target(%dma_start3A_114 : memref<4992xf32, #tpu.memory_space<vmem>>) target_semaphore(%run_scoped3A : memref<!tpu.dma_semaphore, #tpu.memory_space<semaphore_mem>>)
        %dma_wait3A = arith.constant 0 : i32
        %dma_wait3A_116 = tpu.memref_slice %arg7[%dma_wait3A] : memref<5008xf32, #tpu.memory_space<vmem>> -> memref<4992xf32, #tpu.memory_space<vmem>>
        %dma_wait3A_117 = tpu.memref_slice %arg2[%add3A_100] : memref<8000000xf32, #tpu.memory_space<hbm>> -> memref<4992xf32, #tpu.memory_space<hbm>>
        %dma_wait3A_118 = arith.constant 0 : i32
        %dma_wait3A_119 = tpu.memref_slice %arg7[%dma_wait3A_118] : memref<5008xf32, #tpu.memory_space<vmem>> -> memref<4992xf32, #tpu.memory_space<vmem>>
        %dma_wait3A_120 = tpu.memref_slice %arg2[%add3A_100] : memref<8000000xf32, #tpu.memory_space<hbm>> -> memref<4992xf32, #tpu.memory_space<hbm>>
        tpu.wait_dma2 semaphore(%run_scoped3A : memref<!tpu.dma_semaphore, #tpu.memory_space<semaphore_mem>>) src(%dma_wait3A_120 : memref<4992xf32, #tpu.memory_space<hbm>>) dst(%dma_wait3A_119 : memref<4992xf32, #tpu.memory_space<vmem>>)
        tpu.yield
      }) : () -> ()
      %add3A_101 = arith.constant 5008 : i32
      %add3A_102 = arith.addi %add3A_92, %add3A_101 : i32
      "tpu.region"() ({
        %run_scoped3A = tpu.sem_alloc : memref<!tpu.dma_semaphore, #tpu.memory_space<semaphore_mem>>
        %dma_start3A = arith.constant 0 : i32
        %dma_start3A_111 = tpu.memref_slice %arg8[%dma_start3A] : memref<5008xi32, #tpu.memory_space<vmem>> -> memref<4992xi32, #tpu.memory_space<vmem>>
        %dma_start3A_112 = tpu.memref_slice %arg3[%add3A_102] : memref<8000000xi32, #tpu.memory_space<hbm>> -> memref<4992xi32, #tpu.memory_space<hbm>>
        %dma_start3A_113 = arith.constant 0 : i32
        %dma_start3A_114 = tpu.memref_slice %arg8[%dma_start3A_113] : memref<5008xi32, #tpu.memory_space<vmem>> -> memref<4992xi32, #tpu.memory_space<vmem>>
        %dma_start3A_115 = tpu.memref_slice %arg3[%add3A_102] : memref<8000000xi32, #tpu.memory_space<hbm>> -> memref<4992xi32, #tpu.memory_space<hbm>>
        tpu.enqueue_dma source(%dma_start3A_115 : memref<4992xi32, #tpu.memory_space<hbm>>) target(%dma_start3A_114 : memref<4992xi32, #tpu.memory_space<vmem>>) target_semaphore(%run_scoped3A : memref<!tpu.dma_semaphore, #tpu.memory_space<semaphore_mem>>)
        %dma_wait3A = arith.constant 0 : i32
        %dma_wait3A_116 = tpu.memref_slice %arg8[%dma_wait3A] : memref<5008xi32, #tpu.memory_space<vmem>> -> memref<4992xi32, #tpu.memory_space<vmem>>
        %dma_wait3A_117 = tpu.memref_slice %arg3[%add3A_102] : memref<8000000xi32, #tpu.memory_space<hbm>> -> memref<4992xi32, #tpu.memory_space<hbm>>
        %dma_wait3A_118 = arith.constant 0 : i32
        %dma_wait3A_119 = tpu.memref_slice %arg8[%dma_wait3A_118] : memref<5008xi32, #tpu.memory_space<vmem>> -> memref<4992xi32, #tpu.memory_space<vmem>>
        %dma_wait3A_120 = tpu.memref_slice %arg3[%add3A_102] : memref<8000000xi32, #tpu.memory_space<hbm>> -> memref<4992xi32, #tpu.memory_space<hbm>>
        tpu.wait_dma2 semaphore(%run_scoped3A : memref<!tpu.dma_semaphore, #tpu.memory_space<semaphore_mem>>) src(%dma_wait3A_120 : memref<4992xi32, #tpu.memory_space<hbm>>) dst(%dma_wait3A_119 : memref<4992xi32, #tpu.memory_space<vmem>>)
        tpu.yield
      }) : () -> ()
      %parallel_loop3A_103 = arith.constant 0 : i32
      %parallel_loop3A_104 = arith.constant 312 : i32
      %parallel_loop3A_105 = arith.constant 1 : i32
      scf.for %parallel_loop3A_111 = %parallel_loop3A_103 to %parallel_loop3A_104 step %parallel_loop3A_105  : i32 {
        %parallel_loop3A_112 = arith.constant 16 : i32
        %parallel_loop3A_113 = arith.muli %parallel_loop3A_111, %parallel_loop3A_112 : i32
        %parallel_loop3A_114 = arith.index_cast %parallel_loop3A_113 : i32 to index
        %parallel_loop3A_115 = tpu.vector_load %arg7[%parallel_loop3A_114] {strides = array<i32>} : memref<5008xf32, #tpu.memory_space<vmem>>, vector<16xf32>,
        %parallel_loop3A_116 = arith.constant 16 : i32
        %parallel_loop3A_117 = arith.muli %parallel_loop3A_111, %parallel_loop3A_116 : i32
        %parallel_loop3A_118 = arith.index_cast %parallel_loop3A_117 : i32 to index
        %parallel_loop3A_119 = tpu.vector_load %arg8[%parallel_loop3A_118] {strides = array<i32>} : memref<5008xi32, #tpu.memory_space<vmem>>, vector<16xi32>,
        %parallel_loop3A_120 = tpu.bitcast %parallel_loop3A_115 : vector<16xf32> -> vector<16xi32>
        %parallel_loop3A_121 = arith.constant -2147483648 : i32
        %parallel_loop3A_122 = vector.broadcast %parallel_loop3A_121 : i32 to vector<16xi32>
        %parallel_loop3A_123 = arith.cmpi uge, %parallel_loop3A_120, %parallel_loop3A_122 : vector<16xi32>
        %parallel_loop3A_124 = arith.constant -1 : i32
        %parallel_loop3A_125 = arith.constant -2147483648 : i32
        %parallel_loop3A_126 = vector.broadcast %parallel_loop3A_124 : i32 to vector<16xi32>
        %parallel_loop3A_127 = vector.broadcast %parallel_loop3A_125 : i32 to vector<16xi32>
        %parallel_loop3A_128 = arith.select %parallel_loop3A_123, %parallel_loop3A_126, %parallel_loop3A_127 : vector<16xi1>, vector<16xi32>
        %parallel_loop3A_129 = arith.xori %parallel_loop3A_120, %parallel_loop3A_128 : vector<16xi32>
        %parallel_loop3A_130 = arith.constant 16384 : i32
        %parallel_loop3A_131 = vector.broadcast %parallel_loop3A_130 : i32 to vector<16xi32>
        %parallel_loop3A_132 = arith.muli %parallel_loop3A_119, %parallel_loop3A_131 : vector<16xi32>
        %parallel_loop3A_133 = arith.constant 18 : i32
        %parallel_loop3A_134 = vector.broadcast %parallel_loop3A_133 : i32 to vector<16xi32>
        %parallel_loop3A_135 = arith.shrui %parallel_loop3A_129, %parallel_loop3A_134 : vector<16xi32>
        %parallel_loop3A_136 = arith.addi %parallel_loop3A_132, %parallel_loop3A_135 : vector<16xi32>
        %parallel_loop3A_137 = arith.constant 2 : i32
        %parallel_loop3A_138 = vector.broadcast %parallel_loop3A_137 : i32 to vector<16xi32>
        %parallel_loop3A_139 = arith.shrsi %parallel_loop3A_136, %parallel_loop3A_138 : vector<16xi32>
        %parallel_loop3A_140 = tpu.vector_load_idx %arg11[%parallel_loop3A_139] : memref<16384xi32, #tpu.memory_space<vmem>>[vector<16xi32>], vector<16xi32>,
        %parallel_loop3A_141 = arith.constant 3 : i32
        %parallel_loop3A_142 = vector.broadcast %parallel_loop3A_141 : i32 to vector<16xi32>
        %parallel_loop3A_143 = arith.andi %parallel_loop3A_136, %parallel_loop3A_142 : vector<16xi32>
        %parallel_loop3A_144 = arith.constant 8 : i32
        %parallel_loop3A_145 = vector.broadcast %parallel_loop3A_144 : i32 to vector<16xi32>
        %parallel_loop3A_146 = arith.muli %parallel_loop3A_143, %parallel_loop3A_145 : vector<16xi32>
        %parallel_loop3A_147 = arith.shrsi %parallel_loop3A_140, %parallel_loop3A_146 : vector<16xi32>
        %parallel_loop3A_148 = arith.constant 255 : i32
        %parallel_loop3A_149 = vector.broadcast %parallel_loop3A_148 : i32 to vector<16xi32>
        %parallel_loop3A_150 = arith.andi %parallel_loop3A_147, %parallel_loop3A_149 : vector<16xi32>
        %parallel_loop3A_151 = arith.constant 0.000000e+00 : f32
        %parallel_loop3A_152 = vector.broadcast %parallel_loop3A_151 : f32 to vector<16xf32>
        %parallel_loop3A_153 = arith.cmpf one, %parallel_loop3A_115, %parallel_loop3A_152 : vector<16xf32>
        %parallel_loop3A_154 = arith.constant 0 : i32
        %parallel_loop3A_155 = vector.broadcast %parallel_loop3A_154 : i32 to vector<16xi32>
        %parallel_loop3A_156 = arith.cmpi sgt, %parallel_loop3A_150, %parallel_loop3A_155 : vector<16xi32>
        %parallel_loop3A_157 = arith.andi %parallel_loop3A_153, %parallel_loop3A_156 : vector<16xi1>
        %parallel_loop3A_158 = arith.constant 128 : i32
        %parallel_loop3A_159 = vector.broadcast %parallel_loop3A_158 : i32 to vector<16xi32>
        %parallel_loop3A_160 = arith.muli %parallel_loop3A_119, %parallel_loop3A_159 : vector<16xi32>
        %parallel_loop3A_161 = arith.addi %parallel_loop3A_160, %parallel_loop3A_150 : vector<16xi32>
        %parallel_loop3A_162 = arith.constant 1 : i32
        %parallel_loop3A_163 = vector.broadcast %parallel_loop3A_162 : i32 to vector<16xi32>
        %parallel_loop3A_164 = arith.subi %parallel_loop3A_161, %parallel_loop3A_163 : vector<16xi32>
        %parallel_loop3A_165 = arith.constant 512 : i32
        %parallel_loop3A_166 = vector.broadcast %parallel_loop3A_165 : i32 to vector<16xi32>
        %parallel_loop3A_167 = arith.muli %parallel_loop3A_164, %parallel_loop3A_166 : vector<16xi32>
        %parallel_loop3A_168 = arith.constant 9 : i32
        %parallel_loop3A_169 = vector.broadcast %parallel_loop3A_168 : i32 to vector<16xi32>
        %parallel_loop3A_170 = arith.shrui %parallel_loop3A_129, %parallel_loop3A_169 : vector<16xi32>
        %parallel_loop3A_171 = arith.constant 511 : i32
        %parallel_loop3A_172 = vector.broadcast %parallel_loop3A_171 : i32 to vector<16xi32>
        %parallel_loop3A_173 = arith.andi %parallel_loop3A_170, %parallel_loop3A_172 : vector<16xi32>
        %parallel_loop3A_174 = arith.addi %parallel_loop3A_167, %parallel_loop3A_173 : vector<16xi32>
        %parallel_loop3A_175 = arith.constant 0 : i32
        %parallel_loop3A_176 = vector.broadcast %parallel_loop3A_175 : i32 to vector<16xi32>
        %parallel_loop3A_177 = arith.select %parallel_loop3A_157, %parallel_loop3A_174, %parallel_loop3A_176 : vector<16xi1>, vector<16xi32>
        %parallel_loop3A_178 = arith.constant 2 : i32
        %parallel_loop3A_179 = vector.broadcast %parallel_loop3A_178 : i32 to vector<16xi32>
        %parallel_loop3A_180 = arith.shrsi %parallel_loop3A_177, %parallel_loop3A_179 : vector<16xi32>
        %parallel_loop3A_181 = tpu.vector_load_idx %arg12[%parallel_loop3A_180] : memref<65536xi32, #tpu.memory_space<vmem>>[vector<16xi32>], vector<16xi32>,
        %parallel_loop3A_182 = arith.constant 3 : i32
        %parallel_loop3A_183 = vector.broadcast %parallel_loop3A_182 : i32 to vector<16xi32>
        %parallel_loop3A_184 = arith.andi %parallel_loop3A_177, %parallel_loop3A_183 : vector<16xi32>
        %parallel_loop3A_185 = arith.constant 8 : i32
        %parallel_loop3A_186 = vector.broadcast %parallel_loop3A_185 : i32 to vector<16xi32>
        %parallel_loop3A_187 = arith.muli %parallel_loop3A_184, %parallel_loop3A_186 : vector<16xi32>
        %parallel_loop3A_188 = arith.shrsi %parallel_loop3A_181, %parallel_loop3A_187 : vector<16xi32>
        %parallel_loop3A_189 = arith.constant 255 : i32
        %parallel_loop3A_190 = vector.broadcast %parallel_loop3A_189 : i32 to vector<16xi32>
        %parallel_loop3A_191 = arith.andi %parallel_loop3A_188, %parallel_loop3A_190 : vector<16xi32>
        %parallel_loop3A_192 = arith.constant 0 : i32
        %parallel_loop3A_193 = vector.broadcast %parallel_loop3A_192 : i32 to vector<16xi32>
        %parallel_loop3A_194 = arith.cmpi sgt, %parallel_loop3A_191, %parallel_loop3A_193 : vector<16xi32>
        %parallel_loop3A_195 = arith.andi %parallel_loop3A_157, %parallel_loop3A_194 : vector<16xi1>
        %parallel_loop3A_196 = arith.constant 128 : i32
        %parallel_loop3A_197 = vector.broadcast %parallel_loop3A_196 : i32 to vector<16xi32>
        %parallel_loop3A_198 = arith.muli %parallel_loop3A_119, %parallel_loop3A_197 : vector<16xi32>
        %parallel_loop3A_199 = arith.addi %parallel_loop3A_198, %parallel_loop3A_191 : vector<16xi32>
        %parallel_loop3A_200 = arith.constant 1 : i32
        %parallel_loop3A_201 = vector.broadcast %parallel_loop3A_200 : i32 to vector<16xi32>
        %parallel_loop3A_202 = arith.subi %parallel_loop3A_199, %parallel_loop3A_201 : vector<16xi32>
        %parallel_loop3A_203 = arith.constant 512 : i32
        %parallel_loop3A_204 = vector.broadcast %parallel_loop3A_203 : i32 to vector<16xi32>
        %parallel_loop3A_205 = arith.muli %parallel_loop3A_202, %parallel_loop3A_204 : vector<16xi32>
        %parallel_loop3A_206 = arith.constant 511 : i32
        %parallel_loop3A_207 = vector.broadcast %parallel_loop3A_206 : i32 to vector<16xi32>
        %parallel_loop3A_208 = arith.andi %parallel_loop3A_129, %parallel_loop3A_207 : vector<16xi32>
        %parallel_loop3A_209 = arith.addi %parallel_loop3A_205, %parallel_loop3A_208 : vector<16xi32>
        %parallel_loop3A_210 = vector.broadcast %add3A_4 : i32 to vector<16xi32>
        %parallel_loop3A_211 = arith.select %parallel_loop3A_195, %parallel_loop3A_209, %parallel_loop3A_210 : vector<16xi1>, vector<16xi32>
        %parallel_loop3A_212 = arith.constant 16 : i32
        %parallel_loop3A_213 = arith.muli %parallel_loop3A_111, %parallel_loop3A_212 : i32
        %parallel_loop3A_214 = arith.index_cast %parallel_loop3A_213 : i32 to index
        %parallel_loop3A_215 = tpu.vector_load %arg9[%parallel_loop3A_214] {strides = array<i32>} : memref<5008xi32, #tpu.memory_space<vmem>>, vector<16xi32>,
        tpu.vector_store %arg9[%parallel_loop3A_214], %parallel_loop3A_211 {strides = array<i32>} : memref<5008xi32, #tpu.memory_space<vmem>>, vector<16xi32>,
      } {sc.loop_unroll_factor = 4 : i64, sc.parallel_access}
      %broadcast_in_dim3A = arith.constant 0 : i32
      %broadcast_in_dim3A_106 = vector.broadcast %broadcast_in_dim3A : i32 to vector<16xi32>
      %add3A_107 = vector.broadcast %add3A_4 : i32 to vector<16xi32>
      %add3A_108 = arith.addi %broadcast_in_dim3A_106, %add3A_107 : vector<16xi32>
      %swap3A = arith.constant 4992 : index
      %swap3A_109 = tpu.vector_load %arg9[%swap3A] {strides = array<i32>} : memref<5008xi32, #tpu.memory_space<vmem>>, vector<16xi32>,
      tpu.vector_store %arg9[%swap3A], %add3A_108 {strides = array<i32>} : memref<5008xi32, #tpu.memory_space<vmem>>, vector<16xi32>,
      "tpu.region"() ({
        %run_scoped3A = tpu.sem_alloc : memref<!tpu.dma_semaphore, #tpu.memory_space<semaphore_mem>>
        %dma_start3A = arith.constant 0 : i32
        %dma_start3A_111 = tpu.memref_slice %arg13[%dma_start3A] : memref<262272xi32, #tpu.memory_space<vmem_shared>> -> memref<262272xi32, #tpu.memory_space<vmem_shared>>
        tpu.enqueue_indirect_dma source(%arg10 : memref<5008xi32, #tpu.memory_space<vmem>>) target(%dma_start3A_111 : memref<262272xi32, #tpu.memory_space<vmem_shared>>) offsets(%arg9 : memref<5008xi32, #tpu.memory_space<vmem>>) semaphore(%run_scoped3A : memref<!tpu.dma_semaphore, #tpu.memory_space<semaphore_mem>>) {add = true}
        %dma_wait3A = arith.constant 0 : i32
        %dma_wait3A_112 = tpu.memref_slice %arg13[%dma_wait3A] : memref<262272xi32, #tpu.memory_space<vmem_shared>> -> memref<262272xi32, #tpu.memory_space<vmem_shared>>
        tpu.wait_indirect_dma semaphore(%run_scoped3A : memref<!tpu.dma_semaphore, #tpu.memory_space<semaphore_mem>>) src(%arg10 : memref<5008xi32, #tpu.memory_space<vmem>>) dst(%dma_wait3A_112 : memref<262272xi32, #tpu.memory_space<vmem_shared>>)
        tpu.yield
      }) : () -> ()
      %scan3A_110 = arith.constant 0 : i32
      scf.yield %scan3A_110 : i32
    }
    %scan3A_40 = arith.constant 25 : i32
    %barrier3A_41 = arith.constant 0 : index
    tpu.barrier barrier_id(%barrier3A_41)
    %mul3A_42 = arith.constant 16392 : i32
    %mul3A_43 = arith.muli %arg1, %mul3A_42 : i32
    %add3A_44 = arith.constant 0 : i32
    %add3A_45 = arith.addi %mul3A_43, %add3A_44 : i32
    "tpu.region"() ({
      %run_scoped3A = tpu.sem_alloc : memref<!tpu.dma_semaphore, #tpu.memory_space<semaphore_mem>>
      %dma_start3A = arith.constant 0 : i32
      %dma_start3A_86 = tpu.memref_slice %arg9[%dma_start3A] : memref<5008xi32, #tpu.memory_space<vmem>> -> memref<5008xi32, #tpu.memory_space<vmem>>
      %dma_start3A_87 = tpu.memref_slice %arg13[%add3A_45] : memref<262272xi32, #tpu.memory_space<vmem_shared>> -> memref<5008xi32, #tpu.memory_space<vmem_shared>>
      %dma_start3A_88 = arith.constant 0 : i32
      %dma_start3A_89 = tpu.memref_slice %arg9[%dma_start3A_88] : memref<5008xi32, #tpu.memory_space<vmem>> -> memref<5008xi32, #tpu.memory_space<vmem>>
      %dma_start3A_90 = tpu.memref_slice %arg13[%add3A_45] : memref<262272xi32, #tpu.memory_space<vmem_shared>> -> memref<5008xi32, #tpu.memory_space<vmem_shared>>
      tpu.enqueue_dma source(%dma_start3A_90 : memref<5008xi32, #tpu.memory_space<vmem_shared>>) target(%dma_start3A_89 : memref<5008xi32, #tpu.memory_space<vmem>>) target_semaphore(%run_scoped3A : memref<!tpu.dma_semaphore, #tpu.memory_space<semaphore_mem>>)
      %dma_wait3A = arith.constant 0 : i32
      %dma_wait3A_91 = tpu.memref_slice %arg9[%dma_wait3A] : memref<5008xi32, #tpu.memory_space<vmem>> -> memref<5008xi32, #tpu.memory_space<vmem>>
      %dma_wait3A_92 = tpu.memref_slice %arg13[%add3A_45] : memref<262272xi32, #tpu.memory_space<vmem_shared>> -> memref<5008xi32, #tpu.memory_space<vmem_shared>>
      %dma_wait3A_93 = arith.constant 0 : i32
      %dma_wait3A_94 = tpu.memref_slice %arg9[%dma_wait3A_93] : memref<5008xi32, #tpu.memory_space<vmem>> -> memref<5008xi32, #tpu.memory_space<vmem>>
      %dma_wait3A_95 = tpu.memref_slice %arg13[%add3A_45] : memref<262272xi32, #tpu.memory_space<vmem_shared>> -> memref<5008xi32, #tpu.memory_space<vmem_shared>>
      tpu.wait_dma2 semaphore(%run_scoped3A : memref<!tpu.dma_semaphore, #tpu.memory_space<semaphore_mem>>) src(%dma_wait3A_95 : memref<5008xi32, #tpu.memory_space<vmem_shared>>) dst(%dma_wait3A_94 : memref<5008xi32, #tpu.memory_space<vmem>>)
      tpu.yield
    }) : () -> ()
    %mul3A_46 = arith.constant 262272 : i32
    %mul3A_47 = arith.muli %arg0, %mul3A_46 : i32
    %mul3A_48 = arith.constant 16392 : i32
    %mul3A_49 = arith.muli %arg1, %mul3A_48 : i32
    %add3A_50 = arith.addi %mul3A_47, %mul3A_49 : i32
    %add3A_51 = arith.constant 0 : i32
    %add3A_52 = arith.addi %add3A_50, %add3A_51 : i32
    "tpu.region"() ({
      %run_scoped3A = tpu.sem_alloc : memref<!tpu.dma_semaphore, #tpu.memory_space<semaphore_mem>>
      %dma_start3A = arith.constant 0 : i32
      %dma_start3A_86 = tpu.memref_slice %arg9[%dma_start3A] : memref<5008xi32, #tpu.memory_space<vmem>> -> memref<5008xi32, #tpu.memory_space<vmem>>
      %dma_start3A_87 = tpu.memref_slice %arg6[%add3A_52] : memref<524544xi32, #tpu.memory_space<hbm>> -> memref<5008xi32, #tpu.memory_space<hbm>>
      %dma_start3A_88 = tpu.memref_slice %arg6[%add3A_52] : memref<524544xi32, #tpu.memory_space<hbm>> -> memref<5008xi32, #tpu.memory_space<hbm>>
      %dma_start3A_89 = arith.constant 0 : i32
      %dma_start3A_90 = tpu.memref_slice %arg9[%dma_start3A_89] : memref<5008xi32, #tpu.memory_space<vmem>> -> memref<5008xi32, #tpu.memory_space<vmem>>
      tpu.enqueue_dma source(%dma_start3A_90 : memref<5008xi32, #tpu.memory_space<vmem>>) target(%dma_start3A_88 : memref<5008xi32, #tpu.memory_space<hbm>>) target_semaphore(%run_scoped3A : memref<!tpu.dma_semaphore, #tpu.memory_space<semaphore_mem>>)
      %dma_wait3A = arith.constant 0 : i32
      %dma_wait3A_91 = tpu.memref_slice %arg9[%dma_wait3A] : memref<5008xi32, #tpu.memory_space<vmem>> -> memref<5008xi32, #tpu.memory_space<vmem>>
      %dma_wait3A_92 = tpu.memref_slice %arg6[%add3A_52] : memref<524544xi32, #tpu.memory_space<hbm>> -> memref<5008xi32, #tpu.memory_space<hbm>>
      %dma_wait3A_93 = tpu.memref_slice %arg6[%add3A_52] : memref<524544xi32, #tpu.memory_space<hbm>> -> memref<5008xi32, #tpu.memory_space<hbm>>
      %dma_wait3A_94 = arith.constant 0 : i32
      %dma_wait3A_95 = tpu.memref_slice %arg9[%dma_wait3A_94] : memref<5008xi32, #tpu.memory_space<vmem>> -> memref<5008xi32, #tpu.memory_space<vmem>>
      tpu.wait_dma2 semaphore(%run_scoped3A : memref<!tpu.dma_semaphore, #tpu.memory_space<semaphore_mem>>) src(%dma_wait3A_95 : memref<5008xi32, #tpu.memory_space<vmem>>) dst(%dma_wait3A_93 : memref<5008xi32, #tpu.memory_space<hbm>>)
      tpu.yield
    }) : () -> ()
    %mul3A_53 = arith.constant 16392 : i32
    %mul3A_54 = arith.muli %arg1, %mul3A_53 : i32
    %add3A_55 = arith.constant 5008 : i32
    %add3A_56 = arith.addi %mul3A_54, %add3A_55 : i32
    "tpu.region"() ({
      %run_scoped3A = tpu.sem_alloc : memref<!tpu.dma_semaphore, #tpu.memory_space<semaphore_mem>>
      %dma_start3A = arith.constant 0 : i32
      %dma_start3A_86 = tpu.memref_slice %arg9[%dma_start3A] : memref<5008xi32, #tpu.memory_space<vmem>> -> memref<5008xi32, #tpu.memory_space<vmem>>
      %dma_start3A_87 = tpu.memref_slice %arg13[%add3A_56] : memref<262272xi32, #tpu.memory_space<vmem_shared>> -> memref<5008xi32, #tpu.memory_space<vmem_shared>>
      %dma_start3A_88 = arith.constant 0 : i32
      %dma_start3A_89 = tpu.memref_slice %arg9[%dma_start3A_88] : memref<5008xi32, #tpu.memory_space<vmem>> -> memref<5008xi32, #tpu.memory_space<vmem>>
      %dma_start3A_90 = tpu.memref_slice %arg13[%add3A_56] : memref<262272xi32, #tpu.memory_space<vmem_shared>> -> memref<5008xi32, #tpu.memory_space<vmem_shared>>
      tpu.enqueue_dma source(%dma_start3A_90 : memref<5008xi32, #tpu.memory_space<vmem_shared>>) target(%dma_start3A_89 : memref<5008xi32, #tpu.memory_space<vmem>>) target_semaphore(%run_scoped3A : memref<!tpu.dma_semaphore, #tpu.memory_space<semaphore_mem>>)
      %dma_wait3A = arith.constant 0 : i32
      %dma_wait3A_91 = tpu.memref_slice %arg9[%dma_wait3A] : memref<5008xi32, #tpu.memory_space<vmem>> -> memref<5008xi32, #tpu.memory_space<vmem>>
      %dma_wait3A_92 = tpu.memref_slice %arg13[%add3A_56] : memref<262272xi32, #tpu.memory_space<vmem_shared>> -> memref<5008xi32, #tpu.memory_space<vmem_shared>>
      %dma_wait3A_93 = arith.constant 0 : i32
      %dma_wait3A_94 = tpu.memref_slice %arg9[%dma_wait3A_93] : memref<5008xi32, #tpu.memory_space<vmem>> -> memref<5008xi32, #tpu.memory_space<vmem>>
      %dma_wait3A_95 = tpu.memref_slice %arg13[%add3A_56] : memref<262272xi32, #tpu.memory_space<vmem_shared>> -> memref<5008xi32, #tpu.memory_space<vmem_shared>>
      tpu.wait_dma2 semaphore(%run_scoped3A : memref<!tpu.dma_semaphore, #tpu.memory_space<semaphore_mem>>) src(%dma_wait3A_95 : memref<5008xi32, #tpu.memory_space<vmem_shared>>) dst(%dma_wait3A_94 : memref<5008xi32, #tpu.memory_space<vmem>>)
      tpu.yield
    }) : () -> ()
    %mul3A_57 = arith.constant 262272 : i32
    %mul3A_58 = arith.muli %arg0, %mul3A_57 : i32
    %mul3A_59 = arith.constant 16392 : i32
    %mul3A_60 = arith.muli %arg1, %mul3A_59 : i32
    %add3A_61 = arith.addi %mul3A_58, %mul3A_60 : i32
    %add3A_62 = arith.constant 5008 : i32
    %add3A_63 = arith.addi %add3A_61, %add3A_62 : i32
    "tpu.region"() ({
      %run_scoped3A = tpu.sem_alloc : memref<!tpu.dma_semaphore, #tpu.memory_space<semaphore_mem>>
      %dma_start3A = arith.constant 0 : i32
      %dma_start3A_86 = tpu.memref_slice %arg9[%dma_start3A] : memref<5008xi32, #tpu.memory_space<vmem>> -> memref<5008xi32, #tpu.memory_space<vmem>>
      %dma_start3A_87 = tpu.memref_slice %arg6[%add3A_63] : memref<524544xi32, #tpu.memory_space<hbm>> -> memref<5008xi32, #tpu.memory_space<hbm>>
      %dma_start3A_88 = tpu.memref_slice %arg6[%add3A_63] : memref<524544xi32, #tpu.memory_space<hbm>> -> memref<5008xi32, #tpu.memory_space<hbm>>
      %dma_start3A_89 = arith.constant 0 : i32
      %dma_start3A_90 = tpu.memref_slice %arg9[%dma_start3A_89] : memref<5008xi32, #tpu.memory_space<vmem>> -> memref<5008xi32, #tpu.memory_space<vmem>>
      tpu.enqueue_dma source(%dma_start3A_90 : memref<5008xi32, #tpu.memory_space<vmem>>) target(%dma_start3A_88 : memref<5008xi32, #tpu.memory_space<hbm>>) target_semaphore(%run_scoped3A : memref<!tpu.dma_semaphore, #tpu.memory_space<semaphore_mem>>)
      %dma_wait3A = arith.constant 0 : i32
      %dma_wait3A_91 = tpu.memref_slice %arg9[%dma_wait3A] : memref<5008xi32, #tpu.memory_space<vmem>> -> memref<5008xi32, #tpu.memory_space<vmem>>
      %dma_wait3A_92 = tpu.memref_slice %arg6[%add3A_63] : memref<524544xi32, #tpu.memory_space<hbm>> -> memref<5008xi32, #tpu.memory_space<hbm>>
      %dma_wait3A_93 = tpu.memref_slice %arg6[%add3A_63] : memref<524544xi32, #tpu.memory_space<hbm>> -> memref<5008xi32, #tpu.memory_space<hbm>>
      %dma_wait3A_94 = arith.constant 0 : i32
      %dma_wait3A_95 = tpu.memref_slice %arg9[%dma_wait3A_94] : memref<5008xi32, #tpu.memory_space<vmem>> -> memref<5008xi32, #tpu.memory_space<vmem>>
      tpu.wait_dma2 semaphore(%run_scoped3A : memref<!tpu.dma_semaphore, #tpu.memory_space<semaphore_mem>>) src(%dma_wait3A_95 : memref<5008xi32, #tpu.memory_space<vmem>>) dst(%dma_wait3A_93 : memref<5008xi32, #tpu.memory_space<hbm>>)
      tpu.yield
    }) : () -> ()
    %mul3A_64 = arith.constant 16392 : i32
    %mul3A_65 = arith.muli %arg1, %mul3A_64 : i32
    %add3A_66 = arith.constant 10016 : i32
    %add3A_67 = arith.addi %mul3A_65, %add3A_66 : i32
    "tpu.region"() ({
      %run_scoped3A = tpu.sem_alloc : memref<!tpu.dma_semaphore, #tpu.memory_space<semaphore_mem>>
      %dma_start3A = arith.constant 0 : i32
      %dma_start3A_86 = tpu.memref_slice %arg9[%dma_start3A] : memref<5008xi32, #tpu.memory_space<vmem>> -> memref<5008xi32, #tpu.memory_space<vmem>>
      %dma_start3A_87 = tpu.memref_slice %arg13[%add3A_67] : memref<262272xi32, #tpu.memory_space<vmem_shared>> -> memref<5008xi32, #tpu.memory_space<vmem_shared>>
      %dma_start3A_88 = arith.constant 0 : i32
      %dma_start3A_89 = tpu.memref_slice %arg9[%dma_start3A_88] : memref<5008xi32, #tpu.memory_space<vmem>> -> memref<5008xi32, #tpu.memory_space<vmem>>
      %dma_start3A_90 = tpu.memref_slice %arg13[%add3A_67] : memref<262272xi32, #tpu.memory_space<vmem_shared>> -> memref<5008xi32, #tpu.memory_space<vmem_shared>>
      tpu.enqueue_dma source(%dma_start3A_90 : memref<5008xi32, #tpu.memory_space<vmem_shared>>) target(%dma_start3A_89 : memref<5008xi32, #tpu.memory_space<vmem>>) target_semaphore(%run_scoped3A : memref<!tpu.dma_semaphore, #tpu.memory_space<semaphore_mem>>)
      %dma_wait3A = arith.constant 0 : i32
      %dma_wait3A_91 = tpu.memref_slice %arg9[%dma_wait3A] : memref<5008xi32, #tpu.memory_space<vmem>> -> memref<5008xi32, #tpu.memory_space<vmem>>
      %dma_wait3A_92 = tpu.memref_slice %arg13[%add3A_67] : memref<262272xi32, #tpu.memory_space<vmem_shared>> -> memref<5008xi32, #tpu.memory_space<vmem_shared>>
      %dma_wait3A_93 = arith.constant 0 : i32
      %dma_wait3A_94 = tpu.memref_slice %arg9[%dma_wait3A_93] : memref<5008xi32, #tpu.memory_space<vmem>> -> memref<5008xi32, #tpu.memory_space<vmem>>
      %dma_wait3A_95 = tpu.memref_slice %arg13[%add3A_67] : memref<262272xi32, #tpu.memory_space<vmem_shared>> -> memref<5008xi32, #tpu.memory_space<vmem_shared>>
      tpu.wait_dma2 semaphore(%run_scoped3A : memref<!tpu.dma_semaphore, #tpu.memory_space<semaphore_mem>>) src(%dma_wait3A_95 : memref<5008xi32, #tpu.memory_space<vmem_shared>>) dst(%dma_wait3A_94 : memref<5008xi32, #tpu.memory_space<vmem>>)
      tpu.yield
    }) : () -> ()
    %mul3A_68 = arith.constant 262272 : i32
    %mul3A_69 = arith.muli %arg0, %mul3A_68 : i32
    %mul3A_70 = arith.constant 16392 : i32
    %mul3A_71 = arith.muli %arg1, %mul3A_70 : i32
    %add3A_72 = arith.addi %mul3A_69, %mul3A_71 : i32
    %add3A_73 = arith.constant 10016 : i32
    %add3A_74 = arith.addi %add3A_72, %add3A_73 : i32
    "tpu.region"() ({
      %run_scoped3A = tpu.sem_alloc : memref<!tpu.dma_semaphore, #tpu.memory_space<semaphore_mem>>
      %dma_start3A = arith.constant 0 : i32
      %dma_start3A_86 = tpu.memref_slice %arg9[%dma_start3A] : memref<5008xi32, #tpu.memory_space<vmem>> -> memref<5008xi32, #tpu.memory_space<vmem>>
      %dma_start3A_87 = tpu.memref_slice %arg6[%add3A_74] : memref<524544xi32, #tpu.memory_space<hbm>> -> memref<5008xi32, #tpu.memory_space<hbm>>
      %dma_start3A_88 = tpu.memref_slice %arg6[%add3A_74] : memref<524544xi32, #tpu.memory_space<hbm>> -> memref<5008xi32, #tpu.memory_space<hbm>>
      %dma_start3A_89 = arith.constant 0 : i32
      %dma_start3A_90 = tpu.memref_slice %arg9[%dma_start3A_89] : memref<5008xi32, #tpu.memory_space<vmem>> -> memref<5008xi32, #tpu.memory_space<vmem>>
      tpu.enqueue_dma source(%dma_start3A_90 : memref<5008xi32, #tpu.memory_space<vmem>>) target(%dma_start3A_88 : memref<5008xi32, #tpu.memory_space<hbm>>) target_semaphore(%run_scoped3A : memref<!tpu.dma_semaphore, #tpu.memory_space<semaphore_mem>>)
      %dma_wait3A = arith.constant 0 : i32
      %dma_wait3A_91 = tpu.memref_slice %arg9[%dma_wait3A] : memref<5008xi32, #tpu.memory_space<vmem>> -> memref<5008xi32, #tpu.memory_space<vmem>>
      %dma_wait3A_92 = tpu.memref_slice %arg6[%add3A_74] : memref<524544xi32, #tpu.memory_space<hbm>> -> memref<5008xi32, #tpu.memory_space<hbm>>
      %dma_wait3A_93 = tpu.memref_slice %arg6[%add3A_74] : memref<524544xi32, #tpu.memory_space<hbm>> -> memref<5008xi32, #tpu.memory_space<hbm>>
      %dma_wait3A_94 = arith.constant 0 : i32
      %dma_wait3A_95 = tpu.memref_slice %arg9[%dma_wait3A_94] : memref<5008xi32, #tpu.memory_space<vmem>> -> memref<5008xi32, #tpu.memory_space<vmem>>
      tpu.wait_dma2 semaphore(%run_scoped3A : memref<!tpu.dma_semaphore, #tpu.memory_space<semaphore_mem>>) src(%dma_wait3A_95 : memref<5008xi32, #tpu.memory_space<vmem>>) dst(%dma_wait3A_93 : memref<5008xi32, #tpu.memory_space<hbm>>)
      tpu.yield
    }) : () -> ()
    %mul3A_75 = arith.constant 16392 : i32
    %mul3A_76 = arith.muli %arg1, %mul3A_75 : i32
    %add3A_77 = arith.constant 15024 : i32
    %add3A_78 = arith.addi %mul3A_76, %add3A_77 : i32
    "tpu.region"() ({
      %run_scoped3A = tpu.sem_alloc : memref<!tpu.dma_semaphore, #tpu.memory_space<semaphore_mem>>
      %dma_start3A = arith.constant 0 : i32
      %dma_start3A_86 = tpu.memref_slice %arg9[%dma_start3A] : memref<5008xi32, #tpu.memory_space<vmem>> -> memref<1368xi32, #tpu.memory_space<vmem>>
      %dma_start3A_87 = tpu.memref_slice %arg13[%add3A_78] : memref<262272xi32, #tpu.memory_space<vmem_shared>> -> memref<1368xi32, #tpu.memory_space<vmem_shared>>
      %dma_start3A_88 = arith.constant 0 : i32
      %dma_start3A_89 = tpu.memref_slice %arg9[%dma_start3A_88] : memref<5008xi32, #tpu.memory_space<vmem>> -> memref<1368xi32, #tpu.memory_space<vmem>>
      %dma_start3A_90 = tpu.memref_slice %arg13[%add3A_78] : memref<262272xi32, #tpu.memory_space<vmem_shared>> -> memref<1368xi32, #tpu.memory_space<vmem_shared>>
      tpu.enqueue_dma source(%dma_start3A_90 : memref<1368xi32, #tpu.memory_space<vmem_shared>>) target(%dma_start3A_89 : memref<1368xi32, #tpu.memory_space<vmem>>) target_semaphore(%run_scoped3A : memref<!tpu.dma_semaphore, #tpu.memory_space<semaphore_mem>>)
      %dma_wait3A = arith.constant 0 : i32
      %dma_wait3A_91 = tpu.memref_slice %arg9[%dma_wait3A] : memref<5008xi32, #tpu.memory_space<vmem>> -> memref<1368xi32, #tpu.memory_space<vmem>>
      %dma_wait3A_92 = tpu.memref_slice %arg13[%add3A_78] : memref<262272xi32, #tpu.memory_space<vmem_shared>> -> memref<1368xi32, #tpu.memory_space<vmem_shared>>
      %dma_wait3A_93 = arith.constant 0 : i32
      %dma_wait3A_94 = tpu.memref_slice %arg9[%dma_wait3A_93] : memref<5008xi32, #tpu.memory_space<vmem>> -> memref<1368xi32, #tpu.memory_space<vmem>>
      %dma_wait3A_95 = tpu.memref_slice %arg13[%add3A_78] : memref<262272xi32, #tpu.memory_space<vmem_shared>> -> memref<1368xi32, #tpu.memory_space<vmem_shared>>
      tpu.wait_dma2 semaphore(%run_scoped3A : memref<!tpu.dma_semaphore, #tpu.memory_space<semaphore_mem>>) src(%dma_wait3A_95 : memref<1368xi32, #tpu.memory_space<vmem_shared>>) dst(%dma_wait3A_94 : memref<1368xi32, #tpu.memory_space<vmem>>)
      tpu.yield
    }) : () -> ()
    %mul3A_79 = arith.constant 262272 : i32
    %mul3A_80 = arith.muli %arg0, %mul3A_79 : i32
    %mul3A_81 = arith.constant 16392 : i32
    %mul3A_82 = arith.muli %arg1, %mul3A_81 : i32
    %add3A_83 = arith.addi %mul3A_80, %mul3A_82 : i32
    %add3A_84 = arith.constant 15024 : i32
    %add3A_85 = arith.addi %add3A_83, %add3A_84 : i32
    "tpu.region"() ({
      %run_scoped3A = tpu.sem_alloc : memref<!tpu.dma_semaphore, #tpu.memory_space<semaphore_mem>>
      %dma_start3A = arith.constant 0 : i32
      %dma_start3A_86 = tpu.memref_slice %arg9[%dma_start3A] : memref<5008xi32, #tpu.memory_space<vmem>> -> memref<1368xi32, #tpu.memory_space<vmem>>
      %dma_start3A_87 = tpu.memref_slice %arg6[%add3A_85] : memref<524544xi32, #tpu.memory_space<hbm>> -> memref<1368xi32, #tpu.memory_space<hbm>>
      %dma_start3A_88 = tpu.memref_slice %arg6[%add3A_85] : memref<524544xi32, #tpu.memory_space<hbm>> -> memref<1368xi32, #tpu.memory_space<hbm>>
      %dma_start3A_89 = arith.constant 0 : i32
      %dma_start3A_90 = tpu.memref_slice %arg9[%dma_start3A_89] : memref<5008xi32, #tpu.memory_space<vmem>> -> memref<1368xi32, #tpu.memory_space<vmem>>
      tpu.enqueue_dma source(%dma_start3A_90 : memref<1368xi32, #tpu.memory_space<vmem>>) target(%dma_start3A_88 : memref<1368xi32, #tpu.memory_space<hbm>>) target_semaphore(%run_scoped3A : memref<!tpu.dma_semaphore, #tpu.memory_space<semaphore_mem>>)
      %dma_wait3A = arith.constant 0 : i32
      %dma_wait3A_91 = tpu.memref_slice %arg9[%dma_wait3A] : memref<5008xi32, #tpu.memory_space<vmem>> -> memref<1368xi32, #tpu.memory_space<vmem>>
      %dma_wait3A_92 = tpu.memref_slice %arg6[%add3A_85] : memref<524544xi32, #tpu.memory_space<hbm>> -> memref<1368xi32, #tpu.memory_space<hbm>>
      %dma_wait3A_93 = tpu.memref_slice %arg6[%add3A_85] : memref<524544xi32, #tpu.memory_space<hbm>> -> memref<1368xi32, #tpu.memory_space<hbm>>
      %dma_wait3A_94 = arith.constant 0 : i32
      %dma_wait3A_95 = tpu.memref_slice %arg9[%dma_wait3A_94] : memref<5008xi32, #tpu.memory_space<vmem>> -> memref<1368xi32, #tpu.memory_space<vmem>>
      tpu.wait_dma2 semaphore(%run_scoped3A : memref<!tpu.dma_semaphore, #tpu.memory_space<semaphore_mem>>) src(%dma_wait3A_95 : memref<1368xi32, #tpu.memory_space<vmem>>) dst(%dma_wait3A_93 : memref<1368xi32, #tpu.memory_space<hbm>>)
      tpu.yield
    }) : () -> ()
    return
  }
}

</mosaic_0001>

<sc_bundles>
// kernel: kernel.12.cloned.1.call-start
scs
__scs_entry_jumppad:
0x0: {  	(pc) =	sbr.rel $0x88, $3  }
0x1: {  	(tag) =	ssettag $0x0;
	lr =	simm.s32 $0x1  }
0x2: {  	[smem:$0x3F9F] =	sst lr;
	_ =	strace $0xD0000000  }
0x3: {  	_ = 	snop  }
0x4: {  	_ = 	snop  }
0x5: {  	_ = 	snop  }
0x6: {  	_ = 	snop  }
0x7: {  	_ = 	snop  }
__scs_overlays_trampoline_lowered:
0x8: {  	[smem:$0x3FAE] =	sst s0  }
0x9: {  	[smem:$0x3FAF] =	sst s1  }
0xa: {  	[smem:$0x3FB0] =	sst s2  }
0xb: {  	[smem:$0x3FB1] =	sst s3  }
0xc: {  	[smem:$0x3FB2] =	sst s4  }
0xd: {  	[smem:$0x3FB3] =	sst s5  }
0xe: {  	[smem:$0x3FB4] =	sst s6  }
0xf: {  	[smem:$0x3FB5] =	sst s7  }
0x10: {  	[smem:$0x3FB6] =	sst s8  }
0x11: {  	[smem:$0x3FB7] =	sst s9;
	s0 =	simm.s32 @!p0 $0x0  }
0x12: {  	s1 =	sld [smem:$0x3F9D];
	s0 =	simm.s32 @p0 $0x1  }
0x13: {  	[smem:$0x3FB8] =	sst s0;
	s0 =	simm.s32 @!p1 $0x0  }
0x14: {  	s2 =	sld [smem:$0x3F9C];
	s0 =	simm.s32 @p1 $0x1  }
0x15: {  	[smem:$0x3FB9] =	sst s0;
	s0 =	simm.s32 @!p2 $0x0  }
0x16: {  	s3 =	sld [smem:$0x3FDB];
	s0 =	simm.s32 @p2 $0x1  }
0x17: {  	s4 =	simm.s32 $0x1BF5;
	[smem:$0x3FBB] =	sst s0  }
0x18: {  	s0 =	sld [smem:$0x3F9E];
	_ =	swait.ge [sflag:s4], $0x0  }
0x19: {  	s7 =	sld [smem:$0x3F9F]  }
0x1a: {  	s8 =	sadd.s32 $0xFFFFE003, lr  }
0x1b: {  	s9 =	sadd.s32 $0xFFFFFEF7, lr;
	s5 =	simm.s32 $0xFFFFFFFF;
	p2 =	slt.u32 s8, $0xFFFFF086  }
0x1c: {  	p1 =	slt.u32 s9, $0xF7A;
	s5 =	simm.s32 @!p2 $0x0  }
0x1d: {  	s5 =	simm.s32 @p1 $0x1;
	p0 =	seq.s32 s7, s2  }
0x1e: {  	s7 =	smul.u32 @!p0 $0xF7A, s2;
	p2 =	seq.s32 @!p0 s5, $0x0  }
0x1f: {  	s9 =	smul.u32 $0xF7A, s1;
	s8 =	simm.s32 @!p0 $0x1BF5;
	p2 =	por !p2, p0  }
0x20: {  	[sflag:s8] =	ssyncset.s32 @!p0 $0xFFFFF086;
	s6 =	sadd.s32 @!p0 s3, s7;
	s7 =	simm.s32 @!p0 $0x108  }
0x21: {  	s3 =	sadd.s32 s3, s9;
	s6 =	sadd.s32 @!p0 $0x88, s6;
	s7 =	simm.s32 @p2 $0x1082  }
0x22: {  	[simem:s7], [sflag:s8] =	dma.local @!p0 [hbm:s6], $0xF7A  }
0x23: {  	s9 =	sor.u32 $0xD0000000, s2;
	s6 =	simm.s32 $0x108;
	_ =	swait.ge @!p0 [sflag:s8], $0x0  }
0x24: {  	s3 =	sadd.s32 $0x88, s3;
	s6 =	simm.s32 @!p1 $0x1082;
	[sflag:s4] =	ssyncset.s32 $0xFFFFF086  }
0x25: {  	[simem:s6], [sflag:s4] =	dma.local [hbm:s3], $0xF7A  }
0x26: {  	[smem:$0x3F9F] =	sst s1;
	(tag) =	ssettag s2;
	_ =	strace s9  }
0x27: {  	s1 =	sld [smem:$0x3FAF]  }
0x28: {  	s2 =	sld [smem:$0x3FB0]  }
0x29: {  	s4 =	sld [smem:$0x3FB2]  }
0x2a: {  	p0 =	seq.s32 s5, $0x0;
	s5 =	sld [smem:$0x3FB3]  }
0x2b: {  	s6 =	sld [smem:$0x3FB4]  }
0x2c: {  	s7 =	sld [smem:$0x3FB5]  }
0x2d: {  	s3 =	simm.s32 $0x108;
	s8 =	sld [smem:$0x3FB6]  }
0x2e: {  	s3 =	simm.s32 @!p0 $0x1082;
	s9 =	sld [smem:$0x3FB7]  }
0x2f: {  	lr =	sadd.s32 s0, s3;
	s0 =	sld [smem:$0x3FAE]  }
0x30: {  	s3 =	sld [smem:$0x3FB1]  }
0x31: {  	[smem:$0x3FBA] =	sst s10  }
0x32: {  	s10 =	sld [smem:$0x3FB8];
	_ =	sdelay $0x3  }
0x33: {  	p0 =	seq.s32 s10, $0x1;
	s10 =	sld [smem:$0x3FBA];
	_ =	sdelay $0x3  }
0x34: {  	[smem:$0x3FBA] =	sst s10  }
0x35: {  	s10 =	sld [smem:$0x3FB9];
	_ =	sdelay $0x3  }
0x36: {  	p1 =	seq.s32 s10, $0x1;
	s10 =	sld [smem:$0x3FBA];
	_ =	sdelay $0x3  }
0x37: {  	[smem:$0x3FBA] =	sst s10  }
0x38: {  	s10 =	sld [smem:$0x3FBB]  }
0x39: {  	_ = 	snop;
	(pc) =	sbr.ind lr, $3  }
0x3a: {  	_ = 	snop  }
0x3b: {  	_ = 	snop  }
0x3c: {  	p2 =	seq.s32 s10, $0x1;
	s10 =	sld [smem:$0x3FBA]  }
0x3d: {  	_ =	shalt  }
0x3e: {  	_ =	shalt  }
0x3f: {  	_ =	shalt  }
0x40: {  	_ =	shalt  }
0x41: {  	_ =	shalt  }
0x42: {  	_ =	shalt  }
0x43: {  	_ =	shalt  }
0x44: {  	_ =	shalt  }
0x45: {  	_ =	shalt  }
0x46: {  	_ =	shalt  }
0x47: {  	_ =	shalt  }
0x48: {  	_ =	shalt  }
0x49: {  	_ =	shalt  }
0x4a: {  	_ =	shalt  }
0x4b: {  	_ =	shalt  }
0x4c: {  	_ =	shalt  }
0x4d: {  	_ =	shalt  }
0x4e: {  	_ =	shalt  }
0x4f: {  	_ =	shalt  }
0x50: {  	_ =	shalt  }
0x51: {  	_ =	shalt  }
0x52: {  	_ =	shalt  }
0x53: {  	_ =	shalt  }
0x54: {  	_ =	shalt  }
0x55: {  	_ =	shalt  }
0x56: {  	_ =	shalt  }
0x57: {  	_ =	shalt  }
0x58: {  	_ =	shalt  }
0x59: {  	_ =	shalt  }
0x5a: {  	_ =	shalt  }
0x5b: {  	_ =	shalt  }
0x5c: {  	_ =	shalt  }
0x5d: {  	_ =	shalt  }
0x5e: {  	_ =	shalt  }
0x5f: {  	_ =	shalt  }
0x60: {  	_ =	shalt  }
0x61: {  	_ =	shalt  }
0x62: {  	_ =	shalt  }
0x63: {  	_ =	shalt  }
0x64: {  	_ =	shalt  }
0x65: {  	_ =	shalt  }
0x66: {  	_ =	shalt  }
0x67: {  	_ =	shalt  }
0x68: {  	_ =	shalt  }
0x69: {  	_ =	shalt  }
0x6a: {  	_ =	shalt  }
0x6b: {  	_ =	shalt  }
0x6c: {  	_ =	shalt  }
0x6d: {  	_ =	shalt  }
0x6e: {  	_ =	shalt  }
0x6f: {  	_ =	shalt  }
0x70: {  	_ =	shalt  }
0x71: {  	_ =	shalt  }
0x72: {  	_ =	shalt  }
0x73: {  	_ =	shalt  }
0x74: {  	_ =	shalt  }
0x75: {  	_ =	shalt  }
0x76: {  	_ =	shalt  }
0x77: {  	_ =	shalt  }
0x78: {  	_ =	shalt  }
0x79: {  	_ =	shalt  }
0x7a: {  	_ =	shalt  }
0x7b: {  	_ =	shalt  }
0x7c: {  	_ =	shalt  }
0x7d: {  	_ =	shalt  }
0x7e: {  	_ =	shalt  }
0x7f: {  	_ =	shalt  }
0x80: {  	_ =	shalt  }
0x81: {  	_ =	shalt  }
0x82: {  	_ =	shalt  }
0x83: {  	_ =	shalt  }
0x84: {  	_ =	shalt  }
0x85: {  	_ =	shalt  }
0x86: {  	_ =	shalt  }
0x87: {  	_ =	shalt  }
.Lfunc_end0:
.L_simem_size_0:
called_computation.2_lowered:
.L_overlay_start_0:
0x88: {  	s2 =	sld [smem:$0x3FD9]  }
0x89: {  	s3 =	sld [smem:$0x3FFE];
	_ =	sdelay $0x1  }
0x8a: {  	s1 =	srdreg.scid  }
0x8b: {  	s0 =	sand.u32 $0x1, s1  }
0x8c: {  	s17 =	sshll.u32 s0, $0xA;
	s2 =	sadd.s32 s3, s2  }
0x8d: {  	s2 =	sadd.s32 s2, s17  }
0x8e: {  	[smem:$0x3FC6] =	sst s2  }
0x8f: {  	_ = 	snop  }
0x90: {  	s2 =	sld [smem:$0x3FC9]  }
0x91: {  	s18 =	sld [smem:$0x3FC8]  }
0x92: {  	s4 =	sld [smem:$0x3FD0];
	(tm) =	ssettm $0x1  }
0x93: {  	s5 =	sld [smem:$0x3FFB];
	_ =	sdelay $0x3  }
0x94: {  	_ =	strace s5  }
0x95: {  	s5 =	sld [smem:$0x3FFC];
	_ =	sdelay $0x3  }
0x96: {  	_ =	strace s5  }
0x97: {  	s5 =	sld [smem:$0x3FFD];
	_ =	sdelay $0x3  }
0x98: {  	_ =	strace s5  }
0x99: {  	_ =	strace $0x8FFFFFFF  }
0x9a: {  	s19 =	sld [smem:$0x3FDB];
	_ =	sdelay $0x1  }
0x9b: {  	s6 =	simm.s32 $_scs_section_size  }
0x9c: {  	s7 =	simm.s32 $_size__tile_overlayer_lowered;
	s8 =	simm.s32 $_tile_overlayer_lowered  }
0x9d: {  	s22 =	simm.s32 $0x1BFF;
	s21 =	sshll.u32 s8, $0x1;
	s5 =	sadd.s32 s6, s19  }
0x9e: {  	s9 =	simm.s32 $0x0;
	s20 =	sshll.u32 s7, $0x1;
	s7 =	sadd.s32 s21, s5  }
0x9f: {  	[timem:s9], [sflag:s22] =	dma.local [hbm:s7], s20  }
0xa0: {  	_ =	swait.ge [sflag:s22], s20  }
0xa1: {  	s6 =	ssub.s32 $0x0, s20;
	[sflag:s22] =	ssyncset.done $0x0  }
0xa2: {  	[sflag:s22] =	ssyncadd.s32 s6;
	_ =	sdelay $0x1  }
0xa3: {  	s23 =	simm.s32 $0x1B8B  }
0xa4: {  	_ =	swait.ge [sflag:s23], $0x1  }
0xa5: {  	[sflag:s23] =	ssyncset.done $0x0  }
0xa6: {  	s25 =	simm.s32 $0x1B8E;
	s24 =	sld [smem:$0x3FFE];
	[sflag:s23] =	ssyncadd.s32 $0xFFFFFFFF  }
0xa7: {  	s26 =	simm.s32 $execute0_lowered;
	[smem:$0x3FD2] =	sst s25  }
0xa8: {  	s7 =	sshll.u32 s26, $0x1;
	_ =	strace $0x8000004C;
	[dreg:$0x1] =	wrdreg $0xFFFFFFFF  }
0xa9: {  	s28 =	simm.s32 $_size_execute0_lowered;
	s5 =	sadd.s32 s5, s7;
	[dreg:$0x0] =	wrdreg $0x0  }
0xaa: {  	s7 =	sshll.u32 s28, $0x1;
	[dreg:$0x2] =	wrdreg s5  }
0xab: {  	[dreg:$0x3] =	wrdreg s7  }
0xac: {  	[dreg:$0x4] =	wrdreg $0xC0  }
0xad: {  	_ =	task [dreg:s9], $0x5FFFF  }
0xae: {  	[dreg:$0x1] =	wrdreg $0xFFFFFFFF  }
0xaf: {  	[dreg:$0x0] =	wrdreg $0x60  }
0xb0: {  	[dreg:$0x2] =	wrdreg s2  }
0xb1: {  	[dreg:$0x3] =	wrdreg s18  }
0xb2: {  	[dreg:$0x4] =	wrdreg s24  }
0xb3: {  	[dreg:$0x5] =	wrdreg s4  }
0xb4: {  	[dreg:$0x6] =	wrdreg $0x190000  }
0xb5: {  	[dreg:$0x7] =	wrdreg $0x9  }
0xb6: {  	_ =	task.clear_ibuf [dreg:s9], $0x8FFFF;
	_ =	strace $0x9000004C  }
0xb7: {  	s29 =	simm.s32 $0x9;
	_ =	strace $0x8000004E  }
0xb8: {  	_ =	swait.ge [sflag:s29], $0x1  }
0xb9: {  	[sflag:s29] =	ssyncadd.s32 $0xFFFFFFFF  }
0xba: {  	_ =	strace $0x9000004E  }
0xbb: {  	_ =	sfence  }
0xbc: {  	s30 =	sld [smem:$0x0];
	_ =	sdelay $0x2  }
0xbd: {  	s31 =	sshll.u32 s1, $0xD;
	s1 =	sshrl.u32 s1, $0x2  }
0xbe: {  	s3 =	sand.u32 $0x4000, s31;
	s1 =	sadd.s32 s1, s30  }
0xbf: {  	s0 =	sor.u32 s3, s0;
	s1 =	sshll.u32 s1, $0x11  }
0xc0: {  	s0 =	sor.u32 s1, s0  }
0xc1: {  	s0 =	sadd.s32 $0x8F2B, s0  }
0xc2: {  	[sflag:s0] =	ssyncadd.remote.s32 $0x1  }
0xc3: {  	_ =	sfence.sel $0xFFFF  }
0xc4: {  	[dreg:$0x0] =	wrdreg $0xFFFFFFFF;
	(pc) =	sbr.abs _section_cstart, $3  }
0xc5: {  	[dreg:$0x1] =	wrdreg $0xFFFFFFFF  }
0xc6: {  	_ =	task.clear_ibuf [dreg:s9], $0x2FFFF;
	_ =	strace $0x9FFFFFFF  }
0xc7: {  	(tm) =	ssettm $0x7FFFFFFF  }
tec
execute0_lowered:
.L_overlay_start_1:
0x0: {  	(tag) =	ssettag $0x1  }
0x1: {  	s1 =	rddreg [dreg:$0x0]  }
0x2: {  	s2 =	rddreg [dreg:$0x1]  }
0x3: {  	s0 =	rddreg [dreg:$0x2]  }
0x4: {  	s5 =	rddreg [dreg:$0x3]  }
0x5: {  	s3 =	rddreg [dreg:$0x4];
	s4 =	simm.s32 $0x0;
	s6 =	srdreg.scid  }
0x6: {  	s12 =	stileid.u32;
	s18 =	simm.s32 $0x5000;
	s19 =	simm.s32 $0x1  }
0x7: {  	s20 =	simm.s32 $0x9000;
	s21 =	simm.s32 $0x2800;
	s22 =	simm.s32 $0x1400  }
0x8: {  	s24 =	simm.s32 $0x3C00;
	s25 =	simm.s32 $0x0;
	[smem:$0x7FF] =	sst s4  }
0x9: {  	s7 =	sadd.s32 $0x400, s0;
	s6 =	sand.u32 $0x1, s6;
	s9 =	smul.u32 $0x4008, s12  }
0xa: {  	s10 =	sshll.u32 s12, $0x1;
	s31 =	sshll.u32 s12, $0x3;
	_ =	strace $0x8000004D  }
0xb: {  	[dreg:$0x6] =	wrdreg s7;
	s7 =	sadd.s32 $0x100C00, s0;
	s30 =	ssub.s32 $0x2, s6  }
0xc: {  	s11 =	smul.u32 $0x40080, s6;
	s6 =	sor.u32 s6, s10;
	s23 =	sor.u32 $0x40000, s31  }
0xd: {  	s8 =	sshrl.u32 s30, $0x1;
	s12 =	smul.u32 $0x3D090, s6;
	v0 =	vmov s23;
	s23 =	simm.s32 $0x1390  }
0xe: {  	s0 =	ssub.s32 s30, s8;
	s8 =	sadd.s32 s9, s3;
	s11 =	sadd.s32 s9, s11  }
0xf: {  	s9 =	sadd.s32 $0x1390, s8;
	s10 =	sadd.s32 $0x2720, s8;
	s13 =	sshrl.u32 s11, $0x3  }
0x10: {  	s11 =	sadd.s32 $0x3AB0, s8;
	s17 =	smax.u32 s0, $0x1;
	s13 =	sadd.s32 s5, s13  }
0x11: {  	v1 =	vimm.s32 $0x0;
	v2 =	vimm.s32 $0x1;
	s14 =	sadd.s32 $0x272, s13;
	s15 =	sadd.s32 $0x4E4, s13;
	s16 =	sadd.s32 $0x756, s13  }
.LBB2_1:
0x12: {  	s0 =	rddreg [dreg:$0x6]  }
0x13: {  	[tilespmem:s18], [sflag:$0x1] =	stream.linear.gather [hbm4b:s0+s4], $0x4000, $0x38;
	[tilespmem:$0x1D008] =	vst v63  }
0x14: {  	_ =	swait.ge [sflag:s19], $0x4000  }
0x15: {  	[sflag:s19] =	ssyncset.done $0x0  }
0x16: {  	[sflag:s19] =	ssyncadd.s32 $0xFFFFC000  }
0x17: {  	[tilespmem:s20], [sflag:$0x1] =	stream.linear.gather [hbm4b:s7+s4], $0x10000, $0x38;
	[tilespmem:$0x1D008] =	vst v63  }
0x18: {  	_ =	swait.ge [sflag:s19], $0x10000  }
0x19: {  	[sflag:s19] =	ssyncset.done $0x0  }
0x1a: {  	s5 =	simm.s32 $0x0;
	s0 =	simm.s32 $0x40;
	[sflag:s19] =	ssyncadd.s32 $0xFFFF0000  }
.LBB2_2:
0x1b: {  	p0 =	sne.s32 s0, $0x4E00;
	[tilespmem:s5+$0x2800] =	vst v1;
	s5 =	smov.u32 s0;
	s0 =	sadd.s32 $0x40, s0  }
.Ltmp0:
0x1c: {  	(pc) =	sbr.rel @p0 .LBB2_2-.Ltmp0, $2  }
0x1d: {  	_ =	sdelay $0x2  }
0x1e: {  	s5 =	sshra.s32 s5, $0x2  }
0x1f: {  	[tilespmem:s5+$0x2800] =	vst v1  }
0x20: {  	[spmem:s8] =	stream.linear.scatter [tilespmem:s21], [sflag:$0x1], $0x1390, $0x38;
	[tilespmem:$0x1D008] =	vst v63  }
0x21: {  	_ =	swait.ge [sflag:s19], $0x1390  }
0x22: {  	[sflag:s19] =	ssyncset.done $0x0  }
0x23: {  	[sflag:s19] =	ssyncadd.s32 $0xFFFFEC70  }
0x24: {  	[spmem:s9] =	stream.linear.scatter [tilespmem:s21], [sflag:$0x1], $0x1390, $0x38;
	[tilespmem:$0x1D008] =	vst v63  }
0x25: {  	_ =	swait.ge [sflag:s19], $0x1390  }
0x26: {  	[sflag:s19] =	ssyncset.done $0x0  }
0x27: {  	[sflag:s19] =	ssyncadd.s32 $0xFFFFEC70  }
0x28: {  	[spmem:s10] =	stream.linear.scatter [tilespmem:s21], [sflag:$0x1], $0x1390, $0x38;
	[tilespmem:$0x1D008] =	vst v63  }
0x29: {  	_ =	swait.ge [sflag:s19], $0x1390  }
0x2a: {  	[sflag:s19] =	ssyncset.done $0x0  }
0x2b: {  	[sflag:s19] =	ssyncadd.s32 $0xFFFFEC70  }
0x2c: {  	[spmem:s11] =	stream.linear.scatter [tilespmem:s21], [sflag:$0x1], $0x558, $0x38;
	[tilespmem:$0x1D008] =	vst v63  }
0x2d: {  	_ =	swait.ge [sflag:s19], $0x558  }
0x2e: {  	[sflag:s19] =	ssyncset.done $0x0  }
0x2f: {  	s0 =	simm.s32 $0x40;
	s5 =	simm.s32 $0x0;
	[sflag:s19] =	ssyncadd.s32 $0xFFFFFAA8  }
.LBB2_4:
0x30: {  	p0 =	sne.s32 s0, $0x4E00;
	[tilespmem:s5+$0x3C00] =	vst v2;
	s5 =	smov.u32 s0;
	s0 =	sadd.s32 $0x40, s0  }
.Ltmp1:
0x31: {  	(pc) =	sbr.rel @p0 .LBB2_4-.Ltmp1, $2  }
0x32: {  	_ =	sdelay $0x2  }
0x33: {  	s5 =	sshra.s32 s5, $0x2  }
0x34: {  	[tilespmem:s5+$0x3C00] =	vst v2  }
0x35: {  	s26 =	simm.s32 $0x0;
	[bflag:$0x0] =	sbarrier.arrive $0xFFFF  }
.LBB2_6:
0x36: {  	s0 =	smul.u32 $0x2710, s26;
	_ =	sdelay $0x1  }
0x37: {  	s0 =	sadd.s32 s12, s0  }
0x38: {  	s28 =	sshrl.u32 s0, $0x3  }
0x39: {  	s0 =	sadd.s32 s1, s28  }
0x3a: {  	[tilespmem:s4], [sflag:$0x1] =	stream.linear.gather [hbm4b:s0+s4], $0x1390, $0x38;
	[tilespmem:$0x1D008] =	vst v63  }
0x3b: {  	_ =	swait.ge [sflag:s19], $0x1390  }
0x3c: {  	[sflag:s19] =	ssyncset.done $0x0  }
0x3d: {  	s5 =	sadd.s32 s2, s28;
	[sflag:s19] =	ssyncadd.s32 $0xFFFFEC70  }
0x3e: {  	[tilespmem:s22], [sflag:$0x1] =	stream.linear.gather [hbm4b:s5+s4], $0x1390, $0x38;
	[tilespmem:$0x1D008] =	vst v63  }
0x3f: {  	_ =	swait.ge [sflag:s19], $0x1390  }
0x40: {  	[sflag:s19] =	ssyncset.done $0x0  }
0x41: {  	s6 =	simm.s32 $0x20;
	[sflag:s19] =	ssyncadd.s32 $0xFFFFEC70  }
0x42: {  	v3 =	vld [tilespmem:s6+$0x0]  }
0x43: {  	v4 =	vld [tilespmem:s6+$0x10]  }
0x44: {  	s5 =	simm.s32 $0x1420;
	v6 =	vld [tilespmem:s6+$0xFFFFFFF0]  }
0x45: {  	v5 =	vld [tilespmem:s5+$0x0]  }
0x46: {  	v8 =	vld [tilespmem:s5+$0x10]  }
0x47: {  	v9 =	vld [tilespmem:s5+$0xFFFFFFE0]  }
0x48: {  	v11 =	vld [tilespmem:s6+$0xFFFFFFE0];
	_ =	sdelay $0x1  }
0x49: {  	v7 =	vshra.s32 v3, $0x1F  }
0x4a: {  	v10 =	vshra.s32 v4, $0x1F;
	v12 =	vshra.s32 v6, $0x1F;
	v14 =	vshll.u32 v5, $0xE  }
0x4b: {  	v16 =	vld [tilespmem:s5+$0xFFFFFFF0];
	s5 =	simm.s32 $0x60;
	v17 =	vshll.u32 v8, $0xE;
	v19 =	vshll.u32 v9, $0xE;
	v7 =	vor.u32 $0x80000000, v7  }
0x4c: {  	s6 =	simm.s32 $0x1460;
	v48 =	vld [tilespmem:s5+$0x0];
	vm1 =	vlt.f32 v11, $0.0e+00;
	vm0 =	vlt.f32 v3, $0.0e+00;
	v7 =	vxor.u32 v3, v7  }
0x4d: {  	v31 =	vld [tilespmem:s6+$0x10];
	vm2 =	vgt.f32 v3, $0.0e+00;
	v10 =	vor.u32 $0x80000000, v10;
	v13 =	vshrl.u32 v7, $0x1  }
0x4e: {  	v5 =	vshll.u32 v5, $0x7;
	v10 =	vxor.u32 v4, v10;
	v15 =	vshrl.u32 v13, $0x11  }
0x4f: {  	vm3 =	vgt.f32 v4, $0.0e+00;
	v14 =	vor.u32 v15, v14;
	v15 =	vshrl.u32 v10, $0x1  }
0x50: {  	v12 =	vor.u32 $0x80000000, v12;
	v14 =	vshra.s32 v14, $0x2;
	v18 =	vshrl.u32 v15, $0x11  }
0x51: {  	vm0 =	vmor vm2, vm0;
	vm5 =	vlt.f32 v48, $0.0e+00;
	v17 =	vor.u32 v18, v17  }
0x52: {  	vm8 =	vgt.f32 v48, $0.0e+00;
	v37 =	vshll.u32 v31, $0xE;
	v17 =	vshra.s32 v17, $0x2  }
0x53: {  	v12 =	vxor.u32 v6, v12;
	vm5 =	vmor vm8, vm5;
	v23 =	vshrl.u32 v7, $0x9  }
0x54: {  	v46 =	vshrl.u32 v10, $0x9;
	v13 =	vshrl.u32 v13, $0xE;
	v18 =	vshra.s32 v11, $0x1F  }
0x55: {  	v23 =	vor.u32 $0xFFFFFE00, v23;
	v13 =	vand.u32 $0x18, v13;
	v3 =	vor.u32 $0x80000000, v18;
	v14 =	vld.idx.msk [tilespmem:v14+s18+$0x0], $0xffff  }
0x56: {  	v15 =	vshrl.u32 v15, $0xE;
	v18 =	vshrl.u32 v12, $0x1;
	v20 =	vxor.u32 v11, v3  }
0x57: {  	v3 =	vshll.u32 v16, $0xE;
	v22 =	vshrl.u32 v18, $0x11;
	v18 =	vshrl.u32 v18, $0xE;
	v17 =	vld.idx.msk [tilespmem:v17+s18+$0x0], $0xffff  }
0x58: {  	v21 =	vshrl.u32 v20, $0x9;
	v3 =	vor.u32 v22, v3;
	v22 =	vshrl.u32 v20, $0x1  }
0x59: {  	v18 =	vand.u32 $0x18, v18;
	v24 =	vshrl.u32 v22, $0x11;
	v3 =	vshra.s32 v3, $0x2  }
0x5a: {  	v21 =	vor.u32 $0xFFFFFE00, v21;
	v19 =	vor.u32 v24, v19;
	v13 =	vshra.s32 v14, v13  }
0x5b: {  	v19 =	vshra.s32 v19, $0x2;
	v14 =	vand.u32 $0x18, v15;
	v13 =	vand.u32 $0xFF, v13  }
0x5c: {  	v15 =	vshll.u32 v8, $0x7;
	v8 =	vadd.s32 v5, v13;
	v14 =	vshra.s32 v17, v14  }
0x5d: {  	vm2 =	vne.s32 v13, $0x0;
	v8 =	vshll.u32 v8, $0x9;
	v13 =	vand.u32 $0xFF, v14  }
0x5e: {  	vm2 =	vmand vm0, vm2;
	vm0 =	vlt.f32 v4, $0.0e+00;
	v8 =	vadd.s32 v23, v8  }
0x5f: {  	v14 =	vadd.s32 v15, v13;
	vm4 =	vne.s32 v13, $0x0;
	v13 =	vor.u32 $0xFFFFFE00, v46  }
0x60: {  	vm0 =	vmor vm3, vm0;
	vm3 =	vgt.f32 v11, $0.0e+00;
	v4 =	vshll.u32 v14, $0x9  }
0x61: {  	v14 =	vld.idx.msk [tilespmem:v19+s18+$0x0], $0xffff;
	v8 =	vnsel vm2, $0x0, v8;
	vm0 =	vmand vm0, vm4;
	v19 =	vshrl.u32 v22, $0xE  }
0x62: {  	vm1 =	vmor vm3, vm1;
	v22 =	vshrl.u32 v12, $0x9;
	v17 =	vshra.s32 v8, $0x2  }
0x63: {  	vm3 =	vlt.f32 v6, $0.0e+00;
	vm4 =	vgt.f32 v6, $0.0e+00;
	v4 =	vadd.s32 v13, v4  }
0x64: {  	v13 =	vshll.u32 v16, $0x7;
	v16 =	vand.u32 $0x18, v19;
	v19 =	vld.idx.msk [tilespmem:v3+s18+$0x0], $0xffff;
	v4 =	vnsel vm0, $0x0, v4  }
0x65: {  	v26 =	vld [tilespmem:s6+$0xFFFFFFF0];
	vm3 =	vmor vm4, vm3;
	v8 =	vshll.u32 v8, $0x3;
	v11 =	vshra.s32 v4, $0x2  }
0x66: {  	v8 =	vand.u32 $0x18, v8;
	v23 =	vshll.u32 v4, $0x3;
	v4 =	vld [tilespmem:s6+$0xFFFFFFE0];
	v3 =	vshra.s32 v14, v16  }
0x67: {  	v16 =	vor.u32 $0xFFFFFE00, v20;
	v14 =	vor.u32 $0xFFFFFE00, v12;
	v12 =	vor.u32 $0xFFFFFE00, v22;
	v6 =	vld.idx.msk [tilespmem:v17+s20+$0x0], $0xffff  }
0x68: {  	v20 =	vor.u32 $0xFFFFFE00, v10;
	v22 =	vshll.u32 v9, $0x7;
	v47 =	vand.u32 $0xFF, v3;
	v3 =	vld [tilespmem:s5+$0xFFFFFFF0]  }
0x69: {  	v10 =	vand.u32 $0x18, v23;
	v17 =	vor.u32 $0xFFFFFE00, v7;
	v9 =	vshra.s32 v19, v18;
	v18 =	vld [tilespmem:s5+$0xFFFFFFE0]  }
0x6a: {  	v9 =	vand.u32 $0xFF, v9;
	vm4 =	vne.s32 v47, $0x0;
	v7 =	vld.idx.msk [tilespmem:v11+s20+$0x0], $0xffff;
	v11 =	vadd.s32 v22, v47  }
0x6b: {  	v19 =	vadd.s32 v13, v9;
	vm1 =	vmand vm1, vm4;
	vm6 =	vne.s32 v9, $0x0  }
0x6c: {  	v25 =	vshll.u32 v4, $0xE;
	v19 =	vshll.u32 v19, $0x9;
	v9 =	vshll.u32 v11, $0x9  }
0x6d: {  	vm3 =	vmand vm3, vm6;
	v12 =	vadd.s32 v12, v19;
	v11 =	vadd.s32 v21, v9  }
0x6e: {  	v21 =	vshll.u32 v26, $0xE;
	v23 =	vshra.s32 v3, $0x1F;
	v6 =	vshra.s32 v6, v8  }
0x6f: {  	vm4 =	vlt.f32 v18, $0.0e+00;
	v36 =	vnsel vm3, $0x0, v12;
	v8 =	vor.u32 $0x80000000, v23  }
0x70: {  	v29 =	vld [tilespmem:s5+$0x10];
	v23 =	vand.u32 $0xFF, v6;
	v52 =	vshra.s32 v36, $0x2;
	v54 =	vshll.u32 v36, $0x3  }
0x71: {  	v6 =	vxor.u32 v3, v8;
	v7 =	vshra.s32 v7, v10;
	vm7 =	vne.s32 v23, $0x0  }
0x72: {  	v10 =	vshra.s32 v18, $0x1F;
	v23 =	vadd.s32 v5, v23;
	v5 =	vshll.u32 v26, $0x7  }
0x73: {  	v8 =	vld [tilespmem:s6+$0x0];
	v60 =	vand.u32 $0x18, v54;
	v27 =	vshrl.u32 v6, $0x1;
	v28 =	vand.u32 $0xFF, v7  }
0x74: {  	v7 =	vshra.s32 v48, $0x1F;
	v9 =	vor.u32 $0x80000000, v10;
	vm6 =	vmand vm2, vm7  }
0x75: {  	vm7 =	vgt.f32 v29, $0.0e+00;
	v23 =	vshll.u32 v23, $0x9;
	v7 =	vor.u32 $0x80000000, v7  }
0x76: {  	v10 =	vxor.u32 v18, v9;
	vm2 =	vne.s32 v28, $0x0;
	v9 =	vxor.u32 v48, v7  }
0x77: {  	v7 =	vnsel vm1, $0x0, v11;
	v11 =	vshrl.u32 v27, $0x11;
	v30 =	vshrl.u32 v9, $0x1  }
0x78: {  	v21 =	vor.u32 v11, v21;
	v19 =	vshll.u32 v8, $0xE;
	v11 =	vshrl.u32 v30, $0x11  }
0x79: {  	v15 =	vadd.s32 v15, v28;
	v17 =	vadd.s32 v17, v23;
	v11 =	vor.u32 v11, v19  }
0x7a: {  	v49 =	vshrl.u32 v10, $0x9;
	v19 =	vshra.s32 v11, $0x2;
	v11 =	vshra.s32 v29, $0x1F  }
0x7b: {  	v32 =	vshrl.u32 v10, $0x1;
	v27 =	vshrl.u32 v27, $0xE;
	v11 =	vor.u32 $0x80000000, v11  }
0x7c: {  	vm0 =	vmand vm0, vm2;
	v15 =	vshll.u32 v15, $0x9;
	v11 =	vxor.u32 v29, v11  }
0x7d: {  	vm2 =	vgt.f32 v18, $0.0e+00;
	v61 =	vsel vm6, v17, v0;
	v12 =	vshrl.u32 v11, $0x1  }
0x7e: {  	v17 =	vshrl.u32 v6, $0x9;
	v33 =	vshrl.u32 v32, $0xE;
	v38 =	vshrl.u32 v12, $0x11  }
0x7f: {  	v35 =	vshra.s32 v7, $0x2;
	v39 =	vshrl.u32 v12, $0xE;
	v12 =	vor.u32 v38, v37  }
0x80: {  	v34 =	vshrl.u32 v9, $0x9;
	v15 =	vadd.s32 v20, v15;
	v20 =	vld.idx.msk [tilespmem:v52+s20+$0x0], $0xffff;
	v51 =	vshra.s32 v12, $0x2  }
0x81: {  	v32 =	vshrl.u32 v32, $0x11;
	v7 =	vshll.u32 v7, $0x3;
	vm2 =	vmor vm2, vm4;
	v19 =	vld.idx.msk [tilespmem:v19+s18+$0x0], $0xffff  }
0x82: {  	vm4 =	vlt.f32 v29, $0.0e+00;
	v30 =	vshrl.u32 v30, $0xE;
	v40 =	vand.u32 $0x18, v7  }
0x83: {  	v7 =	vor.u32 v32, v25;
	v53 =	vor.u32 $0xFFFFFE00, v34;
	v56 =	vshra.s32 v21, $0x2  }
0x84: {  	v59 =	vsel vm0, v15, v0;
	v15 =	vor.u32 $0xFFFFFE00, v49;
	v55 =	vshra.s32 v7, $0x2;
	v21 =	vld.idx.msk [tilespmem:v35+s20+$0x0], $0xffff  }
0x85: {  	v7 =	vshll.u32 v8, $0x7;
	v8 =	vand.u32 $0x18, v30;
	v20 =	vshra.s32 v20, v60;
	v57 =	vld.idx.msk [tilespmem:v51+s18+$0x0], $0xffff  }
0x86: {  	vm4 =	vmor vm7, vm4;
	v20 =	vand.u32 $0xFF, v20;
	v19 =	vshra.s32 v19, v8  }
0x87: {  	v50 =	vshrl.u32 v11, $0x9;
	v13 =	vadd.s32 v13, v20;
	v19 =	vand.u32 $0xFF, v19  }
0x88: {  	v58 =	vand.u32 $0x18, v39;
	vm14 =	vne.s32 v19, $0x0;
	v19 =	vadd.s32 v7, v19  }
0x89: {  	v13 =	vshll.u32 v13, $0x9;
	v8 =	vshll.u32 v31, $0x7;
	v18 =	vshll.u32 v19, $0x9  }
0x8a: {  	vm0 =	vmand vm5, vm14;
	v19 =	vshra.s32 v21, v40;
	v21 =	vshra.s32 v57, v58  }
0x8b: {  	v18 =	vadd.s32 v53, v18;
	v19 =	vand.u32 $0xFF, v19;
	v21 =	vand.u32 $0xFF, v21  }
0x8c: {  	vm5 =	vne.s32 v19, $0x0;
	vm15 =	vne.s32 v21, $0x0;
	v21 =	vadd.s32 v8, v21  }
0x8d: {  	v62 =	vld.idx.msk [tilespmem:v55+s18+$0x0], $0xffff;
	v22 =	vadd.s32 v22, v19;
	v19 =	vshll.u32 v21, $0x9;
	v21 =	vor.u32 $0xFFFFFE00, v50  }
0x8e: {  	v12 =	vand.u32 $0x18, v27;
	v23 =	vadd.s32 v21, v19;
	v19 =	vnsel vm0, $0x0, v18  }
0x8f: {  	vm5 =	vmand vm1, vm5;
	vm1 =	vmand vm4, vm15;
	v21 =	vshra.s32 v19, $0x2  }
0x90: {  	vm4 =	vne.s32 v20, $0x0;
	v18 =	vshll.u32 v22, $0x9;
	v22 =	vnsel vm1, $0x0, v23  }
0x91: {  	s29 =	simm.s32 $0x2820;
	v16 =	vadd.s32 v16, v18;
	v23 =	vand.u32 $0x18, v33;
	v18 =	vshra.s32 v22, $0x2  }
0x92: {  	s31 =	simm.s32 $0x4;
	s30 =	simm.s32 $0x2860;
	[tilespmem:s29+$0x0] =	vst v61;
	v14 =	vadd.s32 v14, v13;
	vm4 =	vmand vm3, vm4;
	v63 =	vshra.s32 v62, v23;
	v23 =	vld.idx.msk [tilespmem:v56+s18+$0x0], $0xffff  }
0x93: {  	s0 =	simm.s32 $0x2860;
	s5 =	simm.s32 $0x14A0;
	s6 =	simm.s32 $0xA0;
	[tilespmem:s29+$0x10] =	vst v59;
	v20 =	vshll.u32 v22, $0x3;
	v13 =	vsel vm5, v16, v0;
	v22 =	vand.u32 $0xFF, v63  }
.LBB2_7:
0x94: {  	s31 =	sadd.s32 $0x4, s31;
	vm3 =	vlt.f32 v3, $0.0e+00;
	vm5 =	vgt.f32 v3, $0.0e+00;
	v21 =	vld.idx.msk [tilespmem:v21+s20+$0x0], $0xffff;
	s0 =	sadd.s32 $0x40, s0;
	[tilespmem:s29+$0xFFFFFFE0] =	vst v13;
	v16 =	vsel vm4, v14, v0  }
0x95: {  	v14 =	vor.u32 $0xFFFFFE00, v10;
	v13 =	vor.u32 $0xFFFFFE00, v6;
	v3 =	vld [tilespmem:s6+$0xFFFFFFF0];
	p0 =	slt.u32 s31, $0x134;
	vm4 =	vmor vm5, vm3;
	[tilespmem:s29+$0xFFFFFFF0] =	vst v16;
	s29 =	smov.u32 s30;
	s30 =	smov.u32 s0  }
0x96: {  	v10 =	vor.u32 $0xFFFFFE00, v17;
	v16 =	vor.u32 $0xFFFFFE00, v9;
	v9 =	vld.idx.msk [tilespmem:v18+s20+$0x0], $0xffff;
	v18 =	vor.u32 $0xFFFFFE00, v11  }
0x97: {  	v17 =	vshll.u32 v4, $0x7;
	v6 =	vshra.s32 v23, v12;
	v11 =	vshll.u32 v19, $0x3;
	v4 =	vld [tilespmem:s5+$0xFFFFFFE0]  }
0x98: {  	v12 =	vand.u32 $0xFF, v6;
	v6 =	vand.u32 $0x18, v11;
	v11 =	vand.u32 $0x18, v20;
	v19 =	vld [tilespmem:s6+$0xFFFFFFE0]  }
0x99: {  	vm3 =	vne.s32 v22, $0x0;
	v20 =	vadd.s32 v17, v22;
	v22 =	vadd.s32 v5, v12  }
0x9a: {  	v22 =	vshll.u32 v22, $0x9;
	v6 =	vshra.s32 v21, v6;
	v23 =	vshra.s32 v3, $0x1F;
	v24 =	vld [tilespmem:s6+$0x0]  }
0x9b: {  	vm3 =	vmand vm2, vm3;
	v21 =	vor.u32 $0x80000000, v23;
	v23 =	vand.u32 $0xFF, v6  }
0x9c: {  	vm7 =	vne.s32 v12, $0x0;
	v9 =	vshra.s32 v9, v11;
	v6 =	vxor.u32 v3, v21;
	v21 =	vld [tilespmem:s5+$0x0]  }
0x9d: {  	v12 =	vshll.u32 v4, $0xE;
	vm6 =	vne.s32 v23, $0x0;
	vm2 =	vlt.f32 v19, $0.0e+00;
	v25 =	vld [tilespmem:s5+$0xFFFFFFF0]  }
0x9e: {  	v11 =	vshll.u32 v20, $0x9;
	v20 =	vand.u32 $0xFF, v9;
	v26 =	vshrl.u32 v6, $0x1  }
0x9f: {  	v22 =	vadd.s32 v10, v22;
	v9 =	vshra.s32 v24, $0x1F;
	vm5 =	vlt.f32 v24, $0.0e+00  }
0xa0: {  	v11 =	vadd.s32 v15, v11;
	v10 =	vshra.s32 v19, $0x1F;
	vm8 =	vgt.f32 v24, $0.0e+00  }
0xa1: {  	v10 =	vor.u32 $0x80000000, v10;
	vm5 =	vmor vm8, vm5;
	v15 =	vshll.u32 v21, $0xE  }
0xa2: {  	vm4 =	vmand vm4, vm7;
	v9 =	vor.u32 $0x80000000, v9;
	v27 =	vshll.u32 v25, $0xE;
	v28 =	vld [tilespmem:s6+$0x10]  }
0xa3: {  	v10 =	vxor.u32 v19, v10;
	v9 =	vxor.u32 v24, v9;
	v24 =	vnsel vm3, $0x0, v11  }
0xa4: {  	v29 =	vshrl.u32 v10, $0x9;
	v11 =	vshrl.u32 v26, $0x11;
	v30 =	vshrl.u32 v9, $0x1  }
0xa5: {  	v27 =	vor.u32 v11, v27;
	v11 =	vshrl.u32 v30, $0x11;
	v30 =	vshrl.u32 v30, $0xE;
	v31 =	vld [tilespmem:s5+$0x10]  }
0xa6: {  	vm6 =	vmand vm0, vm6;
	v32 =	vshrl.u32 v10, $0x1;
	v11 =	vor.u32 v11, v15  }
0xa7: {  	v33 =	vshrl.u32 v32, $0xE;
	v15 =	vshra.s32 v11, $0x2;
	v11 =	vshra.s32 v28, $0x1F  }
0xa8: {  	v34 =	vshrl.u32 v9, $0x9;
	v35 =	vshra.s32 v24, $0x2;
	v11 =	vor.u32 $0x80000000, v11  }
0xa9: {  	v22 =	vnsel vm4, $0x0, v22;
	v32 =	vshrl.u32 v32, $0x11;
	v11 =	vxor.u32 v28, v11  }
0xaa: {  	v24 =	vshll.u32 v24, $0x3;
	v36 =	vshrl.u32 v11, $0x1;
	v37 =	vshll.u32 v31, $0xE  }
0xab: {  	v24 =	vand.u32 $0x18, v24;
	v38 =	vshrl.u32 v36, $0x11;
	v36 =	vshrl.u32 v36, $0xE  }
0xac: {  	v32 =	vor.u32 v32, v12;
	v15 =	vld.idx.msk [tilespmem:v15+s18+$0x0], $0xffff;
	v12 =	vor.u32 v38, v37;
	v37 =	vshrl.u32 v11, $0x9  }
0xad: {  	v39 =	vshra.s32 v22, $0x2;
	v26 =	vshrl.u32 v26, $0xE;
	v38 =	vshra.s32 v12, $0x2;
	v35 =	vld.idx.msk [tilespmem:v35+s20+$0x0], $0xffff  }
0xae: {  	v22 =	vshll.u32 v22, $0x3;
	v12 =	vand.u32 $0x18, v26;
	v26 =	vor.u32 $0xFFFFFE00, v34  }
0xaf: {  	v23 =	vadd.s32 v7, v23;
	v7 =	vshll.u32 v21, $0x7;
	v32 =	vshra.s32 v32, $0x2  }
0xb0: {  	vm0 =	vne.s32 v20, $0x0;
	v25 =	vshll.u32 v25, $0x7;
	vm7 =	vgt.f32 v28, $0.0e+00  }
0xb1: {  	vm0 =	vmand vm1, vm0;
	v27 =	vshra.s32 v27, $0x2;
	v21 =	vand.u32 $0x18, v30  }
0xb2: {  	v23 =	vshll.u32 v23, $0x9;
	v30 =	vshll.u32 v31, $0x7;
	v15 =	vshra.s32 v15, v21;
	v21 =	vld.idx.msk [tilespmem:v38+s18+$0x0], $0xffff  }
0xb3: {  	v20 =	vadd.s32 v8, v20;
	v8 =	vmovc v30;
	v31 =	vand.u32 $0x18, v36;
	v15 =	vand.u32 $0xFF, v15;
	v34 =	vld.idx.msk [tilespmem:v39+s20+$0x0], $0xffff  }
0xb4: {  	v20 =	vshll.u32 v20, $0x9;
	vm1 =	vne.s32 v15, $0x0;
	v15 =	vadd.s32 v7, v15  }
0xb5: {  	v18 =	vadd.s32 v18, v20;
	vm8 =	vgt.f32 v19, $0.0e+00;
	v15 =	vshll.u32 v15, $0x9  }
0xb6: {  	vm2 =	vmor vm8, vm2;
	v19 =	vadd.s32 v26, v15;
	v26 =	vsel vm0, v18, v0  }
0xb7: {  	v15 =	vor.u32 $0xFFFFFE00, v29;
	vm0 =	vmand vm5, vm1;
	v18 =	vshra.s32 v35, v24  }
0xb8: {  	v18 =	vand.u32 $0xFF, v18;
	v20 =	vshra.s32 v21, v31;
	v21 =	vand.u32 $0x18, v22  }
0xb9: {  	vm1 =	vlt.f32 v28, $0.0e+00;
	vm5 =	vne.s32 v18, $0x0;
	v20 =	vand.u32 $0xFF, v20  }
0xba: {  	v18 =	vadd.s32 v17, v18;
	vm8 =	vne.s32 v20, $0x0;
	v20 =	vadd.s32 v8, v20  }
0xbb: {  	v16 =	vadd.s32 v16, v23;
	v17 =	vshll.u32 v20, $0x9;
	v20 =	vor.u32 $0xFFFFFE00, v37  }
0xbc: {  	v16 =	vsel vm6, v16, v0;
	vm1 =	vmor vm7, vm1;
	v20 =	vadd.s32 v20, v17;
	v22 =	vld.idx.msk [tilespmem:v32+s18+$0x0], $0xffff  }
0xbd: {  	vm3 =	vmand vm3, vm5;
	v21 =	vshra.s32 v34, v21;
	v17 =	vshrl.u32 v6, $0x9;
	[tilespmem:s29+$0x0] =	vst v16  }
0xbe: {  	v19 =	vnsel vm0, $0x0, v19;
	v24 =	vand.u32 $0xFF, v21;
	v16 =	vshll.u32 v18, $0x9  }
.Ltmp2:
0xbf: {  	v21 =	vshra.s32 v19, $0x2;
	vm1 =	vmand vm1, vm8;
	v18 =	vadd.s32 v5, v24;
	v5 =	vmovc v25;
	(pc) =	sbr.rel @p0 .LBB2_7-.Ltmp2, $4  }
0xc0: {  	v20 =	vnsel vm1, $0x0, v20;
	v16 =	vadd.s32 v14, v16;
	v14 =	vshll.u32 v18, $0x9  }
0xc1: {  	vm5 =	vne.s32 v24, $0x0;
	v25 =	vand.u32 $0x18, v33;
	v18 =	vshra.s32 v20, $0x2;
	v23 =	vld.idx.msk [tilespmem:v27+s18+$0x0], $0xffff  }
0xc2: {  	v20 =	vshll.u32 v20, $0x3;
	v14 =	vadd.s32 v13, v14;
	v22 =	vshra.s32 v22, v25  }
0xc3: {  	s6 =	sadd.s32 $0x40, s6;
	s5 =	sadd.s32 $0x40, s5;
	vm4 =	vmand vm4, vm5;
	v13 =	vsel vm3, v16, v0;
	v22 =	vand.u32 $0xFF, v22;
	[tilespmem:s29+$0x10] =	vst v26  }
0xc4: {  	_ = 	snop  }
0xc5: {  	vm3 =	vlt.f32 v3, $0.0e+00;
	vm5 =	vgt.f32 v3, $0.0e+00;
	v3 =	vshll.u32 v4, $0x7  }
0xc6: {  	v4 =	vor.u32 $0xFFFFFE00, v17;
	vm5 =	vmor vm5, vm3;
	v12 =	vshra.s32 v23, v12  }
0xc7: {  	v16 =	vadd.s32 v3, v22;
	vm3 =	vne.s32 v22, $0x0;
	v12 =	vand.u32 $0xFF, v12  }
0xc8: {  	v16 =	vshll.u32 v16, $0x9;
	vm3 =	vmand vm2, vm3;
	v17 =	vadd.s32 v5, v12  }
0xc9: {  	v15 =	vadd.s32 v15, v16;
	vm2 =	vne.s32 v12, $0x0;
	v17 =	vshll.u32 v17, $0x9  }
0xca: {  	v16 =	vld.idx.msk [tilespmem:v21+s20+$0x0], $0xffff;
	v12 =	vnsel vm3, $0x0, v15;
	vm2 =	vmand vm5, vm2;
	v4 =	vadd.s32 v4, v17  }
0xcb: {  	v15 =	vshra.s32 v12, $0x2;
	v4 =	vnsel vm2, $0x0, v4  }
0xcc: {  	v17 =	vld.idx.msk [tilespmem:v18+s20+$0x0], $0xffff;
	v18 =	vshll.u32 v19, $0x3;
	v19 =	vshra.s32 v4, $0x2  }
0xcd: {  	v14 =	vsel vm4, v14, v0;
	v10 =	vor.u32 $0xFFFFFE00, v10;
	v6 =	vor.u32 $0xFFFFFE00, v6  }
0xce: {  	v9 =	vor.u32 $0xFFFFFE00, v9;
	v12 =	vshll.u32 v12, $0x3;
	v18 =	vand.u32 $0x18, v18  }
0xcf: {  	v11 =	vor.u32 $0xFFFFFE00, v11;
	v12 =	vand.u32 $0x18, v12;
	v16 =	vshra.s32 v16, v18  }
0xd0: {  	v18 =	vand.u32 $0x18, v20;
	v4 =	vshll.u32 v4, $0x3;
	v16 =	vand.u32 $0xFF, v16;
	v15 =	vld.idx.msk [tilespmem:v15+s20+$0x0], $0xffff  }
0xd1: {  	v4 =	vand.u32 $0x18, v4;
	v7 =	vadd.s32 v7, v16;
	v17 =	vshra.s32 v17, v18;
	v18 =	vld.idx.msk [tilespmem:v19+s20+$0x0], $0xffff  }
0xd2: {  	vm4 =	vne.s32 v16, $0x0;
	v7 =	vshll.u32 v7, $0x9;
	v17 =	vand.u32 $0xFF, v17  }
0xd3: {  	vm0 =	vmand vm0, vm4;
	v7 =	vadd.s32 v9, v7;
	v8 =	vadd.s32 v8, v17  }
0xd4: {  	vm4 =	vne.s32 v17, $0x0;
	v7 =	vsel vm0, v7, v0;
	v8 =	vshll.u32 v8, $0x9  }
0xd5: {  	vm1 =	vmand vm1, vm4;
	v8 =	vadd.s32 v11, v8;
	v11 =	vshra.s32 v15, v12  }
0xd6: {  	v8 =	vsel vm1, v8, v0;
	v11 =	vand.u32 $0xFF, v11;
	v4 =	vshra.s32 v18, v4  }
0xd7: {  	[tilespmem:s29+$0xFFFFFFE0] =	vst v13;
	vm1 =	vne.s32 v11, $0x0;
	v3 =	vadd.s32 v3, v11;
	v4 =	vand.u32 $0xFF, v4  }
0xd8: {  	[tilespmem:s29+$0xFFFFFFF0] =	vst v14;
	vm0 =	vmand vm3, vm1;
	v3 =	vshll.u32 v3, $0x9;
	v5 =	vadd.s32 v5, v4  }
0xd9: {  	[tilespmem:s30+$0x0] =	vst v7;
	v3 =	vadd.s32 v10, v3;
	vm1 =	vne.s32 v4, $0x0;
	v5 =	vshll.u32 v5, $0x9  }
0xda: {  	[tilespmem:s30+$0x10] =	vst v8;
	v3 =	vsel vm0, v3, v0;
	vm0 =	vmand vm2, vm1;
	v4 =	vadd.s32 v6, v5  }
0xdb: {  	[tilespmem:s30+$0xFFFFFFE0] =	vst v3;
	v3 =	vsel vm0, v4, v0  }
0xdc: {  	[tilespmem:s30+$0xFFFFFFF0] =	vst v3  }
0xdd: {  	v3 =	vld [tilespmem:$0x1380];
	_ =	sdelay $0x3  }
0xde: {  	v4 =	vld [tilespmem:$0x2780]  }
0xdf: {  	v5 =	vshra.s32 v3, $0x1F  }
0xe0: {  	v5 =	vor.u32 $0x80000000, v5  }
0xe1: {  	v5 =	vxor.u32 v3, v5  }
0xe2: {  	v6 =	vshrl.u32 v5, $0x1  }
0xe3: {  	v8 =	vshll.u32 v4, $0xE;
	v7 =	vshrl.u32 v6, $0x11  }
0xe4: {  	v7 =	vor.u32 v7, v8  }
0xe5: {  	v7 =	vshra.s32 v7, $0x2;
	_ =	sdelay $0x4  }
0xe6: {  	v7 =	vld.idx.msk [tilespmem:v7+s18+$0x0], $0xffff;
	_ =	sdelay $0x2  }
0xe7: {  	v6 =	vshrl.u32 v6, $0xE  }
0xe8: {  	v6 =	vand.u32 $0x18, v6  }
0xe9: {  	vm0 =	vlt.f32 v3, $0.0e+00;
	v6 =	vshra.s32 v7, v6  }
0xea: {  	vm1 =	vgt.f32 v3, $0.0e+00;
	v3 =	vshll.u32 v4, $0x7;
	v6 =	vand.u32 $0xFF, v6  }
0xeb: {  	vm0 =	vmor vm1, vm0;
	v7 =	vshrl.u32 v5, $0x9;
	v4 =	vadd.s32 v3, v6  }
0xec: {  	vm1 =	vne.s32 v6, $0x0;
	v6 =	vor.u32 $0xFFFFFE00, v7;
	v4 =	vshll.u32 v4, $0x9  }
0xed: {  	vm0 =	vmand vm0, vm1;
	v4 =	vadd.s32 v6, v4  }
0xee: {  	v4 =	vnsel vm0, $0x0, v4  }
0xef: {  	v6 =	vshra.s32 v4, $0x2;
	_ =	sdelay $0x4  }
0xf0: {  	v6 =	vld.idx.msk [tilespmem:v6+s20+$0x0], $0xffff;
	_ =	sdelay $0x2  }
0xf1: {  	v4 =	vshll.u32 v4, $0x3  }
0xf2: {  	v4 =	vand.u32 $0x18, v4  }
0xf3: {  	v4 =	vshra.s32 v6, v4  }
0xf4: {  	v4 =	vand.u32 $0xFF, v4  }
0xf5: {  	v3 =	vadd.s32 v3, v4  }
0xf6: {  	vm1 =	vne.s32 v4, $0x0;
	v4 =	vor.u32 $0xFFFFFE00, v5;
	v3 =	vshll.u32 v3, $0x9  }
0xf7: {  	vm0 =	vmand vm0, vm1;
	v3 =	vadd.s32 v4, v3  }
0xf8: {  	v3 =	vsel vm0, v3, v0  }
0xf9: {  	[tilespmem:$0x3B80] =	vst v3  }
0xfa: {  	[spmem:s3] =	stream.indirect.scatter.add.s32 [tilespmem:s24], [sflag:$0x1], $0x1, s21, s23, $0xb8;
	[tilespmem:$0x1D008] =	vst v63  }
0xfb: {  	_ =	swait.ge [sflag:s19], $0x1390  }
0xfc: {  	s0 =	sadd.s32 $0x272, s28;
	[sflag:s19] =	ssyncset.done $0x0  }
0xfd: {  	s5 =	sadd.s32 s1, s0;
	[sflag:s19] =	ssyncadd.s32 $0xFFFFEC70  }
0xfe: {  	[tilespmem:s4], [sflag:$0x1] =	stream.linear.gather [hbm4b:s5+s4], $0x1380, $0x38;
	[tilespmem:$0x1D008] =	vst v63  }
0xff: {  	_ =	swait.ge [sflag:s19], $0x1380  }
0x100: {  	[sflag:s19] =	ssyncset.done $0x0  }
0x101: {  	s0 =	sadd.s32 s2, s0;
	[sflag:s19] =	ssyncadd.s32 $0xFFFFEC80  }
0x102: {  	[tilespmem:s22], [sflag:$0x1] =	stream.linear.gather [hbm4b:s0+s4], $0x1380, $0x38;
	[tilespmem:$0x1D008] =	vst v63  }
0x103: {  	_ =	swait.ge [sflag:s19], $0x1380  }
0x104: {  	[sflag:s19] =	ssyncset.done $0x0  }
0x105: {  	s6 =	simm.s32 $0x20;
	[sflag:s19] =	ssyncadd.s32 $0xFFFFEC80  }
0x106: {  	v3 =	vld [tilespmem:s6+$0x0]  }
0x107: {  	v4 =	vld [tilespmem:s6+$0x10]  }
0x108: {  	s31 =	simm.s32 $0x1420;
	v6 =	vld [tilespmem:s6+$0xFFFFFFF0]  }
0x109: {  	v5 =	vld [tilespmem:s31+$0x0]  }
0x10a: {  	v8 =	vld [tilespmem:s31+$0x10]  }
0x10b: {  	v9 =	vld [tilespmem:s31+$0xFFFFFFE0]  }
0x10c: {  	v11 =	vld [tilespmem:s6+$0xFFFFFFE0];
	_ =	sdelay $0x1  }
0x10d: {  	v7 =	vshra.s32 v3, $0x1F  }
0x10e: {  	v10 =	vshra.s32 v4, $0x1F;
	v12 =	vshra.s32 v6, $0x1F;
	v14 =	vshll.u32 v5, $0xE  }
0x10f: {  	v16 =	vld [tilespmem:s31+$0xFFFFFFF0];
	s6 =	simm.s32 $0x60;
	v17 =	vshll.u32 v8, $0xE;
	v19 =	vshll.u32 v9, $0xE;
	v7 =	vor.u32 $0x80000000, v7  }
0x110: {  	s31 =	simm.s32 $0x1460;
	v48 =	vld [tilespmem:s6+$0x0];
	vm1 =	vlt.f32 v11, $0.0e+00;
	vm0 =	vlt.f32 v3, $0.0e+00;
	v7 =	vxor.u32 v3, v7  }
0x111: {  	v31 =	vld [tilespmem:s31+$0x10];
	vm2 =	vgt.f32 v3, $0.0e+00;
	v10 =	vor.u32 $0x80000000, v10;
	v13 =	vshrl.u32 v7, $0x1  }
0x112: {  	v5 =	vshll.u32 v5, $0x7;
	v10 =	vxor.u32 v4, v10;
	v15 =	vshrl.u32 v13, $0x11  }
0x113: {  	vm3 =	vgt.f32 v4, $0.0e+00;
	v14 =	vor.u32 v15, v14;
	v15 =	vshrl.u32 v10, $0x1  }
0x114: {  	v12 =	vor.u32 $0x80000000, v12;
	v14 =	vshra.s32 v14, $0x2;
	v18 =	vshrl.u32 v15, $0x11  }
0x115: {  	vm0 =	vmor vm2, vm0;
	vm5 =	vlt.f32 v48, $0.0e+00;
	v17 =	vor.u32 v18, v17  }
0x116: {  	vm8 =	vgt.f32 v48, $0.0e+00;
	v37 =	vshll.u32 v31, $0xE;
	v17 =	vshra.s32 v17, $0x2  }
0x117: {  	v12 =	vxor.u32 v6, v12;
	vm5 =	vmor vm8, vm5;
	v23 =	vshrl.u32 v7, $0x9  }
0x118: {  	v46 =	vshrl.u32 v10, $0x9;
	v13 =	vshrl.u32 v13, $0xE;
	v18 =	vshra.s32 v11, $0x1F  }
0x119: {  	v23 =	vor.u32 $0xFFFFFE00, v23;
	v13 =	vand.u32 $0x18, v13;
	v3 =	vor.u32 $0x80000000, v18;
	v14 =	vld.idx.msk [tilespmem:v14+s18+$0x0], $0xffff  }
0x11a: {  	v15 =	vshrl.u32 v15, $0xE;
	v18 =	vshrl.u32 v12, $0x1;
	v20 =	vxor.u32 v11, v3  }
0x11b: {  	v3 =	vshll.u32 v16, $0xE;
	v22 =	vshrl.u32 v18, $0x11;
	v18 =	vshrl.u32 v18, $0xE;
	v17 =	vld.idx.msk [tilespmem:v17+s18+$0x0], $0xffff  }
0x11c: {  	v21 =	vshrl.u32 v20, $0x9;
	v3 =	vor.u32 v22, v3;
	v22 =	vshrl.u32 v20, $0x1  }
0x11d: {  	v18 =	vand.u32 $0x18, v18;
	v24 =	vshrl.u32 v22, $0x11;
	v3 =	vshra.s32 v3, $0x2  }
0x11e: {  	v21 =	vor.u32 $0xFFFFFE00, v21;
	v19 =	vor.u32 v24, v19;
	v13 =	vshra.s32 v14, v13  }
0x11f: {  	v19 =	vshra.s32 v19, $0x2;
	v14 =	vand.u32 $0x18, v15;
	v13 =	vand.u32 $0xFF, v13  }
0x120: {  	v15 =	vshll.u32 v8, $0x7;
	v8 =	vadd.s32 v5, v13;
	v14 =	vshra.s32 v17, v14  }
0x121: {  	vm2 =	vne.s32 v13, $0x0;
	v8 =	vshll.u32 v8, $0x9;
	v13 =	vand.u32 $0xFF, v14  }
0x122: {  	vm2 =	vmand vm0, vm2;
	vm0 =	vlt.f32 v4, $0.0e+00;
	v8 =	vadd.s32 v23, v8  }
0x123: {  	v14 =	vadd.s32 v15, v13;
	vm4 =	vne.s32 v13, $0x0;
	v13 =	vor.u32 $0xFFFFFE00, v46  }
0x124: {  	vm0 =	vmor vm3, vm0;
	vm3 =	vgt.f32 v11, $0.0e+00;
	v4 =	vshll.u32 v14, $0x9  }
0x125: {  	v14 =	vld.idx.msk [tilespmem:v19+s18+$0x0], $0xffff;
	v8 =	vnsel vm2, $0x0, v8;
	vm0 =	vmand vm0, vm4;
	v19 =	vshrl.u32 v22, $0xE  }
0x126: {  	vm1 =	vmor vm3, vm1;
	v22 =	vshrl.u32 v12, $0x9;
	v17 =	vshra.s32 v8, $0x2  }
0x127: {  	vm3 =	vlt.f32 v6, $0.0e+00;
	vm4 =	vgt.f32 v6, $0.0e+00;
	v4 =	vadd.s32 v13, v4  }
0x128: {  	v13 =	vshll.u32 v16, $0x7;
	v16 =	vand.u32 $0x18, v19;
	v19 =	vld.idx.msk [tilespmem:v3+s18+$0x0], $0xffff;
	v4 =	vnsel vm0, $0x0, v4  }
0x129: {  	v26 =	vld [tilespmem:s31+$0xFFFFFFF0];
	vm3 =	vmor vm4, vm3;
	v8 =	vshll.u32 v8, $0x3;
	v11 =	vshra.s32 v4, $0x2  }
0x12a: {  	v8 =	vand.u32 $0x18, v8;
	v23 =	vshll.u32 v4, $0x3;
	v4 =	vld [tilespmem:s31+$0xFFFFFFE0];
	v3 =	vshra.s32 v14, v16  }
0x12b: {  	v16 =	vor.u32 $0xFFFFFE00, v20;
	v14 =	vor.u32 $0xFFFFFE00, v12;
	v12 =	vor.u32 $0xFFFFFE00, v22;
	v6 =	vld.idx.msk [tilespmem:v17+s20+$0x0], $0xffff  }
0x12c: {  	v20 =	vor.u32 $0xFFFFFE00, v10;
	v22 =	vshll.u32 v9, $0x7;
	v47 =	vand.u32 $0xFF, v3;
	v3 =	vld [tilespmem:s6+$0xFFFFFFF0]  }
0x12d: {  	v10 =	vand.u32 $0x18, v23;
	v17 =	vor.u32 $0xFFFFFE00, v7;
	v9 =	vshra.s32 v19, v18;
	v18 =	vld [tilespmem:s6+$0xFFFFFFE0]  }
0x12e: {  	v9 =	vand.u32 $0xFF, v9;
	vm4 =	vne.s32 v47, $0x0;
	v7 =	vld.idx.msk [tilespmem:v11+s20+$0x0], $0xffff;
	v11 =	vadd.s32 v22, v47  }
0x12f: {  	v19 =	vadd.s32 v13, v9;
	vm1 =	vmand vm1, vm4;
	vm6 =	vne.s32 v9, $0x0  }
0x130: {  	v25 =	vshll.u32 v4, $0xE;
	v19 =	vshll.u32 v19, $0x9;
	v9 =	vshll.u32 v11, $0x9  }
0x131: {  	vm3 =	vmand vm3, vm6;
	v12 =	vadd.s32 v12, v19;
	v11 =	vadd.s32 v21, v9  }
0x132: {  	v21 =	vshll.u32 v26, $0xE;
	v23 =	vshra.s32 v3, $0x1F;
	v6 =	vshra.s32 v6, v8  }
0x133: {  	vm4 =	vlt.f32 v18, $0.0e+00;
	v36 =	vnsel vm3, $0x0, v12;
	v8 =	vor.u32 $0x80000000, v23  }
0x134: {  	v29 =	vld [tilespmem:s6+$0x10];
	v23 =	vand.u32 $0xFF, v6;
	v52 =	vshra.s32 v36, $0x2;
	v54 =	vshll.u32 v36, $0x3  }
0x135: {  	v6 =	vxor.u32 v3, v8;
	v7 =	vshra.s32 v7, v10;
	vm7 =	vne.s32 v23, $0x0  }
0x136: {  	v10 =	vshra.s32 v18, $0x1F;
	v23 =	vadd.s32 v5, v23;
	v5 =	vshll.u32 v26, $0x7  }
0x137: {  	v8 =	vld [tilespmem:s31+$0x0];
	v60 =	vand.u32 $0x18, v54;
	v27 =	vshrl.u32 v6, $0x1;
	v28 =	vand.u32 $0xFF, v7  }
0x138: {  	v7 =	vshra.s32 v48, $0x1F;
	v9 =	vor.u32 $0x80000000, v10;
	vm6 =	vmand vm2, vm7  }
0x139: {  	vm7 =	vgt.f32 v29, $0.0e+00;
	v23 =	vshll.u32 v23, $0x9;
	v7 =	vor.u32 $0x80000000, v7  }
0x13a: {  	v10 =	vxor.u32 v18, v9;
	vm2 =	vne.s32 v28, $0x0;
	v9 =	vxor.u32 v48, v7  }
0x13b: {  	v7 =	vnsel vm1, $0x0, v11;
	v11 =	vshrl.u32 v27, $0x11;
	v30 =	vshrl.u32 v9, $0x1  }
0x13c: {  	v21 =	vor.u32 v11, v21;
	v19 =	vshll.u32 v8, $0xE;
	v11 =	vshrl.u32 v30, $0x11  }
0x13d: {  	v15 =	vadd.s32 v15, v28;
	v17 =	vadd.s32 v17, v23;
	v11 =	vor.u32 v11, v19  }
0x13e: {  	v49 =	vshrl.u32 v10, $0x9;
	v19 =	vshra.s32 v11, $0x2;
	v11 =	vshra.s32 v29, $0x1F  }
0x13f: {  	v32 =	vshrl.u32 v10, $0x1;
	v27 =	vshrl.u32 v27, $0xE;
	v11 =	vor.u32 $0x80000000, v11  }
0x140: {  	vm0 =	vmand vm0, vm2;
	v15 =	vshll.u32 v15, $0x9;
	v11 =	vxor.u32 v29, v11  }
0x141: {  	vm2 =	vgt.f32 v18, $0.0e+00;
	v61 =	vsel vm6, v17, v0;
	v12 =	vshrl.u32 v11, $0x1  }
0x142: {  	v17 =	vshrl.u32 v6, $0x9;
	v33 =	vshrl.u32 v32, $0xE;
	v38 =	vshrl.u32 v12, $0x11  }
0x143: {  	v35 =	vshra.s32 v7, $0x2;
	v39 =	vshrl.u32 v12, $0xE;
	v12 =	vor.u32 v38, v37  }
0x144: {  	v34 =	vshrl.u32 v9, $0x9;
	v15 =	vadd.s32 v20, v15;
	v20 =	vld.idx.msk [tilespmem:v52+s20+$0x0], $0xffff;
	v51 =	vshra.s32 v12, $0x2  }
0x145: {  	v32 =	vshrl.u32 v32, $0x11;
	v7 =	vshll.u32 v7, $0x3;
	vm2 =	vmor vm2, vm4;
	v19 =	vld.idx.msk [tilespmem:v19+s18+$0x0], $0xffff  }
0x146: {  	vm4 =	vlt.f32 v29, $0.0e+00;
	v30 =	vshrl.u32 v30, $0xE;
	v40 =	vand.u32 $0x18, v7  }
0x147: {  	v7 =	vor.u32 v32, v25;
	v53 =	vor.u32 $0xFFFFFE00, v34;
	v56 =	vshra.s32 v21, $0x2  }
0x148: {  	v59 =	vsel vm0, v15, v0;
	v15 =	vor.u32 $0xFFFFFE00, v49;
	v55 =	vshra.s32 v7, $0x2;
	v21 =	vld.idx.msk [tilespmem:v35+s20+$0x0], $0xffff  }
0x149: {  	v7 =	vshll.u32 v8, $0x7;
	v8 =	vand.u32 $0x18, v30;
	v20 =	vshra.s32 v20, v60;
	v57 =	vld.idx.msk [tilespmem:v51+s18+$0x0], $0xffff  }
0x14a: {  	vm4 =	vmor vm7, vm4;
	v20 =	vand.u32 $0xFF, v20;
	v19 =	vshra.s32 v19, v8  }
0x14b: {  	v50 =	vshrl.u32 v11, $0x9;
	v13 =	vadd.s32 v13, v20;
	v19 =	vand.u32 $0xFF, v19  }
0x14c: {  	v58 =	vand.u32 $0x18, v39;
	vm14 =	vne.s32 v19, $0x0;
	v19 =	vadd.s32 v7, v19  }
0x14d: {  	v13 =	vshll.u32 v13, $0x9;
	v8 =	vshll.u32 v31, $0x7;
	v18 =	vshll.u32 v19, $0x9  }
0x14e: {  	vm0 =	vmand vm5, vm14;
	v19 =	vshra.s32 v21, v40;
	v21 =	vshra.s32 v57, v58  }
0x14f: {  	v18 =	vadd.s32 v53, v18;
	v19 =	vand.u32 $0xFF, v19;
	v21 =	vand.u32 $0xFF, v21  }
0x150: {  	vm5 =	vne.s32 v19, $0x0;
	vm15 =	vne.s32 v21, $0x0;
	v21 =	vadd.s32 v8, v21  }
0x151: {  	v62 =	vld.idx.msk [tilespmem:v55+s18+$0x0], $0xffff;
	v22 =	vadd.s32 v22, v19;
	v19 =	vshll.u32 v21, $0x9;
	v21 =	vor.u32 $0xFFFFFE00, v50  }
0x152: {  	v12 =	vand.u32 $0x18, v27;
	v23 =	vadd.s32 v21, v19;
	v19 =	vnsel vm0, $0x0, v18  }
0x153: {  	vm5 =	vmand vm1, vm5;
	vm1 =	vmand vm4, vm15;
	v21 =	vshra.s32 v19, $0x2  }
0x154: {  	vm4 =	vne.s32 v20, $0x0;
	v18 =	vshll.u32 v22, $0x9;
	v22 =	vnsel vm1, $0x0, v23  }
0x155: {  	s28 =	simm.s32 $0x2820;
	v16 =	vadd.s32 v16, v18;
	v23 =	vand.u32 $0x18, v33;
	v18 =	vshra.s32 v22, $0x2  }
0x156: {  	s29 =	simm.s32 $0x2860;
	s30 =	simm.s32 $0x4;
	[tilespmem:s28+$0x0] =	vst v61;
	v14 =	vadd.s32 v14, v13;
	vm4 =	vmand vm3, vm4;
	v63 =	vshra.s32 v62, v23;
	v23 =	vld.idx.msk [tilespmem:v56+s18+$0x0], $0xffff  }
0x157: {  	s5 =	simm.s32 $0x14A0;
	s0 =	simm.s32 $0x2860;
	s6 =	simm.s32 $0xA0;
	[tilespmem:s28+$0x10] =	vst v59;
	v20 =	vshll.u32 v22, $0x3;
	v13 =	vsel vm5, v16, v0;
	v22 =	vand.u32 $0xFF, v63  }
.LBB2_9:
0x158: {  	s30 =	sadd.s32 $0x4, s30;
	vm3 =	vlt.f32 v3, $0.0e+00;
	vm5 =	vgt.f32 v3, $0.0e+00;
	v21 =	vld.idx.msk [tilespmem:v21+s20+$0x0], $0xffff;
	s0 =	sadd.s32 $0x40, s0;
	[tilespmem:s28+$0xFFFFFFE0] =	vst v13;
	v16 =	vsel vm4, v14, v0  }
0x159: {  	v14 =	vor.u32 $0xFFFFFE00, v10;
	v13 =	vor.u32 $0xFFFFFE00, v6;
	v3 =	vld [tilespmem:s6+$0xFFFFFFF0];
	p0 =	slt.u32 s30, $0x134;
	vm4 =	vmor vm5, vm3;
	[tilespmem:s28+$0xFFFFFFF0] =	vst v16;
	s28 =	smov.u32 s29;
	s29 =	smov.u32 s0  }
0x15a: {  	v10 =	vor.u32 $0xFFFFFE00, v17;
	v16 =	vor.u32 $0xFFFFFE00, v9;
	v9 =	vld.idx.msk [tilespmem:v18+s20+$0x0], $0xffff;
	v18 =	vor.u32 $0xFFFFFE00, v11  }
0x15b: {  	v17 =	vshll.u32 v4, $0x7;
	v6 =	vshra.s32 v23, v12;
	v11 =	vshll.u32 v19, $0x3;
	v4 =	vld [tilespmem:s5+$0xFFFFFFE0]  }
0x15c: {  	v12 =	vand.u32 $0xFF, v6;
	v6 =	vand.u32 $0x18, v11;
	v11 =	vand.u32 $0x18, v20;
	v19 =	vld [tilespmem:s6+$0xFFFFFFE0]  }
0x15d: {  	vm3 =	vne.s32 v22, $0x0;
	v20 =	vadd.s32 v17, v22;
	v22 =	vadd.s32 v5, v12  }
0x15e: {  	v22 =	vshll.u32 v22, $0x9;
	v6 =	vshra.s32 v21, v6;
	v23 =	vshra.s32 v3, $0x1F;
	v24 =	vld [tilespmem:s6+$0x0]  }
0x15f: {  	vm3 =	vmand vm2, vm3;
	v21 =	vor.u32 $0x80000000, v23;
	v23 =	vand.u32 $0xFF, v6  }
0x160: {  	vm7 =	vne.s32 v12, $0x0;
	v9 =	vshra.s32 v9, v11;
	v6 =	vxor.u32 v3, v21;
	v21 =	vld [tilespmem:s5+$0x0]  }
0x161: {  	v12 =	vshll.u32 v4, $0xE;
	vm6 =	vne.s32 v23, $0x0;
	vm2 =	vlt.f32 v19, $0.0e+00;
	v25 =	vld [tilespmem:s5+$0xFFFFFFF0]  }
0x162: {  	v11 =	vshll.u32 v20, $0x9;
	v20 =	vand.u32 $0xFF, v9;
	v26 =	vshrl.u32 v6, $0x1  }
0x163: {  	v22 =	vadd.s32 v10, v22;
	v9 =	vshra.s32 v24, $0x1F;
	vm5 =	vlt.f32 v24, $0.0e+00  }
0x164: {  	v11 =	vadd.s32 v15, v11;
	v10 =	vshra.s32 v19, $0x1F;
	vm8 =	vgt.f32 v24, $0.0e+00  }
0x165: {  	v10 =	vor.u32 $0x80000000, v10;
	vm5 =	vmor vm8, vm5;
	v15 =	vshll.u32 v21, $0xE  }
0x166: {  	vm4 =	vmand vm4, vm7;
	v9 =	vor.u32 $0x80000000, v9;
	v27 =	vshll.u32 v25, $0xE;
	v28 =	vld [tilespmem:s6+$0x10]  }
0x167: {  	v10 =	vxor.u32 v19, v10;
	v9 =	vxor.u32 v24, v9;
	v24 =	vnsel vm3, $0x0, v11  }
0x168: {  	v29 =	vshrl.u32 v10, $0x9;
	v11 =	vshrl.u32 v26, $0x11;
	v30 =	vshrl.u32 v9, $0x1  }
0x169: {  	v27 =	vor.u32 v11, v27;
	v11 =	vshrl.u32 v30, $0x11;
	v30 =	vshrl.u32 v30, $0xE;
	v31 =	vld [tilespmem:s5+$0x10]  }
0x16a: {  	vm6 =	vmand vm0, vm6;
	v32 =	vshrl.u32 v10, $0x1;
	v11 =	vor.u32 v11, v15  }
0x16b: {  	v33 =	vshrl.u32 v32, $0xE;
	v15 =	vshra.s32 v11, $0x2;
	v11 =	vshra.s32 v28, $0x1F  }
0x16c: {  	v34 =	vshrl.u32 v9, $0x9;
	v35 =	vshra.s32 v24, $0x2;
	v11 =	vor.u32 $0x80000000, v11  }
0x16d: {  	v22 =	vnsel vm4, $0x0, v22;
	v32 =	vshrl.u32 v32, $0x11;
	v11 =	vxor.u32 v28, v11  }
0x16e: {  	v24 =	vshll.u32 v24, $0x3;
	v36 =	vshrl.u32 v11, $0x1;
	v37 =	vshll.u32 v31, $0xE  }
0x16f: {  	v24 =	vand.u32 $0x18, v24;
	v38 =	vshrl.u32 v36, $0x11;
	v36 =	vshrl.u32 v36, $0xE  }
0x170: {  	v32 =	vor.u32 v32, v12;
	v15 =	vld.idx.msk [tilespmem:v15+s18+$0x0], $0xffff;
	v12 =	vor.u32 v38, v37;
	v37 =	vshrl.u32 v11, $0x9  }
0x171: {  	v39 =	vshra.s32 v22, $0x2;
	v26 =	vshrl.u32 v26, $0xE;
	v38 =	vshra.s32 v12, $0x2;
	v35 =	vld.idx.msk [tilespmem:v35+s20+$0x0], $0xffff  }
0x172: {  	v22 =	vshll.u32 v22, $0x3;
	v12 =	vand.u32 $0x18, v26;
	v26 =	vor.u32 $0xFFFFFE00, v34  }
0x173: {  	v23 =	vadd.s32 v7, v23;
	v7 =	vshll.u32 v21, $0x7;
	v32 =	vshra.s32 v32, $0x2  }
0x174: {  	vm0 =	vne.s32 v20, $0x0;
	v25 =	vshll.u32 v25, $0x7;
	vm7 =	vgt.f32 v28, $0.0e+00  }
0x175: {  	vm0 =	vmand vm1, vm0;
	v27 =	vshra.s32 v27, $0x2;
	v21 =	vand.u32 $0x18, v30  }
0x176: {  	v23 =	vshll.u32 v23, $0x9;
	v30 =	vshll.u32 v31, $0x7;
	v15 =	vshra.s32 v15, v21;
	v21 =	vld.idx.msk [tilespmem:v38+s18+$0x0], $0xffff  }
0x177: {  	v20 =	vadd.s32 v8, v20;
	v8 =	vmovc v30;
	v31 =	vand.u32 $0x18, v36;
	v15 =	vand.u32 $0xFF, v15;
	v34 =	vld.idx.msk [tilespmem:v39+s20+$0x0], $0xffff  }
0x178: {  	v20 =	vshll.u32 v20, $0x9;
	vm1 =	vne.s32 v15, $0x0;
	v15 =	vadd.s32 v7, v15  }
0x179: {  	v18 =	vadd.s32 v18, v20;
	vm8 =	vgt.f32 v19, $0.0e+00;
	v15 =	vshll.u32 v15, $0x9  }
0x17a: {  	vm2 =	vmor vm8, vm2;
	v19 =	vadd.s32 v26, v15;
	v26 =	vsel vm0, v18, v0  }
0x17b: {  	v15 =	vor.u32 $0xFFFFFE00, v29;
	vm0 =	vmand vm5, vm1;
	v18 =	vshra.s32 v35, v24  }
0x17c: {  	v18 =	vand.u32 $0xFF, v18;
	v20 =	vshra.s32 v21, v31;
	v21 =	vand.u32 $0x18, v22  }
0x17d: {  	vm1 =	vlt.f32 v28, $0.0e+00;
	vm5 =	vne.s32 v18, $0x0;
	v20 =	vand.u32 $0xFF, v20  }
0x17e: {  	v18 =	vadd.s32 v17, v18;
	vm8 =	vne.s32 v20, $0x0;
	v20 =	vadd.s32 v8, v20  }
0x17f: {  	v16 =	vadd.s32 v16, v23;
	v17 =	vshll.u32 v20, $0x9;
	v20 =	vor.u32 $0xFFFFFE00, v37  }
0x180: {  	v16 =	vsel vm6, v16, v0;
	vm1 =	vmor vm7, vm1;
	v20 =	vadd.s32 v20, v17;
	v22 =	vld.idx.msk [tilespmem:v32+s18+$0x0], $0xffff  }
0x181: {  	vm3 =	vmand vm3, vm5;
	v21 =	vshra.s32 v34, v21;
	v17 =	vshrl.u32 v6, $0x9;
	[tilespmem:s28+$0x0] =	vst v16  }
0x182: {  	v19 =	vnsel vm0, $0x0, v19;
	v24 =	vand.u32 $0xFF, v21;
	v16 =	vshll.u32 v18, $0x9  }
.Ltmp3:
0x183: {  	v21 =	vshra.s32 v19, $0x2;
	vm1 =	vmand vm1, vm8;
	v18 =	vadd.s32 v5, v24;
	v5 =	vmovc v25;
	(pc) =	sbr.rel @p0 .LBB2_9-.Ltmp3, $4  }
0x184: {  	v20 =	vnsel vm1, $0x0, v20;
	v16 =	vadd.s32 v14, v16;
	v14 =	vshll.u32 v18, $0x9  }
0x185: {  	vm5 =	vne.s32 v24, $0x0;
	v25 =	vand.u32 $0x18, v33;
	v18 =	vshra.s32 v20, $0x2;
	v23 =	vld.idx.msk [tilespmem:v27+s18+$0x0], $0xffff  }
0x186: {  	v20 =	vshll.u32 v20, $0x3;
	v14 =	vadd.s32 v13, v14;
	v22 =	vshra.s32 v22, v25  }
0x187: {  	s6 =	sadd.s32 $0x40, s6;
	s5 =	sadd.s32 $0x40, s5;
	vm4 =	vmand vm4, vm5;
	v13 =	vsel vm3, v16, v0;
	v22 =	vand.u32 $0xFF, v22;
	[tilespmem:s28+$0x10] =	vst v26  }
0x188: {  	_ = 	snop  }
0x189: {  	vm3 =	vlt.f32 v3, $0.0e+00;
	vm5 =	vgt.f32 v3, $0.0e+00;
	v3 =	vshll.u32 v4, $0x7  }
0x18a: {  	v52 =	vor.u32 $0xFFFFFE00, v17;
	vm8 =	vne.s32 v22, $0x0;
	v12 =	vshra.s32 v23, v12  }
0x18b: {  	vm5 =	vmor vm5, vm3;
	v16 =	vadd.s32 v3, v22;
	v12 =	vand.u32 $0xFF, v12  }
0x18c: {  	vm3 =	vmand vm2, vm8;
	v16 =	vshll.u32 v16, $0x9;
	v53 =	vadd.s32 v5, v12  }
0x18d: {  	v15 =	vadd.s32 v15, v16;
	vm9 =	vne.s32 v12, $0x0;
	v17 =	vshll.u32 v53, $0x9  }
0x18e: {  	v54 =	vld.idx.msk [tilespmem:v21+s20+$0x0], $0xffff;
	v55 =	vnsel vm3, $0x0, v15;
	vm2 =	vmand vm5, vm9;
	v4 =	vadd.s32 v52, v17  }
0x18f: {  	v56 =	vld.idx.msk [tilespmem:v18+s20+$0x0], $0xffff;
	v15 =	vshra.s32 v55, $0x2;
	v4 =	vnsel vm2, $0x0, v4  }
0x190: {  	v57 =	vshll.u32 v19, $0x3;
	v58 =	vshra.s32 v4, $0x2  }
0x191: {  	v14 =	vsel vm4, v14, v0;
	v10 =	vor.u32 $0xFFFFFE00, v10;
	v6 =	vor.u32 $0xFFFFFE00, v6  }
0x192: {  	v9 =	vor.u32 $0xFFFFFE00, v9;
	v11 =	vor.u32 $0xFFFFFE00, v11;
	v18 =	vand.u32 $0x18, v57  }
0x193: {  	v59 =	vand.u32 $0x18, v20;
	v16 =	vshra.s32 v54, v18;
	v12 =	vshll.u32 v55, $0x3  }
0x194: {  	v16 =	vand.u32 $0xFF, v16;
	v17 =	vshra.s32 v56, v59;
	v12 =	vand.u32 $0x18, v12;
	v15 =	vld.idx.msk [tilespmem:v15+s20+$0x0], $0xffff  }
0x195: {  	vm10 =	vne.s32 v16, $0x0;
	v17 =	vand.u32 $0xFF, v17;
	v7 =	vadd.s32 v7, v16;
	v60 =	vld.idx.msk [tilespmem:v58+s20+$0x0], $0xffff  }
0x196: {  	vm0 =	vmand vm0, vm10;
	v4 =	vshll.u32 v4, $0x3;
	vm11 =	vne.s32 v17, $0x0  }
0x197: {  	v8 =	vadd.s32 v8, v17;
	v7 =	vshll.u32 v7, $0x9;
	vm1 =	vmand vm1, vm11  }
0x198: {  	v8 =	vshll.u32 v8, $0x9;
	v4 =	vand.u32 $0x18, v4;
	v7 =	vadd.s32 v9, v7  }
0x199: {  	v8 =	vadd.s32 v11, v8;
	v7 =	vsel vm0, v7, v0;
	v61 =	vshra.s32 v15, v12  }
0x19a: {  	v8 =	vsel vm1, v8, v0;
	v11 =	vand.u32 $0xFF, v61;
	v4 =	vshra.s32 v60, v4  }
0x19b: {  	[tilespmem:s28+$0xFFFFFFE0] =	vst v13;
	vm12 =	vne.s32 v11, $0x0;
	v3 =	vadd.s32 v3, v11;
	v4 =	vand.u32 $0xFF, v4  }
0x19c: {  	[tilespmem:s28+$0xFFFFFFF0] =	vst v14;
	vm13 =	vmand vm3, vm12;
	v3 =	vshll.u32 v3, $0x9;
	v62 =	vadd.s32 v5, v4  }
0x19d: {  	[tilespmem:s29+$0x0] =	vst v7;
	v3 =	vadd.s32 v10, v3;
	vm14 =	vne.s32 v4, $0x0;
	v5 =	vshll.u32 v62, $0x9  }
0x19e: {  	[tilespmem:s29+$0x10] =	vst v8;
	v3 =	vsel vm13, v3, v0;
	vm15 =	vmand vm2, vm14;
	v63 =	vadd.s32 v6, v5  }
0x19f: {  	s26 =	sadd.s32 $0x1, s26;
	[tilespmem:s29+$0xFFFFFFE0] =	vst v3;
	v3 =	vsel vm15, v63, v0  }
0x1a0: {  	p0 =	sne.s32 s26, $0x19;
	[tilespmem:s29+$0xFFFFFFF0] =	vst v3  }
.Ltmp4:
0x1a1: {  	[tilespmem:$0x3B80] =	vst v0;
	(pc) =	sbr.rel @p0 .LBB2_6-.Ltmp4, $4  }
0x1a2: {  	[spmem:s3] =	stream.indirect.scatter.add.s32 [tilespmem:s24], [sflag:$0x1], $0x1, s21, s23, $0xb8;
	[tilespmem:$0x1D008] =	vst v63  }
0x1a3: {  	_ =	swait.ge [sflag:s19], $0x1390  }
0x1a4: {  	[sflag:s19] =	ssyncset.done $0x0  }
0x1a5: {  	[sflag:s19] =	ssyncadd.s32 $0xFFFFEC70  }
0x1a6: {  	[bflag:$0x0] =	sbarrier.arrive $0xFFFF  }
0x1a7: {  	[tilespmem:s21], [sflag:$0x1] =	stream.linear.gather [spmem:s8], $0x1390, $0x38;
	[tilespmem:$0x1D008] =	vst v63  }
0x1a8: {  	_ =	swait.ge [sflag:s19], $0x1390  }
0x1a9: {  	[sflag:s19] =	ssyncset.done $0x0  }
0x1aa: {  	[sflag:s19] =	ssyncadd.s32 $0xFFFFEC70  }
0x1ab: {  	[hbm4b:s13+s4] =	stream.linear.scatter [tilespmem:s21], [sflag:$0x1], $0x1390, $0x38;
	[tilespmem:$0x1D008] =	vst v63  }
0x1ac: {  	_ =	swait.ge [sflag:s19], $0x1390  }
0x1ad: {  	[sflag:s19] =	ssyncset.done $0x0  }
0x1ae: {  	[sflag:s19] =	ssyncadd.s32 $0xFFFFEC70  }
0x1af: {  	[tilespmem:s21], [sflag:$0x1] =	stream.linear.gather [spmem:s9], $0x1390, $0x38;
	[tilespmem:$0x1D008] =	vst v63  }
0x1b0: {  	_ =	swait.ge [sflag:s19], $0x1390  }
0x1b1: {  	[sflag:s19] =	ssyncset.done $0x0  }
0x1b2: {  	[sflag:s19] =	ssyncadd.s32 $0xFFFFEC70  }
0x1b3: {  	[hbm4b:s14+s4] =	stream.linear.scatter [tilespmem:s21], [sflag:$0x1], $0x1390, $0x38;
	[tilespmem:$0x1D008] =	vst v63  }
0x1b4: {  	_ =	swait.ge [sflag:s19], $0x1390  }
0x1b5: {  	[sflag:s19] =	ssyncset.done $0x0  }
0x1b6: {  	[sflag:s19] =	ssyncadd.s32 $0xFFFFEC70  }
0x1b7: {  	[tilespmem:s21], [sflag:$0x1] =	stream.linear.gather [spmem:s10], $0x1390, $0x38;
	[tilespmem:$0x1D008] =	vst v63  }
0x1b8: {  	_ =	swait.ge [sflag:s19], $0x1390  }
0x1b9: {  	[sflag:s19] =	ssyncset.done $0x0  }
0x1ba: {  	[sflag:s19] =	ssyncadd.s32 $0xFFFFEC70  }
0x1bb: {  	[hbm4b:s15+s4] =	stream.linear.scatter [tilespmem:s21], [sflag:$0x1], $0x1390, $0x38;
	[tilespmem:$0x1D008] =	vst v63  }
0x1bc: {  	_ =	swait.ge [sflag:s19], $0x1390  }
0x1bd: {  	[sflag:s19] =	ssyncset.done $0x0  }
0x1be: {  	[sflag:s19] =	ssyncadd.s32 $0xFFFFEC70  }
0x1bf: {  	[tilespmem:s21], [sflag:$0x1] =	stream.linear.gather [spmem:s11], $0x558, $0x38;
	[tilespmem:$0x1D008] =	vst v63  }
0x1c0: {  	s25 =	sadd.s32 $0x1, s25;
	_ =	swait.ge [sflag:s19], $0x558  }
0x1c1: {  	p0 =	sne.s32 s25, s17;
	[sflag:s19] =	ssyncset.done $0x0  }
.Ltmp5:
0x1c2: {  	[sflag:s19] =	ssyncadd.s32 $0xFFFFFAA8;
	(pc) =	sbr.rel @p0 .LBB2_1-.Ltmp5, $4  }
0x1c3: {  	[hbm4b:s16+s4] =	stream.linear.scatter [tilespmem:s21], [sflag:$0x1], $0x558, $0x38;
	[tilespmem:$0x1D008] =	vst v63  }
0x1c4: {  	_ =	swait.ge [sflag:s19], $0x558  }
0x1c5: {  	[sflag:s19] =	ssyncset.done $0x0  }
0x1c6: {  	[sflag:s19] =	ssyncadd.s32 $0xFFFFFAA8  }
0x1c7: {  	_ =	sfence.sel $0x180000  }
0x1c8: {  	[bflag:$0x0] =	sbarrier.arrive $0xFFFF  }
0x1c9: {  	_ =	strace $0x9000004D  }
0x1ca: {  	s0 =	stileid.u32;
	[bflag:$0x2] =	sbarrier.arrive $0xFFFF  }
0x1cb: {  	p0 =	sne.s32 s0, $0x0;
	s0 =	rddreg [dreg:$0x5]  }
0x1cc: {  	s0 =	sadd.s32 @!p0 $0x100000, s0  }
0x1cd: {  	[sflag:s0] =	ssyncadd.tile.s32 @!p0 $0x1;
	_ =	shalt  }
.Lfunc_end2:
_tile_overlayer_lowered:
.L_overlay_start_2:
0x1ce: {  	(tag) =	ssettag $0x2  }
0x1cf: {  	s0 =	rddreg [dreg:$0x0];
	s2 =	stileid.u32  }
0x1d0: {  	s1 =	rddreg [dreg:$0x1];
	p0 =	sne.s32 s2, $0x0  }
0x1d1: {  	s3 =	rddreg [dreg:$0x2];
	[bflag:$0x3] =	sbarrier.arrive $0xFFFF;
	s2 =	simm.s32 @!p0 $0x1C01  }
0x1d2: {  	[timem:s3], [sflag:s2] =	dma.local @!p0 [hbm:s0], s1  }
0x1d3: {  	s0 =	simm.s32 @!p0 $0x1  }
0x1d4: {  	_ =	swait.ge @!p0 [sflag:s0], s1  }
0x1d5: {  	s1 =	ssub.s32 @!p0 $0x0, s1;
	[sflag:s0] =	ssyncset.done @!p0 $0x0  }
0x1d6: {  	[sflag:s0] =	ssyncadd.s32 @!p0 s1  }
0x1d7: {  	[bflag:$0x3] =	sbarrier.arrive $0xFFFF  }
0x1d8: {  	_ =	shalt  }

// kernel: kernel.15.cloned.1.call-start
scs
__scs_entry_jumppad:
0x0: {  	(pc) =	sbr.rel $0x88, $3  }
0x1: {  	(tag) =	ssettag $0x0;
	lr =	simm.s32 $0x1  }
0x2: {  	[smem:$0x3F9F] =	sst lr;
	_ =	strace $0xD0000000  }
0x3: {  	_ = 	snop  }
0x4: {  	_ = 	snop  }
0x5: {  	_ = 	snop  }
0x6: {  	_ = 	snop  }
0x7: {  	_ = 	snop  }
__scs_overlays_trampoline_lowered:
0x8: {  	[smem:$0x3FAE] =	sst s0  }
0x9: {  	[smem:$0x3FAF] =	sst s1  }
0xa: {  	[smem:$0x3FB0] =	sst s2  }
0xb: {  	[smem:$0x3FB1] =	sst s3  }
0xc: {  	[smem:$0x3FB2] =	sst s4  }
0xd: {  	[smem:$0x3FB3] =	sst s5  }
0xe: {  	[smem:$0x3FB4] =	sst s6  }
0xf: {  	[smem:$0x3FB5] =	sst s7  }
0x10: {  	[smem:$0x3FB6] =	sst s8  }
0x11: {  	[smem:$0x3FB7] =	sst s9;
	s0 =	simm.s32 @!p0 $0x0  }
0x12: {  	s1 =	sld [smem:$0x3F9D];
	s0 =	simm.s32 @p0 $0x1  }
0x13: {  	[smem:$0x3FB8] =	sst s0;
	s0 =	simm.s32 @!p1 $0x0  }
0x14: {  	s2 =	sld [smem:$0x3F9C];
	s0 =	simm.s32 @p1 $0x1  }
0x15: {  	[smem:$0x3FB9] =	sst s0;
	s0 =	simm.s32 @!p2 $0x0  }
0x16: {  	s3 =	sld [smem:$0x3FDB];
	s0 =	simm.s32 @p2 $0x1  }
0x17: {  	s4 =	simm.s32 $0x1BF5;
	[smem:$0x3FBB] =	sst s0  }
0x18: {  	s0 =	sld [smem:$0x3F9E];
	_ =	swait.ge [sflag:s4], $0x0  }
0x19: {  	s7 =	sld [smem:$0x3F9F]  }
0x1a: {  	s8 =	sadd.s32 $0xFFFFE003, lr  }
0x1b: {  	s9 =	sadd.s32 $0xFFFFFEF7, lr;
	s5 =	simm.s32 $0xFFFFFFFF;
	p2 =	slt.u32 s8, $0xFFFFF086  }
0x1c: {  	p1 =	slt.u32 s9, $0xF7A;
	s5 =	simm.s32 @!p2 $0x0  }
0x1d: {  	s5 =	simm.s32 @p1 $0x1;
	p0 =	seq.s32 s7, s2  }
0x1e: {  	s7 =	smul.u32 @!p0 $0xF7A, s2;
	p2 =	seq.s32 @!p0 s5, $0x0  }
0x1f: {  	s9 =	smul.u32 $0xF7A, s1;
	s8 =	simm.s32 @!p0 $0x1BF5;
	p2 =	por !p2, p0  }
0x20: {  	[sflag:s8] =	ssyncset.s32 @!p0 $0xFFFFF086;
	s6 =	sadd.s32 @!p0 s3, s7;
	s7 =	simm.s32 @!p0 $0x108  }
0x21: {  	s3 =	sadd.s32 s3, s9;
	s6 =	sadd.s32 @!p0 $0x88, s6;
	s7 =	simm.s32 @p2 $0x1082  }
0x22: {  	[simem:s7], [sflag:s8] =	dma.local @!p0 [hbm:s6], $0xF7A  }
0x23: {  	s9 =	sor.u32 $0xD0000000, s2;
	s6 =	simm.s32 $0x108;
	_ =	swait.ge @!p0 [sflag:s8], $0x0  }
0x24: {  	s3 =	sadd.s32 $0x88, s3;
	s6 =	simm.s32 @!p1 $0x1082;
	[sflag:s4] =	ssyncset.s32 $0xFFFFF086  }
0x25: {  	[simem:s6], [sflag:s4] =	dma.local [hbm:s3], $0xF7A  }
0x26: {  	[smem:$0x3F9F] =	sst s1;
	(tag) =	ssettag s2;
	_ =	strace s9  }
0x27: {  	s1 =	sld [smem:$0x3FAF]  }
0x28: {  	s2 =	sld [smem:$0x3FB0]  }
0x29: {  	s4 =	sld [smem:$0x3FB2]  }
0x2a: {  	p0 =	seq.s32 s5, $0x0;
	s5 =	sld [smem:$0x3FB3]  }
0x2b: {  	s6 =	sld [smem:$0x3FB4]  }
0x2c: {  	s7 =	sld [smem:$0x3FB5]  }
0x2d: {  	s3 =	simm.s32 $0x108;
	s8 =	sld [smem:$0x3FB6]  }
0x2e: {  	s3 =	simm.s32 @!p0 $0x1082;
	s9 =	sld [smem:$0x3FB7]  }
0x2f: {  	lr =	sadd.s32 s0, s3;
	s0 =	sld [smem:$0x3FAE]  }
0x30: {  	s3 =	sld [smem:$0x3FB1]  }
0x31: {  	[smem:$0x3FBA] =	sst s10  }
0x32: {  	s10 =	sld [smem:$0x3FB8];
	_ =	sdelay $0x3  }
0x33: {  	p0 =	seq.s32 s10, $0x1;
	s10 =	sld [smem:$0x3FBA];
	_ =	sdelay $0x3  }
0x34: {  	[smem:$0x3FBA] =	sst s10  }
0x35: {  	s10 =	sld [smem:$0x3FB9];
	_ =	sdelay $0x3  }
0x36: {  	p1 =	seq.s32 s10, $0x1;
	s10 =	sld [smem:$0x3FBA];
	_ =	sdelay $0x3  }
0x37: {  	[smem:$0x3FBA] =	sst s10  }
0x38: {  	s10 =	sld [smem:$0x3FBB]  }
0x39: {  	_ = 	snop;
	(pc) =	sbr.ind lr, $3  }
0x3a: {  	_ = 	snop  }
0x3b: {  	_ = 	snop  }
0x3c: {  	p2 =	seq.s32 s10, $0x1;
	s10 =	sld [smem:$0x3FBA]  }
0x3d: {  	_ =	shalt  }
0x3e: {  	_ =	shalt  }
0x3f: {  	_ =	shalt  }
0x40: {  	_ =	shalt  }
0x41: {  	_ =	shalt  }
0x42: {  	_ =	shalt  }
0x43: {  	_ =	shalt  }
0x44: {  	_ =	shalt  }
0x45: {  	_ =	shalt  }
0x46: {  	_ =	shalt  }
0x47: {  	_ =	shalt  }
0x48: {  	_ =	shalt  }
0x49: {  	_ =	shalt  }
0x4a: {  	_ =	shalt  }
0x4b: {  	_ =	shalt  }
0x4c: {  	_ =	shalt  }
0x4d: {  	_ =	shalt  }
0x4e: {  	_ =	shalt  }
0x4f: {  	_ =	shalt  }
0x50: {  	_ =	shalt  }
0x51: {  	_ =	shalt  }
0x52: {  	_ =	shalt  }
0x53: {  	_ =	shalt  }
0x54: {  	_ =	shalt  }
0x55: {  	_ =	shalt  }
0x56: {  	_ =	shalt  }
0x57: {  	_ =	shalt  }
0x58: {  	_ =	shalt  }
0x59: {  	_ =	shalt  }
0x5a: {  	_ =	shalt  }
0x5b: {  	_ =	shalt  }
0x5c: {  	_ =	shalt  }
0x5d: {  	_ =	shalt  }
0x5e: {  	_ =	shalt  }
0x5f: {  	_ =	shalt  }
0x60: {  	_ =	shalt  }
0x61: {  	_ =	shalt  }
0x62: {  	_ =	shalt  }
0x63: {  	_ =	shalt  }
0x64: {  	_ =	shalt  }
0x65: {  	_ =	shalt  }
0x66: {  	_ =	shalt  }
0x67: {  	_ =	shalt  }
0x68: {  	_ =	shalt  }
0x69: {  	_ =	shalt  }
0x6a: {  	_ =	shalt  }
0x6b: {  	_ =	shalt  }
0x6c: {  	_ =	shalt  }
0x6d: {  	_ =	shalt  }
0x6e: {  	_ =	shalt  }
0x6f: {  	_ =	shalt  }
0x70: {  	_ =	shalt  }
0x71: {  	_ =	shalt  }
0x72: {  	_ =	shalt  }
0x73: {  	_ =	shalt  }
0x74: {  	_ =	shalt  }
0x75: {  	_ =	shalt  }
0x76: {  	_ =	shalt  }
0x77: {  	_ =	shalt  }
0x78: {  	_ =	shalt  }
0x79: {  	_ =	shalt  }
0x7a: {  	_ =	shalt  }
0x7b: {  	_ =	shalt  }
0x7c: {  	_ =	shalt  }
0x7d: {  	_ =	shalt  }
0x7e: {  	_ =	shalt  }
0x7f: {  	_ =	shalt  }
0x80: {  	_ =	shalt  }
0x81: {  	_ =	shalt  }
0x82: {  	_ =	shalt  }
0x83: {  	_ =	shalt  }
0x84: {  	_ =	shalt  }
0x85: {  	_ =	shalt  }
0x86: {  	_ =	shalt  }
0x87: {  	_ =	shalt  }
.Lfunc_end0:
.L_simem_size_0:
called_computation.3_lowered:
.L_overlay_start_0:
0x88: {  	s2 =	sld [smem:$0x3FD9]  }
0x89: {  	s3 =	sld [smem:$0x3FFE];
	_ =	sdelay $0x1  }
0x8a: {  	s1 =	srdreg.scid  }
0x8b: {  	s0 =	sand.u32 $0x1, s1  }
0x8c: {  	s17 =	sshll.u32 s0, $0xA;
	s2 =	sadd.s32 s3, s2  }
0x8d: {  	s2 =	sadd.s32 s2, s17  }
0x8e: {  	[smem:$0x3FC6] =	sst s2  }
0x8f: {  	_ = 	snop  }
0x90: {  	s2 =	sld [smem:$0x3FC9]  }
0x91: {  	s18 =	sld [smem:$0x3FC8]  }
0x92: {  	s4 =	sld [smem:$0x3FD0];
	(tm) =	ssettm $0x1  }
0x93: {  	s5 =	sld [smem:$0x3FFB];
	_ =	sdelay $0x3  }
0x94: {  	_ =	strace s5  }
0x95: {  	s5 =	sld [smem:$0x3FFC];
	_ =	sdelay $0x3  }
0x96: {  	_ =	strace s5  }
0x97: {  	s5 =	sld [smem:$0x3FFD];
	_ =	sdelay $0x3  }
0x98: {  	_ =	strace s5  }
0x99: {  	_ =	strace $0x8FFFFFFF  }
0x9a: {  	s19 =	sld [smem:$0x3FDB];
	_ =	sdelay $0x1  }
0x9b: {  	s6 =	simm.s32 $_scs_section_size  }
0x9c: {  	s7 =	simm.s32 $_size__tile_overlayer_lowered;
	s8 =	simm.s32 $_tile_overlayer_lowered  }
0x9d: {  	s22 =	simm.s32 $0x1BFF;
	s21 =	sshll.u32 s8, $0x1;
	s5 =	sadd.s32 s6, s19  }
0x9e: {  	s9 =	simm.s32 $0x0;
	s20 =	sshll.u32 s7, $0x1;
	s7 =	sadd.s32 s21, s5  }
0x9f: {  	[timem:s9], [sflag:s22] =	dma.local [hbm:s7], s20  }
0xa0: {  	_ =	swait.ge [sflag:s22], s20  }
0xa1: {  	s6 =	ssub.s32 $0x0, s20;
	[sflag:s22] =	ssyncset.done $0x0  }
0xa2: {  	[sflag:s22] =	ssyncadd.s32 s6;
	_ =	sdelay $0x1  }
0xa3: {  	s23 =	simm.s32 $0x1B8B  }
0xa4: {  	_ =	swait.ge [sflag:s23], $0x1  }
0xa5: {  	[sflag:s23] =	ssyncset.done $0x0  }
0xa6: {  	s25 =	simm.s32 $0x1B8E;
	s24 =	sld [smem:$0x3FFE];
	[sflag:s23] =	ssyncadd.s32 $0xFFFFFFFF  }
0xa7: {  	s26 =	simm.s32 $execute0_lowered;
	[smem:$0x3FD2] =	sst s25  }
0xa8: {  	s7 =	sshll.u32 s26, $0x1;
	_ =	strace $0x8000004F;
	[dreg:$0x1] =	wrdreg $0xFFFFFFFF  }
0xa9: {  	s28 =	simm.s32 $_size_execute0_lowered;
	s5 =	sadd.s32 s5, s7;
	[dreg:$0x0] =	wrdreg $0x0  }
0xaa: {  	s7 =	sshll.u32 s28, $0x1;
	[dreg:$0x2] =	wrdreg s5  }
0xab: {  	[dreg:$0x3] =	wrdreg s7  }
0xac: {  	[dreg:$0x4] =	wrdreg $0xC0  }
0xad: {  	_ =	task [dreg:s9], $0x5FFFF  }
0xae: {  	[dreg:$0x1] =	wrdreg $0xFFFFFFFF  }
0xaf: {  	[dreg:$0x0] =	wrdreg $0x60  }
0xb0: {  	[dreg:$0x2] =	wrdreg s2  }
0xb1: {  	[dreg:$0x3] =	wrdreg s18  }
0xb2: {  	[dreg:$0x4] =	wrdreg s24  }
0xb3: {  	[dreg:$0x5] =	wrdreg s4  }
0xb4: {  	[dreg:$0x6] =	wrdreg $0x9  }
0xb5: {  	_ =	task.clear_ibuf [dreg:s9], $0x7FFFF;
	_ =	strace $0x9000004F  }
0xb6: {  	s29 =	simm.s32 $0x9;
	_ =	strace $0x80000051  }
0xb7: {  	_ =	swait.ge [sflag:s29], $0x1  }
0xb8: {  	[sflag:s29] =	ssyncadd.s32 $0xFFFFFFFF  }
0xb9: {  	_ =	strace $0x90000051  }
0xba: {  	_ =	sfence  }
0xbb: {  	s30 =	sld [smem:$0x0];
	_ =	sdelay $0x2  }
0xbc: {  	s31 =	sshll.u32 s1, $0xD;
	s1 =	sshrl.u32 s1, $0x2  }
0xbd: {  	s3 =	sand.u32 $0x4000, s31;
	s1 =	sadd.s32 s1, s30  }
0xbe: {  	s0 =	sor.u32 s3, s0;
	s1 =	sshll.u32 s1, $0x11  }
0xbf: {  	s0 =	sor.u32 s1, s0  }
0xc0: {  	s0 =	sadd.s32 $0x8F2B, s0  }
0xc1: {  	[sflag:s0] =	ssyncadd.remote.s32 $0x1  }
0xc2: {  	_ =	sfence.sel $0xFFFF  }
0xc3: {  	[dreg:$0x0] =	wrdreg $0xFFFFFFFF;
	(pc) =	sbr.abs _section_cstart, $3  }
0xc4: {  	[dreg:$0x1] =	wrdreg $0xFFFFFFFF  }
0xc5: {  	_ =	task.clear_ibuf [dreg:s9], $0x2FFFF;
	_ =	strace $0x9FFFFFFF  }
0xc6: {  	(tm) =	ssettm $0x7FFFFFFF  }
0xc7: {  	_ =	shalt  }
tec
execute0_lowered:
.L_overlay_start_1:
0x0: {  	(tag) =	ssettag $0x1  }
0x1: {  	s1 =	rddreg [dreg:$0x0]  }
0x2: {  	s2 =	rddreg [dreg:$0x1]  }
0x3: {  	s3 =	rddreg [dreg:$0x2]  }
0x4: {  	s4 =	rddreg [dreg:$0x3]  }
0x5: {  	s0 =	rddreg [dreg:$0x4];
	s5 =	simm.s32 $0x0  }
0x6: {  	s6 =	srdreg.scid;
	s13 =	simm.s32 $0xB680;
	s14 =	simm.s32 $0x11E80  }
0x7: {  	s15 =	simm.s32 $0x2780;
	s16 =	simm.s32 $0x4F00;
	s17 =	simm.s32 $0x0  }
0x8: {  	[smem:$0x7FF] =	sst s5;
	s9 =	sand.u32 $0x1, s6;
	s6 =	stileid.u32  }
0x9: {  	s7 =	sadd.s32 $0x1600, s3;
	s8 =	sadd.s32 $0x800, s3;
	s10 =	ssub.s32 $0x2, s9  }
0xa: {  	_ =	strace $0x80000050;
	s12 =	sshll.u32 s6, $0x1;
	s11 =	sshrl.u32 s10, $0x1  }
0xb: {  	s9 =	sor.u32 s9, s12;
	s12 =	simm.s32 $0x1;
	s10 =	ssub.s32 s10, s11  }
0xc: {  	s9 =	smul.u32 $0x3D090, s9;
	s11 =	simm.s32 $0x7680;
	s10 =	smax.u32 s10, $0x1  }
.LBB2_1:
0xd: {  	[tilespmem:s11], [sflag:$0x1] =	stream.linear.gather [hbm4b:s3+s5], $0x4000, $0x38;
	[tilespmem:$0x18680] =	vst v63  }
0xe: {  	_ =	swait.ge [sflag:s12], $0x4000  }
0xf: {  	[sflag:s12] =	ssyncset.done $0x0  }
0x10: {  	[sflag:s12] =	ssyncadd.s32 $0xFFFFC000  }
0x11: {  	[tilespmem:s13], [sflag:$0x1] =	stream.linear.gather [hbm4b:s7+s5], $0x6800, $0x38;
	[tilespmem:$0x18680] =	vst v63  }
0x12: {  	_ =	swait.ge [sflag:s12], $0x6800  }
0x13: {  	[sflag:s12] =	ssyncset.done $0x0  }
0x14: {  	[sflag:s12] =	ssyncadd.s32 $0xFFFF9800  }
0x15: {  	[tilespmem:s14], [sflag:$0x1] =	stream.linear.gather [hbm4b:s8+s5], $0x6800, $0x38;
	[tilespmem:$0x18680] =	vst v63  }
0x16: {  	_ =	swait.ge [sflag:s12], $0x6800  }
0x17: {  	[sflag:s12] =	ssyncset.done $0x0  }
0x18: {  	s18 =	simm.s32 $0x0;
	[sflag:s12] =	ssyncadd.s32 $0xFFFF9800  }
.LBB2_2:
0x19: {  	s19 =	smul.u32 $0x2710, s18;
	_ =	sdelay $0x1  }
0x1a: {  	s19 =	sadd.s32 s9, s19  }
0x1b: {  	s19 =	sshrl.u32 s19, $0x3  }
0x1c: {  	s20 =	sadd.s32 s1, s19  }
0x1d: {  	[tilespmem:s5], [sflag:$0x1] =	stream.linear.gather [hbm4b:s20+s5], $0x2710, $0x38;
	[tilespmem:$0x18680] =	vst v63  }
0x1e: {  	_ =	swait.ge [sflag:s12], $0x2710  }
0x1f: {  	[sflag:s12] =	ssyncset.done $0x0  }
0x20: {  	s29 =	sadd.s32 s2, s19;
	[sflag:s12] =	ssyncadd.s32 $0xFFFFD8F0  }
0x21: {  	[tilespmem:s15], [sflag:$0x1] =	stream.linear.gather [hbm4b:s29+s5], $0x2710, $0x38;
	[tilespmem:$0x18680] =	vst v63  }
0x22: {  	_ =	swait.ge [sflag:s12], $0x2710  }
0x23: {  	[sflag:s12] =	ssyncset.done $0x0  }
0x24: {  	s30 =	simm.s32 $0x20;
	[sflag:s12] =	ssyncadd.s32 $0xFFFFD8F0  }
0x25: {  	v3 =	vld [tilespmem:s30+$0x10]  }
0x26: {  	v4 =	vld [tilespmem:s30+$0xFFFFFFF0]  }
0x27: {  	s21 =	simm.s32 $0x27A0;
	v2 =	vld [tilespmem:s30+$0x0]  }
0x28: {  	v0 =	vld [tilespmem:s21+$0x10]  }
0x29: {  	v7 =	vld [tilespmem:s21+$0xFFFFFFF0];
	_ =	sdelay $0x3  }
0x2a: {  	v5 =	vld [tilespmem:s21+$0x0];
	v1 =	vshra.s32 v3, $0x1F;
	v6 =	vshra.s32 v4, $0x1F;
	v8 =	vshra.s32 v2, $0x1F  }
0x2b: {  	v0 =	vshll.u32 v0, $0xE;
	v7 =	vshll.u32 v7, $0xE;
	v1 =	vor.u32 $0x80000000, v1  }
0x2c: {  	v6 =	vor.u32 $0x80000000, v6;
	v9 =	vxor.u32 v3, v1;
	v1 =	vor.u32 $0x80000000, v8  }
0x2d: {  	v6 =	vxor.u32 v4, v6;
	v8 =	vshrl.u32 v9, $0x1;
	v10 =	vxor.u32 v2, v1  }
0x2e: {  	v11 =	vshrl.u32 v6, $0x1;
	v1 =	vshrl.u32 v8, $0x11;
	v12 =	vshrl.u32 v10, $0x1  }
0x2f: {  	v13 =	vshrl.u32 v11, $0x11;
	v0 =	vor.u32 v1, v0;
	v1 =	vshll.u32 v5, $0xE  }
0x30: {  	v5 =	vshrl.u32 v12, $0x11;
	v7 =	vor.u32 v13, v7;
	v0 =	vshra.s32 v0, $0x2  }
0x31: {  	v1 =	vor.u32 v5, v1;
	v7 =	vshra.s32 v7, $0x2  }
0x32: {  	v1 =	vshra.s32 v1, $0x2;
	_ =	sdelay $0x2  }
0x33: {  	v0 =	vld.idx.msk [tilespmem:v0+s11+$0x0], $0xffff  }
0x34: {  	vm1 =	vlt.f32 v4, $0.0e+00;
	vm5 =	vgt.f32 v4, $0.0e+00;
	v7 =	vld.idx.msk [tilespmem:v7+s11+$0x0], $0xffff  }
0x35: {  	vm3 =	vlt.f32 v2, $0.0e+00;
	vm1 =	vmor vm5, vm1;
	v15 =	vshrl.u32 v6, $0x9;
	v1 =	vld.idx.msk [tilespmem:v1+s11+$0x0], $0xffff  }
0x36: {  	v8 =	vshrl.u32 v8, $0xE;
	v14 =	vshrl.u32 v10, $0x9;
	v11 =	vshrl.u32 v11, $0xE  }
0x37: {  	v15 =	vand.u32 $0x1FF, v15;
	v10 =	vand.u32 $0x1FF, v10;
	v12 =	vshrl.u32 v12, $0xE  }
0x38: {  	v8 =	vand.u32 $0x18, v8;
	v11 =	vand.u32 $0x18, v11;
	v12 =	vand.u32 $0x18, v12  }
0x39: {  	v0 =	vshra.s32 v0, v8;
	v8 =	vshrl.u32 v9, $0x9;
	v7 =	vshra.s32 v7, v11  }
0x3a: {  	v0 =	vand.u32 $0xFF, v0;
	v8 =	vand.u32 $0x1FF, v8;
	v1 =	vshra.s32 v1, v12  }
0x3b: {  	v5 =	vld [tilespmem:s30+$0xFFFFFFE0];
	vm0 =	vgt.u32 v0, $0x32;
	v12 =	vshll.u32 v0, $0x9;
	v11 =	vand.u32 $0xFF, v1  }
0x3c: {  	v1 =	vor.u32 v8, v12;
	v8 =	vand.u32 $0x1FF, v14;
	v12 =	vshll.u32 v11, $0x9  }
0x3d: {  	v16 =	vadd.s32 $0xFFFF9A00, v1;
	v1 =	vand.u32 $0xFF, v7;
	v7 =	vor.u32 v8, v12  }
0x3e: {  	v8 =	vnsel vm0, $0x0, v16;
	vm0 =	vgt.u32 v11, $0x32;
	v7 =	vadd.s32 $0xFFFF9A00, v7  }
0x3f: {  	v14 =	vld [tilespmem:s21+$0xFFFFFFE0];
	v12 =	vshll.u32 v1, $0x9;
	v7 =	vnsel vm0, $0x0, v7;
	v16 =	vshra.s32 v8, $0x2  }
0x40: {  	v13 =	vshra.s32 v5, $0x1F;
	v12 =	vor.u32 v15, v12;
	v15 =	vshra.s32 v7, $0x2  }
0x41: {  	v13 =	vor.u32 $0x80000000, v13;
	vm0 =	vgt.u32 v1, $0x32;
	v12 =	vadd.s32 $0xFFFF9A00, v12  }
0x42: {  	vm2 =	vlt.f32 v5, $0.0e+00;
	v13 =	vxor.u32 v5, v13;
	v12 =	vnsel vm0, $0x0, v12  }
0x43: {  	vm4 =	vgt.f32 v5, $0.0e+00;
	v17 =	vshrl.u32 v13, $0x1;
	v20 =	vshra.s32 v12, $0x2  }
0x44: {  	v19 =	vshrl.u32 v17, $0xE;
	v17 =	vshrl.u32 v17, $0x11;
	v14 =	vshll.u32 v14, $0xE;
	v16 =	vld.idx.msk [tilespmem:v16+s13+$0x0], $0xffff  }
0x45: {  	vm4 =	vmor vm4, vm2;
	v5 =	vand.u32 $0x1FF, v6;
	v14 =	vor.u32 v17, v14;
	v15 =	vld.idx.msk [tilespmem:v15+s13+$0x0], $0xffff  }
0x46: {  	v18 =	vshrl.u32 v13, $0x9;
	v13 =	vand.u32 $0x1FF, v13;
	v14 =	vshra.s32 v14, $0x2  }
0x47: {  	v19 =	vand.u32 $0x18, v19;
	vm9 =	vlt.u32 v11, $0x33;
	v8 =	vshll.u32 v8, $0x3  }
0x48: {  	v7 =	vshll.u32 v7, $0x3;
	v6 =	vand.u32 $0x18, v8;
	v8 =	vand.u32 $0x1FF, v9;
	v4 =	vld.idx.msk [tilespmem:v20+s13+$0x0], $0xffff  }
0x49: {  	vm0 =	vlt.f32 v3, $0.0e+00;
	v7 =	vand.u32 $0x18, v7;
	v17 =	vand.u32 $0x1FF, v18  }
0x4a: {  	v12 =	vshll.u32 v12, $0x3;
	v6 =	vshra.s32 v16, v6;
	v7 =	vshra.s32 v15, v7  }
0x4b: {  	s31 =	simm.s32 $0x60;
	v9 =	vand.u32 $0x18, v12;
	v14 =	vld.idx.msk [tilespmem:v14+s11+$0x0], $0xffff;
	v12 =	vand.u32 $0xFF, v6;
	v7 =	vand.u32 $0xFF, v7  }
0x4c: {  	v16 =	vld [tilespmem:s31+$0xFFFFFFF0];
	vm2 =	vgt.u32 v12, $0x32;
	v6 =	vshll.u32 v12, $0x9;
	v15 =	vshll.u32 v7, $0x9  }
0x4d: {  	v6 =	vor.u32 v8, v6;
	v4 =	vshra.s32 v4, v9;
	vm5 =	vgt.u32 v7, $0x32  }
0x4e: {  	vm8 =	vlt.u32 v7, $0x33;
	v8 =	vor.u32 v10, v15;
	v4 =	vand.u32 $0xFF, v4  }
0x4f: {  	v6 =	vadd.s32 $0xFFFF9A00, v6;
	v8 =	vadd.s32 $0xFFFF9A00, v8;
	v9 =	vshll.u32 v4, $0x9  }
0x50: {  	v10 =	vnsel vm2, $0x0, v6;
	vm2 =	vgt.u32 v4, $0x32;
	v6 =	vshra.s32 v14, v19  }
0x51: {  	vm6 =	vlt.u32 v4, $0x33;
	vm15 =	vgt.f32 v16, $0.0e+00;
	v8 =	vnsel vm5, $0x0, v8  }
0x52: {  	v5 =	vor.u32 v5, v9;
	v15 =	vshra.s32 v10, $0x2;
	v6 =	vand.u32 $0xFF, v6  }
0x53: {  	v10 =	vshll.u32 v10, $0x3;
	v9 =	vshra.s32 v8, $0x2;
	v5 =	vadd.s32 $0xFFFF9A00, v5  }
0x54: {  	v14 =	vshll.u32 v6, $0x9;
	v8 =	vshll.u32 v8, $0x3;
	vm5 =	vgt.u32 v6, $0x32  }
0x55: {  	v5 =	vnsel vm2, $0x0, v5;
	vm2 =	vgt.f32 v3, $0.0e+00;
	v14 =	vor.u32 v17, v14;
	v17 =	vld [tilespmem:s31+$0x10]  }
0x56: {  	v18 =	vand.u32 $0x18, v8;
	v8 =	vld [tilespmem:s31+$0x0];
	v3 =	vshra.s32 v5, $0x2;
	vm2 =	vmor vm2, vm0  }
0x57: {  	vm0 =	vmmov vm4;
	vm4 =	vgt.f32 v2, $0.0e+00;
	v2 =	vadd.s32 $0xFFFF9A00, v14;
	v14 =	vld.idx.msk [tilespmem:v15+s14+$0x0], $0xffff  }
0x58: {  	v10 =	vand.u32 $0x18, v10;
	v5 =	vshll.u32 v5, $0x3;
	v2 =	vnsel vm5, $0x0, v2;
	v9 =	vld.idx.msk [tilespmem:v9+s14+$0x0], $0xffff  }
0x59: {  	vm7 =	vmor vm4, vm3;
	vm3 =	vlt.u32 v0, $0x33;
	v5 =	vand.u32 $0x18, v5  }
0x5a: {  	vm4 =	vlt.u32 v12, $0x33;
	vm5 =	vlt.u32 v1, $0x33;
	v19 =	vshra.s32 v17, $0x1F  }
0x5b: {  	v15 =	vshra.s32 v2, $0x2;
	v2 =	vshll.u32 v2, $0x3;
	v3 =	vld.idx.msk [tilespmem:v3+s14+$0x0], $0xffff;
	v19 =	vor.u32 $0x80000000, v19  }
0x5c: {  	v23 =	vld [tilespmem:s31+$0xFFFFFFE0];
	v2 =	vand.u32 $0x18, v2;
	vm14 =	vgt.f32 v8, $0.0e+00;
	v19 =	vxor.u32 v17, v19  }
0x5d: {  	v10 =	vshra.s32 v14, v10;
	v22 =	vshrl.u32 v19, $0x1;
	v9 =	vshra.s32 v9, v18  }
0x5e: {  	s20 =	simm.s32 $0x27E0;
	v24 =	vshrl.u32 v22, $0x11;
	v22 =	vshrl.u32 v22, $0xE;
	v9 =	vand.u32 $0xFF, v9  }
0x5f: {  	v14 =	vld [tilespmem:s20+$0x0];
	v7 =	vsel vm8, v7, v9;
	v9 =	vand.u32 $0xFF, v10;
	v10 =	vshra.s32 v16, $0x1F  }
0x60: {  	v3 =	vshra.s32 v3, v5;
	v5 =	vsel vm9, v11, v7;
	v7 =	vld [tilespmem:s20+$0xFFFFFFF0];
	v18 =	vor.u32 $0x80000000, v10  }
0x61: {  	v11 =	vld [tilespmem:s20+$0x10];
	v3 =	vand.u32 $0xFF, v3;
	v9 =	vsel vm4, v12, v9;
	v12 =	vshra.s32 v23, $0x1F  }
0x62: {  	vm4 =	vlt.f32 v16, $0.0e+00;
	v10 =	vnsel vm7, $0x0, v5;
	v5 =	vshra.s32 v8, $0x1F  }
0x63: {  	v18 =	vxor.u32 v16, v18;
	v3 =	vsel vm6, v4, v3;
	v0 =	vsel vm3, v0, v9  }
0x64: {  	vm3 =	vlt.f32 v8, $0.0e+00;
	v5 =	vor.u32 $0x80000000, v5;
	v52 =	vshrl.u32 v18, $0x1  }
0x65: {  	v1 =	vsel vm5, v1, v3;
	v21 =	vxor.u32 v8, v5;
	v5 =	vshll.u32 v14, $0xE  }
0x66: {  	v15 =	vld.idx.msk [tilespmem:v15+s13+$0x0], $0xffff;
	v14 =	vshrl.u32 v52, $0x11;
	v7 =	vshll.u32 v7, $0xE;
	v11 =	vshll.u32 v11, $0xE  }
0x67: {  	v7 =	vor.u32 v14, v7;
	v14 =	vshrl.u32 v21, $0x1;
	v11 =	vor.u32 v24, v11  }
0x68: {  	v3 =	vor.u32 $0x80000000, v12;
	v53 =	vshrl.u32 v14, $0x11;
	v11 =	vshra.s32 v11, $0x2  }
0x69: {  	v4 =	vld [tilespmem:s20+$0xFFFFFFE0];
	vm5 =	vlt.f32 v17, $0.0e+00;
	v7 =	vshra.s32 v7, $0x2;
	v5 =	vor.u32 v53, v5  }
0x6a: {  	vm3 =	vmor vm14, vm3;
	v12 =	vnsel vm1, $0x0, v1;
	v5 =	vshra.s32 v5, $0x2  }
0x6b: {  	v1 =	vshra.s32 v15, v2;
	v15 =	vnsel vm2, $0x0, v0;
	v2 =	vxor.u32 v23, v3  }
0x6c: {  	v0 =	vshrl.u32 v18, $0x9;
	v54 =	vshrl.u32 v21, $0x9;
	v25 =	vand.u32 $0xFF, v1  }
0x6d: {  	v3 =	vshrl.u32 v2, $0x1;
	v55 =	vand.u32 $0x1FF, v0;
	v0 =	vand.u32 $0x18, v22;
	v1 =	vld.idx.msk [tilespmem:v11+s11+$0x0], $0xffff  }
0x6e: {  	v9 =	vshll.u32 v25, $0x9;
	vm1 =	vgt.u32 v25, $0x32;
	v4 =	vshll.u32 v4, $0xE;
	v7 =	vld.idx.msk [tilespmem:v7+s11+$0x0], $0xffff  }
0x6f: {  	v9 =	vor.u32 v13, v9;
	v11 =	vshrl.u32 v3, $0x11;
	v3 =	vshrl.u32 v3, $0xE;
	v5 =	vld.idx.msk [tilespmem:v5+s11+$0x0], $0xffff  }
0x70: {  	v14 =	vshrl.u32 v14, $0xE;
	v13 =	vand.u32 $0x18, v3;
	v3 =	vshrl.u32 v52, $0xE  }
0x71: {  	v14 =	vand.u32 $0x18, v14;
	v4 =	vor.u32 v11, v4;
	v3 =	vand.u32 $0x18, v3  }
0x72: {  	v59 =	vshra.s32 v4, $0x2;
	v0 =	vshra.s32 v1, v0;
	v1 =	vshrl.u32 v19, $0x9  }
0x73: {  	v7 =	vshra.s32 v7, v3;
	v0 =	vand.u32 $0xFF, v0;
	v1 =	vand.u32 $0x1FF, v1  }
0x74: {  	v5 =	vshra.s32 v5, v14;
	vm2 =	vgt.u32 v0, $0x32;
	v14 =	vshll.u32 v0, $0x9  }
0x75: {  	v3 =	vand.u32 $0xFF, v5;
	v1 =	vor.u32 v1, v14;
	v5 =	vand.u32 $0x1FF, v54  }
0x76: {  	v14 =	vshll.u32 v3, $0x9;
	v56 =	vadd.s32 $0xFFFF9A00, v1;
	v1 =	vand.u32 $0xFF, v7  }
0x77: {  	v5 =	vor.u32 v5, v14;
	v7 =	vnsel vm2, $0x0, v56;
	vm2 =	vgt.u32 v3, $0x32  }
0x78: {  	v57 =	vshll.u32 v1, $0x9;
	v5 =	vadd.s32 $0xFFFF9A00, v5;
	v14 =	vshll.u32 v7, $0x3  }
0x79: {  	v7 =	vshra.s32 v7, $0x2;
	v20 =	vor.u32 v55, v57;
	v5 =	vnsel vm2, $0x0, v5  }
0x7a: {  	vm2 =	vgt.u32 v1, $0x32;
	v4 =	vadd.s32 $0xFFFF9A00, v20;
	v58 =	vshra.s32 v5, $0x2  }
0x7b: {  	v9 =	vadd.s32 $0xFFFF9A00, v9;
	v11 =	vshrl.u32 v2, $0x9;
	v4 =	vnsel vm2, $0x0, v4  }
0x7c: {  	v9 =	vnsel vm1, $0x0, v9;
	v60 =	vand.u32 $0x1FF, v11;
	v11 =	vshra.s32 v4, $0x2  }
0x7d: {  	vm13 =	vlt.u32 v25, $0x33;
	vm1 =	vlt.f32 v23, $0.0e+00;
	v16 =	vshra.s32 v9, $0x2  }
0x7e: {  	v5 =	vshll.u32 v5, $0x3;
	vm2 =	vgt.f32 v23, $0.0e+00;
	v61 =	vshll.u32 v4, $0x3;
	v7 =	vld.idx.msk [tilespmem:v7+s13+$0x0], $0xffff  }
0x7f: {  	vm9 =	vmor vm2, vm1;
	vm1 =	vmor vm15, vm4;
	vm2 =	vgt.f32 v17, $0.0e+00;
	v22 =	vld.idx.msk [tilespmem:v58+s13+$0x0], $0xffff  }
0x80: {  	vm4 =	vmmov vm0;
	v4 =	vand.u32 $0x1FF, v2;
	v2 =	vshll.u32 v9, $0x3  }
0x81: {  	v17 =	vand.u32 $0x1FF, v18;
	v9 =	vand.u32 $0x18, v14;
	v5 =	vand.u32 $0x18, v5;
	v11 =	vld.idx.msk [tilespmem:v11+s13+$0x0], $0xffff  }
0x82: {  	v14 =	vand.u32 $0x1FF, v19;
	v19 =	vand.u32 $0x1FF, v21;
	vm2 =	vmor vm2, vm5  }
0x83: {  	vm0 =	vmmov vm9;
	v2 =	vand.u32 $0x18, v2;
	v7 =	vshra.s32 v7, v9  }
0x84: {  	v18 =	vand.u32 $0x18, v61;
	v9 =	vshra.s32 v22, v5;
	v5 =	vand.u32 $0xFF, v7  }
0x85: {  	v9 =	vand.u32 $0xFF, v9;
	vm10 =	vgt.u32 v5, $0x32;
	v7 =	vshll.u32 v5, $0x9  }
0x86: {  	v11 =	vshra.s32 v11, v18;
	v62 =	vshll.u32 v9, $0x9;
	v7 =	vor.u32 v14, v7;
	v14 =	vld.idx.msk [tilespmem:v59+s11+$0x0], $0xffff  }
0x87: {  	v16 =	vld.idx.msk [tilespmem:v16+s14+$0x0], $0xffff;
	v18 =	vor.u32 v19, v62;
	v19 =	vadd.s32 $0xFFFF9A00, v7;
	v7 =	vand.u32 $0xFF, v11  }
0x88: {  	vm11 =	vgt.u32 v9, $0x32;
	v11 =	vadd.s32 $0xFFFF9A00, v18;
	v18 =	vshll.u32 v7, $0x9  }
0x89: {  	v19 =	vnsel vm10, $0x0, v19;
	v11 =	vnsel vm11, $0x0, v11;
	v17 =	vor.u32 v17, v18  }
0x8a: {  	vm12 =	vgt.u32 v7, $0x32;
	v18 =	vshra.s32 v11, $0x2;
	v17 =	vadd.s32 $0xFFFF9A00, v17  }
0x8b: {  	v63 =	vshra.s32 v19, $0x2;
	v13 =	vshra.s32 v14, v13;
	v14 =	vnsel vm12, $0x0, v17  }
0x8c: {  	v16 =	vshra.s32 v16, v2;
	v2 =	vand.u32 $0xFF, v13;
	v17 =	vshra.s32 v14, $0x2  }
0x8d: {  	s21 =	simm.s32 $0x4F20;
	v16 =	vand.u32 $0xFF, v16;
	v13 =	vshll.u32 v14, $0x3;
	v14 =	vshll.u32 v2, $0x9  }
0x8e: {  	[tilespmem:s21+$0x0] =	vst v10;
	vm5 =	vlt.u32 v6, $0x33;
	v8 =	vsel vm13, v25, v16;
	v10 =	vor.u32 v60, v14  }
0x8f: {  	[tilespmem:s21+$0xFFFFFFF0] =	vst v12;
	v6 =	vsel vm5, v6, v8;
	vm15 =	vgt.u32 v2, $0x32;
	v14 =	vld.idx.msk [tilespmem:v18+s14+$0x0], $0xffff;
	v10 =	vadd.s32 $0xFFFF9A00, v10  }
0x90: {  	[tilespmem:s21+$0x10] =	vst v15;
	v11 =	vshll.u32 v11, $0x3;
	v15 =	vld.idx.msk [tilespmem:v63+s14+$0x0], $0xffff;
	v18 =	vnsel vm4, $0x0, v6;
	v8 =	vnsel vm15, $0x0, v10  }
0x91: {  	s22 =	simm.s32 $0x4;
	s23 =	simm.s32 $0xA0;
	v6 =	vshll.u32 v19, $0x3;
	[tilespmem:s21+$0xFFFFFFE0] =	vst v18;
	v12 =	vshra.s32 v8, $0x2;
	v10 =	vshll.u32 v8, $0x3;
	v16 =	vld.idx.msk [tilespmem:v17+s14+$0x0], $0xffff  }
.LBB2_3:
0x92: {  	v8 =	vld [tilespmem:s23+$0xFFFFFFF0];
	s22 =	sadd.s32 $0x4, s22;
	v17 =	vand.u32 $0x18, v10;
	v18 =	vand.u32 $0x18, v6;
	vm4 =	vlt.u32 v0, $0x33;
	s21 =	sadd.s32 $0x40, s21  }
0x93: {  	v13 =	vand.u32 $0x18, v13;
	v11 =	vand.u32 $0x18, v11;
	vm6 =	vlt.u32 v5, $0x33;
	v10 =	vld [tilespmem:s23+$0x10];
	p0 =	slt.u32 s22, $0x26C  }
0x94: {  	vm5 =	vlt.u32 v1, $0x33;
	vm7 =	vlt.u32 v7, $0x33;
	v11 =	vshra.s32 v14, v11;
	v6 =	vld [tilespmem:s23+$0x0]  }
0x95: {  	vm8 =	vlt.u32 v9, $0x33;
	s20 =	sadd.s32 $0x40, s20;
	v11 =	vand.u32 $0xFF, v11;
	v14 =	vshra.s32 v15, v18  }
0x96: {  	vm9 =	vlt.u32 v3, $0x33;
	v9 =	vsel vm8, v9, v11;
	v14 =	vand.u32 $0xFF, v14;
	v15 =	vld [tilespmem:s20+$0x0]  }
0x97: {  	v13 =	vshra.s32 v16, v13;
	v3 =	vsel vm9, v3, v9;
	v11 =	vshra.s32 v8, $0x1F;
	v18 =	vld [tilespmem:s20+$0x10]  }
0x98: {  	v3 =	vnsel vm3, $0x0, v3;
	v16 =	vld [tilespmem:s20+$0xFFFFFFF0];
	v9 =	vor.u32 $0x80000000, v11;
	v11 =	vshra.s32 v10, $0x1F  }
0x99: {  	v20 =	vand.u32 $0xFF, v13;
	v19 =	vshra.s32 v6, $0x1F;
	v11 =	vor.u32 $0x80000000, v11;
	[tilespmem:s21+$0x0] =	vst v3  }
0x9a: {  	v13 =	vxor.u32 v8, v9;
	v3 =	vor.u32 $0x80000000, v19;
	v9 =	vxor.u32 v10, v11  }
0x9b: {  	v19 =	vshrl.u32 v13, $0x1;
	v11 =	vxor.u32 v6, v3;
	v3 =	vshll.u32 v15, $0xE  }
0x9c: {  	v15 =	vshrl.u32 v19, $0x11;
	v22 =	vshrl.u32 v9, $0x1;
	v21 =	vshrl.u32 v11, $0x1  }
0x9d: {  	v24 =	vshrl.u32 v22, $0x11;
	v18 =	vshll.u32 v18, $0xE;
	v23 =	vld [tilespmem:s23+$0xFFFFFFE0];
	v16 =	vshll.u32 v16, $0xE  }
0x9e: {  	v15 =	vor.u32 v15, v16;
	v16 =	vor.u32 v24, v18;
	v18 =	vshrl.u32 v22, $0xE;
	v12 =	vld.idx.msk [tilespmem:v12+s13+$0x0], $0xffff  }
0x9f: {  	v22 =	vshrl.u32 v21, $0x11;
	v15 =	vshra.s32 v15, $0x2;
	v16 =	vshra.s32 v16, $0x2  }
0xa0: {  	v21 =	vshrl.u32 v21, $0xE;
	v3 =	vor.u32 v22, v3;
	v22 =	vshrl.u32 v11, $0x9  }
0xa1: {  	v5 =	vsel vm6, v5, v14;
	v7 =	vsel vm7, v7, v20;
	v3 =	vshra.s32 v3, $0x2;
	v24 =	vld [tilespmem:s20+$0xFFFFFFE0]  }
0xa2: {  	v0 =	vsel vm4, v0, v5;
	v1 =	vsel vm5, v1, v7;
	v14 =	vshra.s32 v23, $0x1F  }
0xa3: {  	v0 =	vnsel vm2, $0x0, v0;
	v1 =	vnsel vm1, $0x0, v1;
	v5 =	vor.u32 $0x80000000, v14  }
0xa4: {  	v7 =	vshrl.u32 v13, $0x9;
	v12 =	vshra.s32 v12, v17;
	v5 =	vxor.u32 v23, v5;
	v14 =	vld.idx.msk [tilespmem:v16+s11+$0x0], $0xffff;
	[tilespmem:s21+$0xFFFFFFF0] =	vst v1  }
0xa5: {  	v12 =	vand.u32 $0xFF, v12;
	v1 =	vshrl.u32 v5, $0x1;
	v16 =	vshrl.u32 v5, $0x9;
	v15 =	vld.idx.msk [tilespmem:v15+s11+$0x0], $0xffff;
	[tilespmem:s21+$0x10] =	vst v0  }
0xa6: {  	v20 =	vshll.u32 v12, $0x9;
	v0 =	vshll.u32 v24, $0xE;
	v17 =	vshrl.u32 v1, $0xE;
	v3 =	vld.idx.msk [tilespmem:v3+s11+$0x0], $0xffff  }
0xa7: {  	v1 =	vshrl.u32 v1, $0x11;
	v4 =	vor.u32 v4, v20;
	v17 =	vand.u32 $0x18, v17  }
0xa8: {  	vm1 =	vgt.u32 v12, $0x32;
	v20 =	vor.u32 v1, v0;
	v4 =	vadd.s32 $0xFFFF9A00, v4  }
0xa9: {  	v7 =	vand.u32 $0x1FF, v7;
	v0 =	vshrl.u32 v19, $0xE;
	v1 =	vand.u32 $0x18, v18  }
0xaa: {  	v18 =	vand.u32 $0x18, v0;
	v0 =	vshra.s32 v14, v1;
	v1 =	vshrl.u32 v9, $0x9  }
0xab: {  	v14 =	vand.u32 $0x18, v21;
	v0 =	vand.u32 $0xFF, v0;
	v1 =	vand.u32 $0x1FF, v1  }
0xac: {  	v3 =	vshra.s32 v3, v14;
	vm2 =	vgt.u32 v0, $0x32;
	v14 =	vshll.u32 v0, $0x9  }
0xad: {  	v15 =	vshra.s32 v15, v18;
	v3 =	vand.u32 $0xFF, v3;
	v1 =	vor.u32 v1, v14  }
0xae: {  	v14 =	vand.u32 $0x1FF, v22;
	v18 =	vshll.u32 v3, $0x9;
	v19 =	vadd.s32 $0xFFFF9A00, v1  }
0xaf: {  	v1 =	vand.u32 $0xFF, v15;
	v14 =	vor.u32 v14, v18;
	v15 =	vnsel vm2, $0x0, v19  }
0xb0: {  	vm2 =	vgt.u32 v3, $0x32;
	v14 =	vadd.s32 $0xFFFF9A00, v14;
	v18 =	vshll.u32 v15, $0x3  }
0xb1: {  	v19 =	vshll.u32 v1, $0x9;
	v15 =	vshra.s32 v15, $0x2;
	v14 =	vnsel vm2, $0x0, v14  }
0xb2: {  	v7 =	vor.u32 v7, v19;
	v19 =	vshra.s32 v14, $0x2;
	v14 =	vshll.u32 v14, $0x3  }
0xb3: {  	v20 =	vshra.s32 v20, $0x2;
	vm2 =	vgt.u32 v1, $0x32;
	v7 =	vadd.s32 $0xFFFF9A00, v7  }
0xb4: {  	vm3 =	vlt.f32 v6, $0.0e+00;
	v21 =	vnsel vm1, $0x0, v4;
	v7 =	vnsel vm2, $0x0, v7  }
0xb5: {  	v16 =	vand.u32 $0x1FF, v16;
	v22 =	vshra.s32 v7, $0x2;
	v7 =	vshll.u32 v7, $0x3  }
0xb6: {  	vm1 =	vlt.f32 v8, $0.0e+00;
	v24 =	vshra.s32 v21, $0x2;
	vm2 =	vlt.f32 v10, $0.0e+00;
	v15 =	vld.idx.msk [tilespmem:v15+s13+$0x0], $0xffff  }
0xb7: {  	vm6 =	vgt.f32 v8, $0.0e+00;
	vm4 =	vlt.f32 v23, $0.0e+00;
	vm5 =	vgt.f32 v23, $0.0e+00;
	v8 =	vld.idx.msk [tilespmem:v19+s13+$0x0], $0xffff  }
0xb8: {  	vm5 =	vmor vm5, vm4;
	vm4 =	vgt.f32 v10, $0.0e+00;
	vm1 =	vmor vm6, vm1  }
0xb9: {  	vm2 =	vmor vm4, vm2;
	vm4 =	vmmov vm0;
	vm0 =	vmmov vm5  }
0xba: {  	v4 =	vand.u32 $0x1FF, v5;
	v5 =	vshll.u32 v21, $0x3;
	vm5 =	vlt.u32 v2, $0x33;
	v10 =	vld.idx.msk [tilespmem:v22+s13+$0x0], $0xffff  }
0xbb: {  	v13 =	vand.u32 $0x1FF, v13;
	v18 =	vand.u32 $0x18, v18;
	v19 =	vand.u32 $0x18, v5  }
0xbc: {  	v5 =	vand.u32 $0x18, v14;
	v14 =	vshra.s32 v15, v18;
	v15 =	vand.u32 $0x1FF, v9  }
0xbd: {  	v7 =	vand.u32 $0x18, v7;
	v8 =	vshra.s32 v8, v5;
	v5 =	vand.u32 $0xFF, v14  }
0xbe: {  	v9 =	vand.u32 $0xFF, v8;
	vm6 =	vgt.u32 v5, $0x32;
	v8 =	vshll.u32 v5, $0x9;
	v14 =	vld.idx.msk [tilespmem:v24+s14+$0x0], $0xffff  }
0xbf: {  	v11 =	vand.u32 $0x1FF, v11;
	v8 =	vor.u32 v15, v8;
	v18 =	vld.idx.msk [tilespmem:v20+s11+$0x0], $0xffff;
	v20 =	vshll.u32 v9, $0x9  }
0xc0: {  	v7 =	vshra.s32 v10, v7;
	v8 =	vadd.s32 $0xFFFF9A00, v8;
	v10 =	vor.u32 v11, v20  }
0xc1: {  	vm7 =	vgt.u32 v9, $0x32;
	v7 =	vand.u32 $0xFF, v7;
	v10 =	vadd.s32 $0xFFFF9A00, v10  }
0xc2: {  	v8 =	vnsel vm6, $0x0, v8;
	v11 =	vshll.u32 v7, $0x9;
	v10 =	vnsel vm7, $0x0, v10  }
0xc3: {  	v13 =	vor.u32 v13, v11;
	v15 =	vshra.s32 v10, $0x2;
	v11 =	vshll.u32 v10, $0x3  }
0xc4: {  	vm6 =	vgt.u32 v7, $0x32;
	v20 =	vshra.s32 v8, $0x2;
	v10 =	vadd.s32 $0xFFFF9A00, v13  }
0xc5: {  	v14 =	vshra.s32 v14, v19;
	v13 =	vshra.s32 v18, v17;
	v10 =	vnsel vm6, $0x0, v10  }
0xc6: {  	v17 =	vand.u32 $0xFF, v13;
	v18 =	vshra.s32 v10, $0x2;
	v13 =	vshll.u32 v10, $0x3  }
.Ltmp0:
0xc7: {  	v19 =	vand.u32 $0xFF, v14;
	vm6 =	vlt.u32 v12, $0x33;
	v10 =	vshll.u32 v17, $0x9;
	(pc) =	sbr.rel @p0 .LBB2_3-.Ltmp0, $4  }
0xc8: {  	vm7 =	vgt.f32 v6, $0.0e+00;
	v6 =	vsel vm6, v12, v19;
	v10 =	vor.u32 v16, v10;
	v14 =	vld.idx.msk [tilespmem:v15+s14+$0x0], $0xffff  }
0xc9: {  	vm6 =	vgt.u32 v17, $0x32;
	v6 =	vsel vm5, v2, v6;
	v2 =	vmovc v17;
	v10 =	vadd.s32 $0xFFFF9A00, v10;
	v15 =	vld.idx.msk [tilespmem:v20+s14+$0x0], $0xffff  }
0xca: {  	vm3 =	vmor vm7, vm3;
	v17 =	vnsel vm4, $0x0, v6;
	v10 =	vnsel vm6, $0x0, v10  }
0xcb: {  	s23 =	sadd.s32 $0x40, s23;
	v6 =	vshll.u32 v8, $0x3;
	v12 =	vshra.s32 v10, $0x2;
	v10 =	vshll.u32 v10, $0x3;
	v16 =	vld.idx.msk [tilespmem:v18+s14+$0x0], $0xffff;
	[tilespmem:s21+$0xFFFFFFE0] =	vst v17  }
0xcc: {  	_ =	sdelay $0x3  }
0xcd: {  	v8 =	vld.idx.msk [tilespmem:v12+s13+$0x0], $0xffff;
	_ =	sdelay $0x3  }
0xce: {  	v10 =	vand.u32 $0x18, v10  }
0xcf: {  	v8 =	vshra.s32 v8, v10  }
0xd0: {  	v8 =	vand.u32 $0xFF, v8  }
0xd1: {  	v46 =	vshll.u32 v8, $0x9  }
0xd2: {  	v4 =	vor.u32 v4, v46  }
0xd3: {  	vm4 =	vgt.u32 v8, $0x32;
	v4 =	vadd.s32 $0xFFFF9A00, v4  }
0xd4: {  	v4 =	vnsel vm4, $0x0, v4  }
0xd5: {  	v47 =	vshra.s32 v4, $0x2;
	_ =	sdelay $0x2  }
0xd6: {  	v6 =	vand.u32 $0x18, v6;
	vm15 =	vlt.u32 v0, $0x33;
	v11 =	vand.u32 $0x18, v11  }
0xd7: {  	v48 =	vand.u32 $0x18, v13;
	vm5 =	vlt.u32 v5, $0x33;
	vm6 =	vlt.u32 v1, $0x33  }
0xd8: {  	vm7 =	vlt.u32 v7, $0x33;
	vm8 =	vlt.u32 v9, $0x33;
	v11 =	vshra.s32 v14, v11;
	v10 =	vld.idx.msk [tilespmem:v47+s14+$0x0], $0xffff  }
0xd9: {  	vm9 =	vlt.u32 v3, $0x33;
	v11 =	vand.u32 $0xFF, v11;
	v6 =	vshra.s32 v15, v6  }
0xda: {  	v9 =	vsel vm8, v9, v11;
	v6 =	vand.u32 $0xFF, v6;
	vm8 =	vlt.u32 v2, $0x33  }
0xdb: {  	v49 =	vshra.s32 v16, v48;
	v3 =	vsel vm9, v3, v9;
	v4 =	vshll.u32 v4, $0x3  }
0xdc: {  	v5 =	vsel vm5, v5, v6;
	v50 =	vand.u32 $0xFF, v49;
	v4 =	vand.u32 $0x18, v4  }
0xdd: {  	v3 =	vnsel vm3, $0x0, v3;
	v0 =	vsel vm15, v0, v5;
	v4 =	vshra.s32 v10, v4  }
0xde: {  	s20 =	sadd.s32 $0x40, s21;
	v7 =	vsel vm7, v7, v50;
	vm7 =	vlt.u32 v8, $0x33;
	v4 =	vand.u32 $0xFF, v4  }
0xdf: {  	[tilespmem:s20+$0x0] =	vst v3;
	v0 =	vnsel vm2, $0x0, v0;
	v1 =	vsel vm6, v1, v7;
	v51 =	vsel vm7, v8, v4  }
0xe0: {  	vm0 =	vmmov vm0;
	[tilespmem:s20+$0x10] =	vst v0;
	v1 =	vnsel vm1, $0x0, v1;
	v52 =	vsel vm8, v2, v51  }
0xe1: {  	[tilespmem:s20+$0xFFFFFFF0] =	vst v1;
	v53 =	vnsel vm0, $0x0, v52  }
0xe2: {  	[tilespmem:s20+$0xFFFFFFE0] =	vst v53  }
0xe3: {  	v0 =	vld [tilespmem:$0x2700];
	_ =	sdelay $0x3  }
0xe4: {  	v54 =	vld [tilespmem:$0x4E80]  }
0xe5: {  	v55 =	vshra.s32 v0, $0x1F  }
0xe6: {  	v2 =	vor.u32 $0x80000000, v55  }
0xe7: {  	v2 =	vxor.u32 v0, v2  }
0xe8: {  	v56 =	vshrl.u32 v2, $0x1  }
0xe9: {  	v1 =	vshll.u32 v54, $0xE;
	v57 =	vshrl.u32 v56, $0x11  }
0xea: {  	v1 =	vor.u32 v57, v1  }
0xeb: {  	v1 =	vshra.s32 v1, $0x2;
	_ =	sdelay $0x4  }
0xec: {  	v1 =	vld.idx.msk [tilespmem:v1+s11+$0x0], $0xffff;
	_ =	sdelay $0x2  }
0xed: {  	v3 =	vshrl.u32 v56, $0xE  }
0xee: {  	v3 =	vand.u32 $0x18, v3  }
0xef: {  	v1 =	vshra.s32 v1, v3  }
0xf0: {  	v58 =	vshrl.u32 v2, $0x9;
	v1 =	vand.u32 $0xFF, v1  }
0xf1: {  	v3 =	vand.u32 $0x1FF, v58;
	v59 =	vshll.u32 v1, $0x9  }
0xf2: {  	v3 =	vor.u32 v3, v59  }
0xf3: {  	vm9 =	vgt.u32 v1, $0x32;
	v3 =	vadd.s32 $0xFFFF9A00, v3  }
0xf4: {  	v3 =	vnsel vm9, $0x0, v3  }
0xf5: {  	v60 =	vshra.s32 v3, $0x2;
	_ =	sdelay $0x4  }
0xf6: {  	v4 =	vld.idx.msk [tilespmem:v60+s13+$0x0], $0xffff;
	_ =	sdelay $0x2  }
0xf7: {  	v3 =	vshll.u32 v3, $0x3  }
0xf8: {  	v3 =	vand.u32 $0x18, v3  }
0xf9: {  	v3 =	vshra.s32 v4, v3  }
0xfa: {  	v3 =	vand.u32 $0xFF, v3  }
0xfb: {  	v2 =	vand.u32 $0x1FF, v2;
	v61 =	vshll.u32 v3, $0x9  }
0xfc: {  	v2 =	vor.u32 v2, v61  }
0xfd: {  	vm10 =	vgt.u32 v3, $0x32;
	v2 =	vadd.s32 $0xFFFF9A00, v2  }
0xfe: {  	v2 =	vnsel vm10, $0x0, v2  }
0xff: {  	v62 =	vshra.s32 v2, $0x2;
	_ =	sdelay $0x4  }
0x100: {  	v4 =	vld.idx.msk [tilespmem:v62+s14+$0x0], $0xffff;
	_ =	sdelay $0x2  }
0x101: {  	v2 =	vshll.u32 v2, $0x3  }
0x102: {  	v2 =	vand.u32 $0x18, v2  }
0x103: {  	v2 =	vshra.s32 v4, v2  }
0x104: {  	vm13 =	vlt.f32 v0, $0.0e+00;
	vm12 =	vlt.u32 v3, $0x33;
	v2 =	vand.u32 $0xFF, v2  }
0x105: {  	vm14 =	vgt.f32 v0, $0.0e+00;
	vm11 =	vlt.u32 v1, $0x33;
	v2 =	vsel vm12, v3, v2  }
0x106: {  	s18 =	sadd.s32 $0x1, s18;
	vm15 =	vmor vm14, vm13;
	v63 =	vsel vm11, v1, v2  }
0x107: {  	p0 =	sne.s32 s18, $0x19;
	v0 =	vnsel vm15, $0x0, v63  }
.Ltmp1:
0x108: {  	s19 =	sadd.s32 s4, s19;
	[tilespmem:$0x7600] =	vst v0;
	(pc) =	sbr.rel @p0 .LBB2_2-.Ltmp1, $4  }
0x109: {  	[hbm4b:s19+s5] =	stream.linear.scatter [tilespmem:s16], [sflag:$0x1], $0x2710, $0x38;
	[tilespmem:$0x18680] =	vst v63  }
0x10a: {  	_ =	swait.ge [sflag:s12], $0x2710  }
0x10b: {  	[sflag:s12] =	ssyncset.done $0x0  }
0x10c: {  	[sflag:s12] =	ssyncadd.s32 $0xFFFFD8F0  }
0x10d: {  	s17 =	sadd.s32 $0x1, s17  }
0x10e: {  	p0 =	sne.s32 s17, s10  }
.Ltmp2:
0x10f: {  	_ = 	snop;
	(pc) =	sbr.rel @p0 .LBB2_1-.Ltmp2, $1  }
0x110: {  	_ =	sdelay $0x3  }
0x111: {  	_ =	sfence.sel $0x180000  }
0x112: {  	[bflag:$0x0] =	sbarrier.arrive $0xFFFF  }
0x113: {  	p0 =	sne.s32 s6, $0x0;
	_ =	strace $0x90000050  }
0x114: {  	s0 =	sadd.s32 @!p0 $0x100000, s0;
	[bflag:$0x2] =	sbarrier.arrive $0xFFFF  }
0x115: {  	[sflag:s0] =	ssyncadd.tile.s32 @!p0 $0x1;
	_ =	shalt  }
.Lfunc_end2:
_tile_overlayer_lowered:
.L_overlay_start_2:
0x116: {  	(tag) =	ssettag $0x2  }
0x117: {  	s0 =	rddreg [dreg:$0x0];
	s2 =	stileid.u32  }
0x118: {  	s1 =	rddreg [dreg:$0x1];
	p0 =	sne.s32 s2, $0x0  }
0x119: {  	s3 =	rddreg [dreg:$0x2];
	[bflag:$0x3] =	sbarrier.arrive $0xFFFF;
	s2 =	simm.s32 @!p0 $0x1C01  }
0x11a: {  	[timem:s3], [sflag:s2] =	dma.local @!p0 [hbm:s0], s1  }
0x11b: {  	s0 =	simm.s32 @!p0 $0x1  }
0x11c: {  	_ =	swait.ge @!p0 [sflag:s0], s1  }
0x11d: {  	s1 =	ssub.s32 @!p0 $0x0, s1;
	[sflag:s0] =	ssyncset.done @!p0 $0x0  }
0x11e: {  	[sflag:s0] =	ssyncadd.s32 @!p0 s1  }
0x11f: {  	[bflag:$0x3] =	sbarrier.arrive $0xFFFF  }
0x120: {  	_ =	shalt  }

// kernel: kernel.6.cloned.1.call-start
scs
__scs_entry_jumppad:
0x0: {  	(pc) =	sbr.rel $0x88, $3  }
0x1: {  	(tag) =	ssettag $0x0;
	lr =	simm.s32 $0x1  }
0x2: {  	[smem:$0x3F9F] =	sst lr;
	_ =	strace $0xD0000000  }
0x3: {  	_ = 	snop  }
0x4: {  	_ = 	snop  }
0x5: {  	_ = 	snop  }
0x6: {  	_ = 	snop  }
0x7: {  	_ = 	snop  }
__scs_overlays_trampoline_lowered:
0x8: {  	[smem:$0x3FAE] =	sst s0  }
0x9: {  	[smem:$0x3FAF] =	sst s1  }
0xa: {  	[smem:$0x3FB0] =	sst s2  }
0xb: {  	[smem:$0x3FB1] =	sst s3  }
0xc: {  	[smem:$0x3FB2] =	sst s4  }
0xd: {  	[smem:$0x3FB3] =	sst s5  }
0xe: {  	[smem:$0x3FB4] =	sst s6  }
0xf: {  	[smem:$0x3FB5] =	sst s7  }
0x10: {  	[smem:$0x3FB6] =	sst s8  }
0x11: {  	[smem:$0x3FB7] =	sst s9;
	s0 =	simm.s32 @!p0 $0x0  }
0x12: {  	s1 =	sld [smem:$0x3F9D];
	s0 =	simm.s32 @p0 $0x1  }
0x13: {  	[smem:$0x3FB8] =	sst s0;
	s0 =	simm.s32 @!p1 $0x0  }
0x14: {  	s2 =	sld [smem:$0x3F9C];
	s0 =	simm.s32 @p1 $0x1  }
0x15: {  	[smem:$0x3FB9] =	sst s0;
	s0 =	simm.s32 @!p2 $0x0  }
0x16: {  	s3 =	sld [smem:$0x3FDB];
	s0 =	simm.s32 @p2 $0x1  }
0x17: {  	s4 =	simm.s32 $0x1BF5;
	[smem:$0x3FBB] =	sst s0  }
0x18: {  	s0 =	sld [smem:$0x3F9E];
	_ =	swait.ge [sflag:s4], $0x0  }
0x19: {  	s7 =	sld [smem:$0x3F9F]  }
0x1a: {  	s8 =	sadd.s32 $0xFFFFE003, lr  }
0x1b: {  	s9 =	sadd.s32 $0xFFFFFEF7, lr;
	s5 =	simm.s32 $0xFFFFFFFF;
	p2 =	slt.u32 s8, $0xFFFFF086  }
0x1c: {  	p1 =	slt.u32 s9, $0xF7A;
	s5 =	simm.s32 @!p2 $0x0  }
0x1d: {  	s5 =	simm.s32 @p1 $0x1;
	p0 =	seq.s32 s7, s2  }
0x1e: {  	s7 =	smul.u32 @!p0 $0xF7A, s2;
	p2 =	seq.s32 @!p0 s5, $0x0  }
0x1f: {  	s9 =	smul.u32 $0xF7A, s1;
	s8 =	simm.s32 @!p0 $0x1BF5;
	p2 =	por !p2, p0  }
0x20: {  	[sflag:s8] =	ssyncset.s32 @!p0 $0xFFFFF086;
	s6 =	sadd.s32 @!p0 s3, s7;
	s7 =	simm.s32 @!p0 $0x108  }
0x21: {  	s3 =	sadd.s32 s3, s9;
	s6 =	sadd.s32 @!p0 $0x88, s6;
	s7 =	simm.s32 @p2 $0x1082  }
0x22: {  	[simem:s7], [sflag:s8] =	dma.local @!p0 [hbm:s6], $0xF7A  }
0x23: {  	s9 =	sor.u32 $0xD0000000, s2;
	s6 =	simm.s32 $0x108;
	_ =	swait.ge @!p0 [sflag:s8], $0x0  }
0x24: {  	s3 =	sadd.s32 $0x88, s3;
	s6 =	simm.s32 @!p1 $0x1082;
	[sflag:s4] =	ssyncset.s32 $0xFFFFF086  }
0x25: {  	[simem:s6], [sflag:s4] =	dma.local [hbm:s3], $0xF7A  }
0x26: {  	[smem:$0x3F9F] =	sst s1;
	(tag) =	ssettag s2;
	_ =	strace s9  }
0x27: {  	s1 =	sld [smem:$0x3FAF]  }
0x28: {  	s2 =	sld [smem:$0x3FB0]  }
0x29: {  	s4 =	sld [smem:$0x3FB2]  }
0x2a: {  	p0 =	seq.s32 s5, $0x0;
	s5 =	sld [smem:$0x3FB3]  }
0x2b: {  	s6 =	sld [smem:$0x3FB4]  }
0x2c: {  	s7 =	sld [smem:$0x3FB5]  }
0x2d: {  	s3 =	simm.s32 $0x108;
	s8 =	sld [smem:$0x3FB6]  }
0x2e: {  	s3 =	simm.s32 @!p0 $0x1082;
	s9 =	sld [smem:$0x3FB7]  }
0x2f: {  	lr =	sadd.s32 s0, s3;
	s0 =	sld [smem:$0x3FAE]  }
0x30: {  	s3 =	sld [smem:$0x3FB1]  }
0x31: {  	[smem:$0x3FBA] =	sst s10  }
0x32: {  	s10 =	sld [smem:$0x3FB8];
	_ =	sdelay $0x3  }
0x33: {  	p0 =	seq.s32 s10, $0x1;
	s10 =	sld [smem:$0x3FBA];
	_ =	sdelay $0x3  }
0x34: {  	[smem:$0x3FBA] =	sst s10  }
0x35: {  	s10 =	sld [smem:$0x3FB9];
	_ =	sdelay $0x3  }
0x36: {  	p1 =	seq.s32 s10, $0x1;
	s10 =	sld [smem:$0x3FBA];
	_ =	sdelay $0x3  }
0x37: {  	[smem:$0x3FBA] =	sst s10  }
0x38: {  	s10 =	sld [smem:$0x3FBB]  }
0x39: {  	_ = 	snop;
	(pc) =	sbr.ind lr, $3  }
0x3a: {  	_ = 	snop  }
0x3b: {  	_ = 	snop  }
0x3c: {  	p2 =	seq.s32 s10, $0x1;
	s10 =	sld [smem:$0x3FBA]  }
0x3d: {  	_ =	shalt  }
0x3e: {  	_ =	shalt  }
0x3f: {  	_ =	shalt  }
0x40: {  	_ =	shalt  }
0x41: {  	_ =	shalt  }
0x42: {  	_ =	shalt  }
0x43: {  	_ =	shalt  }
0x44: {  	_ =	shalt  }
0x45: {  	_ =	shalt  }
0x46: {  	_ =	shalt  }
0x47: {  	_ =	shalt  }
0x48: {  	_ =	shalt  }
0x49: {  	_ =	shalt  }
0x4a: {  	_ =	shalt  }
0x4b: {  	_ =	shalt  }
0x4c: {  	_ =	shalt  }
0x4d: {  	_ =	shalt  }
0x4e: {  	_ =	shalt  }
0x4f: {  	_ =	shalt  }
0x50: {  	_ =	shalt  }
0x51: {  	_ =	shalt  }
0x52: {  	_ =	shalt  }
0x53: {  	_ =	shalt  }
0x54: {  	_ =	shalt  }
0x55: {  	_ =	shalt  }
0x56: {  	_ =	shalt  }
0x57: {  	_ =	shalt  }
0x58: {  	_ =	shalt  }
0x59: {  	_ =	shalt  }
0x5a: {  	_ =	shalt  }
0x5b: {  	_ =	shalt  }
0x5c: {  	_ =	shalt  }
0x5d: {  	_ =	shalt  }
0x5e: {  	_ =	shalt  }
0x5f: {  	_ =	shalt  }
0x60: {  	_ =	shalt  }
0x61: {  	_ =	shalt  }
0x62: {  	_ =	shalt  }
0x63: {  	_ =	shalt  }
0x64: {  	_ =	shalt  }
0x65: {  	_ =	shalt  }
0x66: {  	_ =	shalt  }
0x67: {  	_ =	shalt  }
0x68: {  	_ =	shalt  }
0x69: {  	_ =	shalt  }
0x6a: {  	_ =	shalt  }
0x6b: {  	_ =	shalt  }
0x6c: {  	_ =	shalt  }
0x6d: {  	_ =	shalt  }
0x6e: {  	_ =	shalt  }
0x6f: {  	_ =	shalt  }
0x70: {  	_ =	shalt  }
0x71: {  	_ =	shalt  }
0x72: {  	_ =	shalt  }
0x73: {  	_ =	shalt  }
0x74: {  	_ =	shalt  }
0x75: {  	_ =	shalt  }
0x76: {  	_ =	shalt  }
0x77: {  	_ =	shalt  }
0x78: {  	_ =	shalt  }
0x79: {  	_ =	shalt  }
0x7a: {  	_ =	shalt  }
0x7b: {  	_ =	shalt  }
0x7c: {  	_ =	shalt  }
0x7d: {  	_ =	shalt  }
0x7e: {  	_ =	shalt  }
0x7f: {  	_ =	shalt  }
0x80: {  	_ =	shalt  }
0x81: {  	_ =	shalt  }
0x82: {  	_ =	shalt  }
0x83: {  	_ =	shalt  }
0x84: {  	_ =	shalt  }
0x85: {  	_ =	shalt  }
0x86: {  	_ =	shalt  }
0x87: {  	_ =	shalt  }
.Lfunc_end0:
.L_simem_size_0:
called_computation_lowered:
.L_overlay_start_0:
0x88: {  	s2 =	sld [smem:$0x3FD9]  }
0x89: {  	s3 =	sld [smem:$0x3FFE];
	_ =	sdelay $0x1  }
0x8a: {  	s1 =	srdreg.scid  }
0x8b: {  	s0 =	sand.u32 $0x1, s1  }
0x8c: {  	s18 =	sshll.u32 s0, $0xA;
	s2 =	sadd.s32 s3, s2  }
0x8d: {  	s2 =	sadd.s32 s2, s18  }
0x8e: {  	[smem:$0x3FC6] =	sst s2  }
0x8f: {  	_ = 	snop  }
0x90: {  	s2 =	sld [smem:$0x3FC9]  }
0x91: {  	s19 =	sld [smem:$0x3FC8]  }
0x92: {  	s4 =	sld [smem:$0x3FD0];
	(tm) =	ssettm $0x1  }
0x93: {  	s5 =	sld [smem:$0x3FFB];
	_ =	sdelay $0x3  }
0x94: {  	_ =	strace s5  }
0x95: {  	s5 =	sld [smem:$0x3FFC];
	_ =	sdelay $0x3  }
0x96: {  	_ =	strace s5  }
0x97: {  	s5 =	sld [smem:$0x3FFD];
	_ =	sdelay $0x3  }
0x98: {  	_ =	strace s5  }
0x99: {  	_ =	strace $0x8FFFFFFF  }
0x9a: {  	s20 =	sld [smem:$0x3FDB];
	_ =	sdelay $0x1  }
0x9b: {  	s6 =	simm.s32 $_scs_section_size  }
0x9c: {  	s7 =	simm.s32 $_size__tile_overlayer_lowered;
	s8 =	simm.s32 $_tile_overlayer_lowered  }
0x9d: {  	s23 =	simm.s32 $0x1BFF;
	s22 =	sshll.u32 s8, $0x1;
	s5 =	sadd.s32 s6, s20  }
0x9e: {  	s9 =	simm.s32 $0x0;
	s21 =	sshll.u32 s7, $0x1;
	s7 =	sadd.s32 s22, s5  }
0x9f: {  	[timem:s9], [sflag:s23] =	dma.local [hbm:s7], s21  }
0xa0: {  	_ =	swait.ge [sflag:s23], s21  }
0xa1: {  	s6 =	ssub.s32 $0x0, s21;
	[sflag:s23] =	ssyncset.done $0x0  }
0xa2: {  	[sflag:s23] =	ssyncadd.s32 s6;
	_ =	sdelay $0x1  }
0xa3: {  	s24 =	simm.s32 $0x1B8B  }
0xa4: {  	_ =	swait.ge [sflag:s24], $0x1  }
0xa5: {  	[sflag:s24] =	ssyncset.done $0x0  }
0xa6: {  	s25 =	simm.s32 $0x1B8E;
	[sflag:s24] =	ssyncadd.s32 $0xFFFFFFFF  }
0xa7: {  	s26 =	simm.s32 $execute0_lowered;
	[smem:$0x3FD2] =	sst s25  }
0xa8: {  	s6 =	sshll.u32 s26, $0x1;
	_ =	strace $0x80000046;
	[dreg:$0x1] =	wrdreg $0xFFFFFFFF  }
0xa9: {  	s28 =	simm.s32 $_size_execute0_lowered;
	s5 =	sadd.s32 s5, s6;
	[dreg:$0x0] =	wrdreg $0x0  }
0xaa: {  	s6 =	sshll.u32 s28, $0x1;
	[dreg:$0x2] =	wrdreg s5  }
0xab: {  	[dreg:$0x3] =	wrdreg s6  }
0xac: {  	[dreg:$0x4] =	wrdreg $0xC0  }
0xad: {  	_ =	task [dreg:s9], $0x5FFFF  }
0xae: {  	[dreg:$0x1] =	wrdreg $0xFFFFFFFF  }
0xaf: {  	[dreg:$0x0] =	wrdreg $0x60  }
0xb0: {  	[dreg:$0x2] =	wrdreg s2  }
0xb1: {  	[dreg:$0x3] =	wrdreg s19  }
0xb2: {  	[dreg:$0x4] =	wrdreg s4  }
0xb3: {  	[dreg:$0x5] =	wrdreg $0x9E000  }
0xb4: {  	[dreg:$0x6] =	wrdreg $0x9  }
0xb5: {  	_ =	task.clear_ibuf [dreg:s9], $0x7FFFF;
	_ =	strace $0x90000046  }
0xb6: {  	s29 =	simm.s32 $0x9;
	_ =	strace $0x80000048  }
0xb7: {  	_ =	swait.ge [sflag:s29], $0x1  }
0xb8: {  	[sflag:s29] =	ssyncadd.s32 $0xFFFFFFFF  }
0xb9: {  	_ =	strace $0x90000048  }
0xba: {  	_ =	sfence  }
0xbb: {  	s30 =	sld [smem:$0x0];
	_ =	sdelay $0x2  }
0xbc: {  	s31 =	sshll.u32 s1, $0xD;
	s1 =	sshrl.u32 s1, $0x2  }
0xbd: {  	s3 =	sand.u32 $0x4000, s31;
	s1 =	sadd.s32 s1, s30  }
0xbe: {  	s0 =	sor.u32 s3, s0;
	s1 =	sshll.u32 s1, $0x11  }
0xbf: {  	s0 =	sor.u32 s1, s0  }
0xc0: {  	s0 =	sadd.s32 $0x8F2B, s0  }
0xc1: {  	[sflag:s0] =	ssyncadd.remote.s32 $0x1  }
0xc2: {  	_ =	sfence.sel $0xFFFF  }
0xc3: {  	[dreg:$0x0] =	wrdreg $0xFFFFFFFF;
	(pc) =	sbr.abs _section_cstart, $3  }
0xc4: {  	[dreg:$0x1] =	wrdreg $0xFFFFFFFF  }
0xc5: {  	_ =	task.clear_ibuf [dreg:s9], $0x2FFFF;
	_ =	strace $0x9FFFFFFF  }
0xc6: {  	(tm) =	ssettm $0x7FFFFFFF  }
0xc7: {  	_ =	shalt  }
tec
execute0_lowered:
.L_overlay_start_1:
0x0: {  	(tag) =	ssettag $0x1  }
0x1: {  	s1 =	rddreg [dreg:$0x0]  }
0x2: {  	s2 =	rddreg [dreg:$0x1]  }
0x3: {  	s8 =	rddreg [dreg:$0x2]  }
0x4: {  	s4 =	rddreg [dreg:$0x3];
	s5 =	srdreg.scid  }
0x5: {  	s0 =	rddreg [dreg:$0x4];
	s3 =	stileid.u32;
	s12 =	simm.s32 $0x2780  }
0x6: {  	s14 =	simm.s32 $0x7680;
	s15 =	simm.s32 $0x0;
	s6 =	sand.u32 $0x1, s5  }
0x7: {  	s5 =	simm.s32 $0x0;
	s9 =	smul.u32 $0x1008, s3;
	s29 =	sshll.u32 s3, $0x1  }
0x8: {  	s30 =	sshll.u32 s3, $0x3;
	s7 =	ssub.s32 $0x2, s6;
	[smem:$0x7FF] =	sst s5  }
0x9: {  	s11 =	smul.u32 $0x10080, s6;
	s13 =	sor.u32 $0x10000, s30;
	s10 =	sshrl.u32 s7, $0x1  }
0xa: {  	_ =	strace $0x80000047;
	v0 =	vmov s13;
	s13 =	simm.s32 $0x2710;
	s10 =	ssub.s32 s7, s10  }
0xb: {  	s7 =	sor.u32 s6, s29;
	s11 =	sadd.s32 s9, s11;
	s6 =	sadd.s32 s9, s4  }
0xc: {  	s31 =	sshrl.u32 s11, $0x3;
	s7 =	smul.u32 $0x3D090, s7;
	s9 =	smax.u32 s10, $0x1  }
0xd: {  	v1 =	vimm.s32 $0x0;
	v2 =	vimm.s32 $0x1;
	s10 =	simm.s32 $0x4F00;
	s11 =	simm.s32 $0x1;
	s8 =	sadd.s32 s8, s31  }
.LBB2_1:
0xe: {  	s16 =	simm.s32 $0x40;
	s17 =	simm.s32 $0x0  }
.LBB2_2:
0xf: {  	p0 =	sne.s32 s16, $0x9C00;
	[tilespmem:s17+$0x4F00] =	vst v1;
	s17 =	smov.u32 s16;
	s16 =	sadd.s32 $0x40, s16  }
.Ltmp0:
0x10: {  	(pc) =	sbr.rel @p0 .LBB2_2-.Ltmp0, $2  }
0x11: {  	_ =	sdelay $0x2  }
0x12: {  	s17 =	sshra.s32 s17, $0x2  }
0x13: {  	[tilespmem:s17+$0x4F00] =	vst v1  }
0x14: {  	[spmem:s6] =	stream.linear.scatter [tilespmem:s10], [sflag:$0x1], $0x1008, $0x38;
	[tilespmem:$0xAE08] =	vst v63  }
0x15: {  	_ =	swait.ge [sflag:s11], $0x1008  }
0x16: {  	[sflag:s11] =	ssyncset.done $0x0  }
0x17: {  	s16 =	simm.s32 $0x40;
	s17 =	simm.s32 $0x0;
	[sflag:s11] =	ssyncadd.s32 $0xFFFFEFF8  }
.LBB2_4:
0x18: {  	p0 =	sne.s32 s16, $0x9C00;
	[tilespmem:s17+$0x7680] =	vst v2;
	s17 =	smov.u32 s16;
	s16 =	sadd.s32 $0x40, s16  }
.Ltmp1:
0x19: {  	(pc) =	sbr.rel @p0 .LBB2_4-.Ltmp1, $2  }
0x1a: {  	_ =	sdelay $0x2  }
0x1b: {  	s17 =	sshra.s32 s17, $0x2  }
0x1c: {  	[tilespmem:s17+$0x7680] =	vst v2  }
0x1d: {  	s16 =	simm.s32 $0x0;
	[bflag:$0x0] =	sbarrier.arrive $0xFFFF  }
.LBB2_6:
0x1e: {  	s17 =	smul.u32 $0x2710, s16;
	_ =	sdelay $0x1  }
0x1f: {  	s17 =	sadd.s32 s7, s17  }
0x20: {  	s17 =	sshrl.u32 s17, $0x3  }
0x21: {  	s18 =	sadd.s32 s1, s17  }
0x22: {  	[tilespmem:s5], [sflag:$0x1] =	stream.linear.gather [hbm4b:s18+s5], $0x2710, $0x38;
	[tilespmem:$0xAE08] =	vst v63  }
0x23: {  	_ =	swait.ge [sflag:s11], $0x2710  }
0x24: {  	[sflag:s11] =	ssyncset.done $0x0  }
0x25: {  	s17 =	sadd.s32 s2, s17;
	[sflag:s11] =	ssyncadd.s32 $0xFFFFD8F0  }
0x26: {  	[tilespmem:s12], [sflag:$0x1] =	stream.linear.gather [hbm4b:s17+s5], $0x2710, $0x38;
	[tilespmem:$0xAE08] =	vst v63  }
0x27: {  	_ =	swait.ge [sflag:s11], $0x2710  }
0x28: {  	[sflag:s11] =	ssyncset.done $0x0  }
0x29: {  	s31 =	simm.s32 $0x20;
	[sflag:s11] =	ssyncadd.s32 $0xFFFFD8F0  }
0x2a: {  	v7 =	vld [tilespmem:s31+$0x10]  }
0x2b: {  	s18 =	simm.s32 $0x27A0;
	v9 =	vld [tilespmem:s31+$0xFFFFFFF0]  }
0x2c: {  	v6 =	vld [tilespmem:s18+$0x10]  }
0x2d: {  	v3 =	vld [tilespmem:s31+$0x0];
	_ =	sdelay $0x1  }
0x2e: {  	v4 =	vld [tilespmem:s31+$0xFFFFFFE0]  }
0x2f: {  	v5 =	vshra.s32 v7, $0x1F  }
0x30: {  	v8 =	vshra.s32 v9, $0x1F;
	v14 =	vshll.u32 v6, $0xE;
	v5 =	vor.u32 $0x80000000, v5  }
0x31: {  	v6 =	vld [tilespmem:s18+$0xFFFFFFF0];
	v10 =	vor.u32 $0x80000000, v8;
	v8 =	vshra.s32 v3, $0x1F;
	v5 =	vxor.u32 v7, v5  }
0x32: {  	vm1 =	veq.f32 v7, $0.0e+00;
	v12 =	vor.u32 $0x80000000, v8;
	v7 =	vld [tilespmem:s18+$0x0];
	v8 =	vshrl.u32 v5, $0x1  }
0x33: {  	vm0 =	veq.f32 v9, $0.0e+00;
	v11 =	vshra.s32 v4, $0x1F;
	v5 =	vld [tilespmem:s18+$0xFFFFFFE0];
	v13 =	vshrl.u32 v8, $0x11  }
0x34: {  	v11 =	vor.u32 $0x80000000, v11;
	v10 =	vxor.u32 v9, v10;
	v13 =	vor.u32 v13, v14  }
0x35: {  	s19 =	simm.s32 $0x0;
	s20 =	simm.s32 $0x60;
	s17 =	simm.s32 $0x4F20;
	v8 =	vxor.u32 v4, v11;
	v11 =	vxor.u32 v3, v12;
	v9 =	vsel vm1, v0, v13  }
.LBB2_7:
0x36: {  	v12 =	vld [tilespmem:s20+$0x10];
	s19 =	sadd.s32 $0x4, s19;
	v8 =	vshrl.u32 v8, $0x1;
	v10 =	vshrl.u32 v10, $0x1;
	v11 =	vshrl.u32 v11, $0x1;
	[tilespmem:s17+$0x10] =	vst v9  }
0x37: {  	v9 =	vld [tilespmem:s20+$0xFFFFFFF0];
	p0 =	slt.u32 s19, $0x26C;
	v8 =	vshrl.u32 v8, $0x11;
	v10 =	vshrl.u32 v10, $0x11;
	v11 =	vshrl.u32 v11, $0x11  }
0x38: {  	v5 =	vshll.u32 v5, $0xE;
	v6 =	vshll.u32 v6, $0xE;
	v7 =	vshll.u32 v7, $0xE;
	v13 =	vld [tilespmem:s20+$0x0]  }
0x39: {  	s18 =	sadd.s32 $0x40, s18;
	v8 =	vor.u32 v8, v5;
	v5 =	vor.u32 v10, v6;
	v6 =	vor.u32 v11, v7;
	v14 =	vld [tilespmem:s20+$0xFFFFFFE0]  }
0x3a: {  	vm1 =	veq.f32 v4, $0.0e+00;
	v4 =	vsel vm0, v0, v5;
	vm0 =	veq.f32 v3, $0.0e+00;
	v10 =	vld [tilespmem:s18+$0x10]  }
0x3b: {  	v7 =	vsel vm1, v0, v8;
	v5 =	vld [tilespmem:s18+$0xFFFFFFE0];
	v17 =	vshra.s32 v12, $0x1F;
	[tilespmem:s17+$0xFFFFFFF0] =	vst v4;
	v4 =	vsel vm0, v0, v6  }
0x3c: {  	v6 =	vld [tilespmem:s18+$0xFFFFFFF0];
	v8 =	vshra.s32 v9, $0x1F;
	vm0 =	veq.f32 v9, $0.0e+00;
	v16 =	vor.u32 $0x80000000, v17;
	[tilespmem:s17+$0xFFFFFFE0] =	vst v7  }
.Ltmp2:
0x3d: {  	v11 =	vor.u32 $0x80000000, v8;
	v7 =	vld [tilespmem:s18+$0x0];
	v8 =	vshra.s32 v13, $0x1F;
	v15 =	vxor.u32 v12, v16;
	[tilespmem:s17+$0x0] =	vst v4;
	v3 =	vmovc v13;
	(pc) =	sbr.rel @p0 .LBB2_7-.Ltmp2, $4  }
0x3e: {  	v13 =	vshra.s32 v14, $0x1F;
	v16 =	vor.u32 $0x80000000, v8;
	v8 =	vshrl.u32 v15, $0x1;
	v4 =	vmovc v14  }
0x3f: {  	v13 =	vor.u32 $0x80000000, v13;
	v14 =	vshrl.u32 v8, $0x11;
	v10 =	vshll.u32 v10, $0xE  }
0x40: {  	vm1 =	veq.f32 v12, $0.0e+00;
	v8 =	vxor.u32 v4, v13;
	v13 =	vor.u32 v14, v10  }
0x41: {  	s20 =	sadd.s32 $0x40, s20;
	s17 =	sadd.s32 $0x40, s17;
	v10 =	vxor.u32 v9, v11;
	v11 =	vxor.u32 v3, v16;
	v9 =	vsel vm1, v0, v13  }
0x42: {  	v8 =	vshrl.u32 v8, $0x1  }
0x43: {  	v10 =	vshrl.u32 v10, $0x1;
	v11 =	vshrl.u32 v11, $0x1;
	v6 =	vshll.u32 v6, $0xE  }
0x44: {  	v5 =	vshll.u32 v5, $0xE;
	v7 =	vshll.u32 v7, $0xE;
	v10 =	vshrl.u32 v10, $0x11  }
0x45: {  	vm1 =	veq.f32 v4, $0.0e+00;
	v8 =	vshrl.u32 v8, $0x11;
	v6 =	vor.u32 v10, v6  }
0x46: {  	[tilespmem:s17+$0x10] =	vst v9;
	v11 =	vshrl.u32 v11, $0x11;
	v5 =	vor.u32 v8, v5;
	v60 =	vsel vm0, v0, v6  }
0x47: {  	vm14 =	veq.f32 v3, $0.0e+00;
	v61 =	vor.u32 v11, v7;
	v3 =	vsel vm1, v0, v5;
	[tilespmem:s17+$0xFFFFFFF0] =	vst v60  }
0x48: {  	v62 =	vsel vm14, v0, v61;
	[tilespmem:s17+$0xFFFFFFE0] =	vst v3  }
0x49: {  	[tilespmem:s17+$0x0] =	vst v62  }
0x4a: {  	v3 =	vld [tilespmem:$0x2700];
	_ =	sdelay $0x3  }
0x4b: {  	v4 =	vld [tilespmem:$0x4E80]  }
0x4c: {  	v63 =	vshra.s32 v3, $0x1F  }
0x4d: {  	v5 =	vor.u32 $0x80000000, v63  }
0x4e: {  	v5 =	vxor.u32 v3, v5  }
0x4f: {  	v5 =	vshrl.u32 v5, $0x1  }
0x50: {  	v4 =	vshll.u32 v4, $0xE;
	v5 =	vshrl.u32 v5, $0x11  }
0x51: {  	s16 =	sadd.s32 $0x1, s16;
	vm15 =	veq.f32 v3, $0.0e+00;
	v4 =	vor.u32 v5, v4  }
0x52: {  	p0 =	sne.s32 s16, $0x19;
	v3 =	vsel vm15, v0, v4  }
.Ltmp3:
0x53: {  	[tilespmem:$0x7600] =	vst v3;
	(pc) =	sbr.rel @p0 .LBB2_6-.Ltmp3, $4  }
0x54: {  	[spmem:s4] =	stream.indirect.scatter.add.s32 [tilespmem:s14], [sflag:$0x1], $0x1, s10, s13, $0xb8;
	[tilespmem:$0xAE08] =	vst v63  }
0x55: {  	_ =	swait.ge [sflag:s11], $0x2710  }
0x56: {  	[sflag:s11] =	ssyncset.done $0x0  }
0x57: {  	[sflag:s11] =	ssyncadd.s32 $0xFFFFD8F0  }
0x58: {  	[bflag:$0x0] =	sbarrier.arrive $0xFFFF  }
0x59: {  	[tilespmem:s10], [sflag:$0x1] =	stream.linear.gather [spmem:s6], $0x1008, $0x38;
	[tilespmem:$0xAE08] =	vst v63  }
0x5a: {  	s15 =	sadd.s32 $0x1, s15;
	_ =	swait.ge [sflag:s11], $0x1008  }
0x5b: {  	p0 =	sne.s32 s15, s9;
	[sflag:s11] =	ssyncset.done $0x0  }
.Ltmp4:
0x5c: {  	[sflag:s11] =	ssyncadd.s32 $0xFFFFEFF8;
	(pc) =	sbr.rel @p0 .LBB2_1-.Ltmp4, $4  }
0x5d: {  	[hbm4b:s8+s5] =	stream.linear.scatter [tilespmem:s10], [sflag:$0x1], $0x1008, $0x38;
	[tilespmem:$0xAE08] =	vst v63  }
0x5e: {  	_ =	swait.ge [sflag:s11], $0x1008  }
0x5f: {  	[sflag:s11] =	ssyncset.done $0x0  }
0x60: {  	[sflag:s11] =	ssyncadd.s32 $0xFFFFEFF8  }
0x61: {  	_ =	sfence.sel $0x180000  }
0x62: {  	[bflag:$0x0] =	sbarrier.arrive $0xFFFF  }
0x63: {  	p0 =	sne.s32 s3, $0x0;
	_ =	strace $0x90000047  }
0x64: {  	s0 =	sadd.s32 @!p0 $0x100000, s0;
	[bflag:$0x2] =	sbarrier.arrive $0xFFFF  }
0x65: {  	[sflag:s0] =	ssyncadd.tile.s32 @!p0 $0x1;
	_ =	shalt  }
.Lfunc_end2:
_tile_overlayer_lowered:
.L_overlay_start_2:
0x66: {  	(tag) =	ssettag $0x2  }
0x67: {  	s0 =	rddreg [dreg:$0x0];
	s2 =	stileid.u32  }
0x68: {  	s1 =	rddreg [dreg:$0x1];
	p0 =	sne.s32 s2, $0x0  }
0x69: {  	s3 =	rddreg [dreg:$0x2];
	[bflag:$0x3] =	sbarrier.arrive $0xFFFF;
	s2 =	simm.s32 @!p0 $0x1C01  }
0x6a: {  	[timem:s3], [sflag:s2] =	dma.local @!p0 [hbm:s0], s1  }
0x6b: {  	s0 =	simm.s32 @!p0 $0x1  }
0x6c: {  	_ =	swait.ge @!p0 [sflag:s0], s1  }
0x6d: {  	s1 =	ssub.s32 @!p0 $0x0, s1;
	[sflag:s0] =	ssyncset.done @!p0 $0x0  }
0x6e: {  	[sflag:s0] =	ssyncadd.s32 @!p0 s1  }
0x6f: {  	[bflag:$0x3] =	sbarrier.arrive $0xFFFF  }
0x70: {  	_ =	shalt  }

// kernel: kernel.9.cloned.1.call-start
scs
__scs_entry_jumppad:
0x0: {  	(pc) =	sbr.rel $0x88, $3  }
0x1: {  	(tag) =	ssettag $0x0;
	lr =	simm.s32 $0x1  }
0x2: {  	[smem:$0x3F9F] =	sst lr;
	_ =	strace $0xD0000000  }
0x3: {  	_ = 	snop  }
0x4: {  	_ = 	snop  }
0x5: {  	_ = 	snop  }
0x6: {  	_ = 	snop  }
0x7: {  	_ = 	snop  }
__scs_overlays_trampoline_lowered:
0x8: {  	[smem:$0x3FAE] =	sst s0  }
0x9: {  	[smem:$0x3FAF] =	sst s1  }
0xa: {  	[smem:$0x3FB0] =	sst s2  }
0xb: {  	[smem:$0x3FB1] =	sst s3  }
0xc: {  	[smem:$0x3FB2] =	sst s4  }
0xd: {  	[smem:$0x3FB3] =	sst s5  }
0xe: {  	[smem:$0x3FB4] =	sst s6  }
0xf: {  	[smem:$0x3FB5] =	sst s7  }
0x10: {  	[smem:$0x3FB6] =	sst s8  }
0x11: {  	[smem:$0x3FB7] =	sst s9;
	s0 =	simm.s32 @!p0 $0x0  }
0x12: {  	s1 =	sld [smem:$0x3F9D];
	s0 =	simm.s32 @p0 $0x1  }
0x13: {  	[smem:$0x3FB8] =	sst s0;
	s0 =	simm.s32 @!p1 $0x0  }
0x14: {  	s2 =	sld [smem:$0x3F9C];
	s0 =	simm.s32 @p1 $0x1  }
0x15: {  	[smem:$0x3FB9] =	sst s0;
	s0 =	simm.s32 @!p2 $0x0  }
0x16: {  	s3 =	sld [smem:$0x3FDB];
	s0 =	simm.s32 @p2 $0x1  }
0x17: {  	s4 =	simm.s32 $0x1BF5;
	[smem:$0x3FBB] =	sst s0  }
0x18: {  	s0 =	sld [smem:$0x3F9E];
	_ =	swait.ge [sflag:s4], $0x0  }
0x19: {  	s7 =	sld [smem:$0x3F9F]  }
0x1a: {  	s8 =	sadd.s32 $0xFFFFE003, lr  }
0x1b: {  	s9 =	sadd.s32 $0xFFFFFEF7, lr;
	s5 =	simm.s32 $0xFFFFFFFF;
	p2 =	slt.u32 s8, $0xFFFFF086  }
0x1c: {  	p1 =	slt.u32 s9, $0xF7A;
	s5 =	simm.s32 @!p2 $0x0  }
0x1d: {  	s5 =	simm.s32 @p1 $0x1;
	p0 =	seq.s32 s7, s2  }
0x1e: {  	s7 =	smul.u32 @!p0 $0xF7A, s2;
	p2 =	seq.s32 @!p0 s5, $0x0  }
0x1f: {  	s9 =	smul.u32 $0xF7A, s1;
	s8 =	simm.s32 @!p0 $0x1BF5;
	p2 =	por !p2, p0  }
0x20: {  	[sflag:s8] =	ssyncset.s32 @!p0 $0xFFFFF086;
	s6 =	sadd.s32 @!p0 s3, s7;
	s7 =	simm.s32 @!p0 $0x108  }
0x21: {  	s3 =	sadd.s32 s3, s9;
	s6 =	sadd.s32 @!p0 $0x88, s6;
	s7 =	simm.s32 @p2 $0x1082  }
0x22: {  	[simem:s7], [sflag:s8] =	dma.local @!p0 [hbm:s6], $0xF7A  }
0x23: {  	s9 =	sor.u32 $0xD0000000, s2;
	s6 =	simm.s32 $0x108;
	_ =	swait.ge @!p0 [sflag:s8], $0x0  }
0x24: {  	s3 =	sadd.s32 $0x88, s3;
	s6 =	simm.s32 @!p1 $0x1082;
	[sflag:s4] =	ssyncset.s32 $0xFFFFF086  }
0x25: {  	[simem:s6], [sflag:s4] =	dma.local [hbm:s3], $0xF7A  }
0x26: {  	[smem:$0x3F9F] =	sst s1;
	(tag) =	ssettag s2;
	_ =	strace s9  }
0x27: {  	s1 =	sld [smem:$0x3FAF]  }
0x28: {  	s2 =	sld [smem:$0x3FB0]  }
0x29: {  	s4 =	sld [smem:$0x3FB2]  }
0x2a: {  	p0 =	seq.s32 s5, $0x0;
	s5 =	sld [smem:$0x3FB3]  }
0x2b: {  	s6 =	sld [smem:$0x3FB4]  }
0x2c: {  	s7 =	sld [smem:$0x3FB5]  }
0x2d: {  	s3 =	simm.s32 $0x108;
	s8 =	sld [smem:$0x3FB6]  }
0x2e: {  	s3 =	simm.s32 @!p0 $0x1082;
	s9 =	sld [smem:$0x3FB7]  }
0x2f: {  	lr =	sadd.s32 s0, s3;
	s0 =	sld [smem:$0x3FAE]  }
0x30: {  	s3 =	sld [smem:$0x3FB1]  }
0x31: {  	[smem:$0x3FBA] =	sst s10  }
0x32: {  	s10 =	sld [smem:$0x3FB8];
	_ =	sdelay $0x3  }
0x33: {  	p0 =	seq.s32 s10, $0x1;
	s10 =	sld [smem:$0x3FBA];
	_ =	sdelay $0x3  }
0x34: {  	[smem:$0x3FBA] =	sst s10  }
0x35: {  	s10 =	sld [smem:$0x3FB9];
	_ =	sdelay $0x3  }
0x36: {  	p1 =	seq.s32 s10, $0x1;
	s10 =	sld [smem:$0x3FBA];
	_ =	sdelay $0x3  }
0x37: {  	[smem:$0x3FBA] =	sst s10  }
0x38: {  	s10 =	sld [smem:$0x3FBB]  }
0x39: {  	_ = 	snop;
	(pc) =	sbr.ind lr, $3  }
0x3a: {  	_ = 	snop  }
0x3b: {  	_ = 	snop  }
0x3c: {  	p2 =	seq.s32 s10, $0x1;
	s10 =	sld [smem:$0x3FBA]  }
0x3d: {  	_ =	shalt  }
0x3e: {  	_ =	shalt  }
0x3f: {  	_ =	shalt  }
0x40: {  	_ =	shalt  }
0x41: {  	_ =	shalt  }
0x42: {  	_ =	shalt  }
0x43: {  	_ =	shalt  }
0x44: {  	_ =	shalt  }
0x45: {  	_ =	shalt  }
0x46: {  	_ =	shalt  }
0x47: {  	_ =	shalt  }
0x48: {  	_ =	shalt  }
0x49: {  	_ =	shalt  }
0x4a: {  	_ =	shalt  }
0x4b: {  	_ =	shalt  }
0x4c: {  	_ =	shalt  }
0x4d: {  	_ =	shalt  }
0x4e: {  	_ =	shalt  }
0x4f: {  	_ =	shalt  }
0x50: {  	_ =	shalt  }
0x51: {  	_ =	shalt  }
0x52: {  	_ =	shalt  }
0x53: {  	_ =	shalt  }
0x54: {  	_ =	shalt  }
0x55: {  	_ =	shalt  }
0x56: {  	_ =	shalt  }
0x57: {  	_ =	shalt  }
0x58: {  	_ =	shalt  }
0x59: {  	_ =	shalt  }
0x5a: {  	_ =	shalt  }
0x5b: {  	_ =	shalt  }
0x5c: {  	_ =	shalt  }
0x5d: {  	_ =	shalt  }
0x5e: {  	_ =	shalt  }
0x5f: {  	_ =	shalt  }
0x60: {  	_ =	shalt  }
0x61: {  	_ =	shalt  }
0x62: {  	_ =	shalt  }
0x63: {  	_ =	shalt  }
0x64: {  	_ =	shalt  }
0x65: {  	_ =	shalt  }
0x66: {  	_ =	shalt  }
0x67: {  	_ =	shalt  }
0x68: {  	_ =	shalt  }
0x69: {  	_ =	shalt  }
0x6a: {  	_ =	shalt  }
0x6b: {  	_ =	shalt  }
0x6c: {  	_ =	shalt  }
0x6d: {  	_ =	shalt  }
0x6e: {  	_ =	shalt  }
0x6f: {  	_ =	shalt  }
0x70: {  	_ =	shalt  }
0x71: {  	_ =	shalt  }
0x72: {  	_ =	shalt  }
0x73: {  	_ =	shalt  }
0x74: {  	_ =	shalt  }
0x75: {  	_ =	shalt  }
0x76: {  	_ =	shalt  }
0x77: {  	_ =	shalt  }
0x78: {  	_ =	shalt  }
0x79: {  	_ =	shalt  }
0x7a: {  	_ =	shalt  }
0x7b: {  	_ =	shalt  }
0x7c: {  	_ =	shalt  }
0x7d: {  	_ =	shalt  }
0x7e: {  	_ =	shalt  }
0x7f: {  	_ =	shalt  }
0x80: {  	_ =	shalt  }
0x81: {  	_ =	shalt  }
0x82: {  	_ =	shalt  }
0x83: {  	_ =	shalt  }
0x84: {  	_ =	shalt  }
0x85: {  	_ =	shalt  }
0x86: {  	_ =	shalt  }
0x87: {  	_ =	shalt  }
.Lfunc_end0:
.L_simem_size_0:
called_computation.1_lowered:
.L_overlay_start_0:
0x88: {  	s2 =	sld [smem:$0x3FD9]  }
0x89: {  	s3 =	sld [smem:$0x3FFE];
	_ =	sdelay $0x1  }
0x8a: {  	s1 =	srdreg.scid  }
0x8b: {  	s0 =	sand.u32 $0x1, s1  }
0x8c: {  	s17 =	sshll.u32 s0, $0xA;
	s2 =	sadd.s32 s3, s2  }
0x8d: {  	s2 =	sadd.s32 s2, s17  }
0x8e: {  	[smem:$0x3FC6] =	sst s2  }
0x8f: {  	_ = 	snop  }
0x90: {  	s2 =	sld [smem:$0x3FC9]  }
0x91: {  	s18 =	sld [smem:$0x3FC8]  }
0x92: {  	s4 =	sld [smem:$0x3FD0];
	(tm) =	ssettm $0x1  }
0x93: {  	s5 =	sld [smem:$0x3FFB];
	_ =	sdelay $0x3  }
0x94: {  	_ =	strace s5  }
0x95: {  	s5 =	sld [smem:$0x3FFC];
	_ =	sdelay $0x3  }
0x96: {  	_ =	strace s5  }
0x97: {  	s5 =	sld [smem:$0x3FFD];
	_ =	sdelay $0x3  }
0x98: {  	_ =	strace s5  }
0x99: {  	_ =	strace $0x8FFFFFFF  }
0x9a: {  	s19 =	sld [smem:$0x3FDB];
	_ =	sdelay $0x1  }
0x9b: {  	s6 =	simm.s32 $_scs_section_size  }
0x9c: {  	s7 =	simm.s32 $_size__tile_overlayer_lowered;
	s8 =	simm.s32 $_tile_overlayer_lowered  }
0x9d: {  	s22 =	simm.s32 $0x1BFF;
	s21 =	sshll.u32 s8, $0x1;
	s5 =	sadd.s32 s6, s19  }
0x9e: {  	s9 =	simm.s32 $0x0;
	s20 =	sshll.u32 s7, $0x1;
	s7 =	sadd.s32 s21, s5  }
0x9f: {  	[timem:s9], [sflag:s22] =	dma.local [hbm:s7], s20  }
0xa0: {  	_ =	swait.ge [sflag:s22], s20  }
0xa1: {  	s6 =	ssub.s32 $0x0, s20;
	[sflag:s22] =	ssyncset.done $0x0  }
0xa2: {  	[sflag:s22] =	ssyncadd.s32 s6;
	_ =	sdelay $0x1  }
0xa3: {  	s23 =	simm.s32 $0x1B8B  }
0xa4: {  	_ =	swait.ge [sflag:s23], $0x1  }
0xa5: {  	[sflag:s23] =	ssyncset.done $0x0  }
0xa6: {  	s25 =	simm.s32 $0x1B8E;
	s24 =	sld [smem:$0x3FFE];
	[sflag:s23] =	ssyncadd.s32 $0xFFFFFFFF  }
0xa7: {  	s26 =	simm.s32 $execute0_lowered;
	[smem:$0x3FD2] =	sst s25  }
0xa8: {  	s7 =	sshll.u32 s26, $0x1;
	_ =	strace $0x80000049;
	[dreg:$0x1] =	wrdreg $0xFFFFFFFF  }
0xa9: {  	s28 =	simm.s32 $_size_execute0_lowered;
	s5 =	sadd.s32 s5, s7;
	[dreg:$0x0] =	wrdreg $0x0  }
0xaa: {  	s7 =	sshll.u32 s28, $0x1;
	[dreg:$0x2] =	wrdreg s5  }
0xab: {  	[dreg:$0x3] =	wrdreg s7  }
0xac: {  	[dreg:$0x4] =	wrdreg $0xC0  }
0xad: {  	_ =	task [dreg:s9], $0x5FFFF  }
0xae: {  	[dreg:$0x1] =	wrdreg $0xFFFFFFFF  }
0xaf: {  	[dreg:$0x0] =	wrdreg $0x60  }
0xb0: {  	[dreg:$0x2] =	wrdreg s2  }
0xb1: {  	[dreg:$0x3] =	wrdreg s18  }
0xb2: {  	[dreg:$0x4] =	wrdreg s24  }
0xb3: {  	[dreg:$0x5] =	wrdreg s4  }
0xb4: {  	[dreg:$0x6] =	wrdreg $0xDE000  }
0xb5: {  	[dreg:$0x7] =	wrdreg $0x9  }
0xb6: {  	_ =	task.clear_ibuf [dreg:s9], $0x8FFFF;
	_ =	strace $0x90000049  }
0xb7: {  	s29 =	simm.s32 $0x9;
	_ =	strace $0x8000004B  }
0xb8: {  	_ =	swait.ge [sflag:s29], $0x1  }
0xb9: {  	[sflag:s29] =	ssyncadd.s32 $0xFFFFFFFF  }
0xba: {  	_ =	strace $0x9000004B  }
0xbb: {  	_ =	sfence  }
0xbc: {  	s30 =	sld [smem:$0x0];
	_ =	sdelay $0x2  }
0xbd: {  	s31 =	sshll.u32 s1, $0xD;
	s1 =	sshrl.u32 s1, $0x2  }
0xbe: {  	s3 =	sand.u32 $0x4000, s31;
	s1 =	sadd.s32 s1, s30  }
0xbf: {  	s0 =	sor.u32 s3, s0;
	s1 =	sshll.u32 s1, $0x11  }
0xc0: {  	s0 =	sor.u32 s1, s0  }
0xc1: {  	s0 =	sadd.s32 $0x8F2B, s0  }
0xc2: {  	[sflag:s0] =	ssyncadd.remote.s32 $0x1  }
0xc3: {  	_ =	sfence.sel $0xFFFF  }
0xc4: {  	[dreg:$0x0] =	wrdreg $0xFFFFFFFF;
	(pc) =	sbr.abs _section_cstart, $3  }
0xc5: {  	[dreg:$0x1] =	wrdreg $0xFFFFFFFF  }
0xc6: {  	_ =	task.clear_ibuf [dreg:s9], $0x2FFFF;
	_ =	strace $0x9FFFFFFF  }
0xc7: {  	(tm) =	ssettm $0x7FFFFFFF  }
tec
execute0_lowered:
.L_overlay_start_1:
0x0: {  	(tag) =	ssettag $0x1  }
0x1: {  	s1 =	rddreg [dreg:$0x0]  }
0x2: {  	s2 =	rddreg [dreg:$0x1]  }
0x3: {  	s6 =	rddreg [dreg:$0x2]  }
0x4: {  	s10 =	rddreg [dreg:$0x3]  }
0x5: {  	s3 =	rddreg [dreg:$0x4]  }
0x6: {  	s0 =	rddreg [dreg:$0x5];
	s5 =	simm.s32 $0x0;
	s7 =	srdreg.scid  }
0x7: {  	s4 =	stileid.u32;
	s15 =	simm.s32 $0x1;
	s16 =	simm.s32 $0x4F00  }
0x8: {  	s17 =	simm.s32 $0x2780;
	s19 =	simm.s32 $0x7680;
	s20 =	simm.s32 $0x0  }
0x9: {  	[smem:$0x7FF] =	sst s5;
	s7 =	sand.u32 $0x1, s7;
	s9 =	smul.u32 $0x4008, s4  }
0xa: {  	s12 =	sshll.u32 s4, $0x1;
	s6 =	sadd.s32 $0x400, s6;
	s30 =	sshll.u32 s4, $0x3  }
0xb: {  	_ =	strace $0x8000004A;
	s8 =	ssub.s32 $0x2, s7;
	s13 =	smul.u32 $0x40080, s7  }
0xc: {  	s29 =	sor.u32 s7, s12;
	s18 =	sor.u32 $0x40000, s30;
	s11 =	sshrl.u32 s8, $0x1  }
0xd: {  	s7 =	sadd.s32 s9, s3;
	v0 =	vmov s18;
	s18 =	simm.s32 $0x2710;
	s9 =	sadd.s32 s9, s13  }
0xe: {  	s14 =	ssub.s32 s8, s11;
	s8 =	sadd.s32 $0x2710, s7;
	s31 =	sshrl.u32 s9, $0x3  }
0xf: {  	s11 =	sadd.s32 $0x2000, s7;
	s9 =	smul.u32 $0x3D090, s29;
	s10 =	sadd.s32 s10, s31  }
0x10: {  	v1 =	vimm.s32 $0x0;
	v2 =	vimm.s32 $0x1;
	s13 =	smax.u32 s14, $0x1;
	s14 =	simm.s32 $0x9E00;
	s12 =	sadd.s32 $0x400, s10  }
.LBB2_1:
0x11: {  	[tilespmem:s14], [sflag:$0x1] =	stream.linear.gather [hbm4b:s6+s5], $0x4000, $0x38;
	[tilespmem:$0x11E08] =	vst v63  }
0x12: {  	_ =	swait.ge [sflag:s15], $0x4000  }
0x13: {  	[sflag:s15] =	ssyncset.done $0x0  }
0x14: {  	s21 =	simm.s32 $0x40;
	s22 =	simm.s32 $0x0;
	[sflag:s15] =	ssyncadd.s32 $0xFFFFC000  }
.LBB2_2:
0x15: {  	p0 =	sne.s32 s21, $0x9C00;
	[tilespmem:s22+$0x4F00] =	vst v1;
	s22 =	smov.u32 s21;
	s21 =	sadd.s32 $0x40, s21  }
.Ltmp0:
0x16: {  	(pc) =	sbr.rel @p0 .LBB2_2-.Ltmp0, $2  }
0x17: {  	_ =	sdelay $0x2  }
0x18: {  	s22 =	sshra.s32 s22, $0x2  }
0x19: {  	[tilespmem:s22+$0x4F00] =	vst v1  }
0x1a: {  	[spmem:s7] =	stream.linear.scatter [tilespmem:s16], [sflag:$0x1], $0x2710, $0x38;
	[tilespmem:$0x11E08] =	vst v63  }
0x1b: {  	_ =	swait.ge [sflag:s15], $0x2710  }
0x1c: {  	[sflag:s15] =	ssyncset.done $0x0  }
0x1d: {  	[sflag:s15] =	ssyncadd.s32 $0xFFFFD8F0  }
0x1e: {  	[spmem:s8] =	stream.linear.scatter [tilespmem:s16], [sflag:$0x1], $0x18F8, $0x38;
	[tilespmem:$0x11E08] =	vst v63  }
0x1f: {  	_ =	swait.ge [sflag:s15], $0x18F8  }
0x20: {  	[sflag:s15] =	ssyncset.done $0x0  }
0x21: {  	s21 =	simm.s32 $0x40;
	s22 =	simm.s32 $0x0;
	[sflag:s15] =	ssyncadd.s32 $0xFFFFE708  }
.LBB2_4:
0x22: {  	p0 =	sne.s32 s21, $0x9C00;
	[tilespmem:s22+$0x7680] =	vst v2;
	s22 =	smov.u32 s21;
	s21 =	sadd.s32 $0x40, s21  }
.Ltmp1:
0x23: {  	(pc) =	sbr.rel @p0 .LBB2_4-.Ltmp1, $2  }
0x24: {  	_ =	sdelay $0x2  }
0x25: {  	s22 =	sshra.s32 s22, $0x2  }
0x26: {  	[tilespmem:s22+$0x7680] =	vst v2  }
0x27: {  	s21 =	simm.s32 $0x0;
	[bflag:$0x0] =	sbarrier.arrive $0xFFFF  }
.LBB2_6:
0x28: {  	s22 =	smul.u32 $0x2710, s21;
	_ =	sdelay $0x1  }
0x29: {  	s22 =	sadd.s32 s9, s22  }
0x2a: {  	s22 =	sshrl.u32 s22, $0x3  }
0x2b: {  	s23 =	sadd.s32 s1, s22  }
0x2c: {  	[tilespmem:s5], [sflag:$0x1] =	stream.linear.gather [hbm4b:s23+s5], $0x2710, $0x38;
	[tilespmem:$0x11E08] =	vst v63  }
0x2d: {  	_ =	swait.ge [sflag:s15], $0x2710  }
0x2e: {  	[sflag:s15] =	ssyncset.done $0x0  }
0x2f: {  	s22 =	sadd.s32 s2, s22;
	[sflag:s15] =	ssyncadd.s32 $0xFFFFD8F0  }
0x30: {  	[tilespmem:s17], [sflag:$0x1] =	stream.linear.gather [hbm4b:s22+s5], $0x2710, $0x38;
	[tilespmem:$0x11E08] =	vst v63  }
0x31: {  	_ =	swait.ge [sflag:s15], $0x2710  }
0x32: {  	[sflag:s15] =	ssyncset.done $0x0  }
0x33: {  	s31 =	simm.s32 $0x20;
	[sflag:s15] =	ssyncadd.s32 $0xFFFFD8F0  }
0x34: {  	v3 =	vld [tilespmem:s31+$0x10]  }
0x35: {  	v8 =	vld [tilespmem:s31+$0xFFFFFFF0]  }
0x36: {  	s22 =	simm.s32 $0x27A0;
	v9 =	vld [tilespmem:s31+$0x0]  }
0x37: {  	v10 =	vld [tilespmem:s22+$0x10]  }
0x38: {  	v11 =	vld [tilespmem:s22+$0xFFFFFFE0]  }
0x39: {  	v13 =	vld [tilespmem:s22+$0xFFFFFFF0]  }
0x3a: {  	v15 =	vld [tilespmem:s22+$0x0]  }
0x3b: {  	v7 =	vld [tilespmem:s31+$0xFFFFFFE0]  }
0x3c: {  	v4 =	vshra.s32 v3, $0x1F  }
0x3d: {  	v5 =	vshra.s32 v8, $0x1F;
	vm0 =	vlt.f32 v8, $0.0e+00;
	v6 =	vshra.s32 v9, $0x1F  }
0x3e: {  	v17 =	vshll.u32 v10, $0xE;
	v21 =	vshll.u32 v11, $0xE;
	v56 =	vshll.u32 v13, $0xE  }
0x3f: {  	v24 =	vshll.u32 v15, $0xE;
	vm1 =	vlt.f32 v3, $0.0e+00;
	v4 =	vor.u32 $0x80000000, v4  }
0x40: {  	v5 =	vor.u32 $0x80000000, v5;
	v12 =	vxor.u32 v3, v4;
	v4 =	vshra.s32 v7, $0x1F  }
0x41: {  	v6 =	vor.u32 $0x80000000, v6;
	v14 =	vshrl.u32 v12, $0x1;
	v4 =	vor.u32 $0x80000000, v4  }
0x42: {  	v5 =	vxor.u32 v8, v5;
	v16 =	vshrl.u32 v14, $0x11;
	v4 =	vxor.u32 v7, v4  }
0x43: {  	v18 =	vxor.u32 v9, v6;
	v16 =	vor.u32 v16, v17;
	v54 =	vshrl.u32 v4, $0x1  }
0x44: {  	v19 =	vshrl.u32 v5, $0x1;
	v6 =	vshra.s32 v16, $0x2;
	v55 =	vshrl.u32 v54, $0x11  }
0x45: {  	vm2 =	vgt.f32 v3, $0.0e+00;
	v22 =	vshrl.u32 v19, $0x11;
	v16 =	vor.u32 v55, v21  }
0x46: {  	v20 =	vshrl.u32 v18, $0x1;
	v21 =	vor.u32 v22, v56;
	v16 =	vshra.s32 v16, $0x2  }
0x47: {  	v10 =	vshll.u32 v10, $0x10;
	v23 =	vshrl.u32 v20, $0x11;
	v21 =	vshra.s32 v21, $0x2  }
0x48: {  	vm4 =	vlt.f32 v9, $0.0e+00;
	vm5 =	vgt.f32 v9, $0.0e+00;
	v57 =	vor.u32 v23, v24  }
0x49: {  	vm2 =	vmor vm2, vm1;
	vm1 =	vlt.f32 v7, $0.0e+00;
	v22 =	vshra.s32 v57, $0x2;
	v58 =	vld.idx.msk [tilespmem:v6+s14+$0x0], $0xffff  }
0x4a: {  	v12 =	vshrl.u32 v12, $0x9;
	v59 =	vshrl.u32 v20, $0xE;
	v14 =	vshrl.u32 v14, $0xE  }
0x4b: {  	v12 =	vor.u32 $0xFFFFFE00, v12;
	v4 =	vshrl.u32 v4, $0x9;
	v14 =	vand.u32 $0x18, v14;
	v16 =	vld.idx.msk [tilespmem:v16+s14+$0x0], $0xffff  }
0x4c: {  	v10 =	vadd.s32 v10, v12;
	v17 =	vshrl.u32 v54, $0xE;
	v6 =	vshrl.u32 v19, $0xE;
	v3 =	vld.idx.msk [tilespmem:v21+s14+$0x0], $0xffff  }
0x4d: {  	v17 =	vand.u32 $0x18, v17;
	v19 =	vand.u32 $0x18, v59;
	v60 =	vand.u32 $0x18, v6  }
0x4e: {  	v6 =	vor.u32 $0xFFFFFE00, v4;
	v4 =	vshrl.u32 v5, $0x9;
	v61 =	vld.idx.msk [tilespmem:v22+s14+$0x0], $0xffff;
	v14 =	vshra.s32 v58, v14  }
0x4f: {  	v5 =	vshrl.u32 v18, $0x9;
	v4 =	vor.u32 $0xFFFFFE00, v4;
	v14 =	vand.u32 $0xFF, v14  }
0x50: {  	v5 =	vor.u32 $0xFFFFFE00, v5;
	vm3 =	vne.s32 v14, $0x0;
	v14 =	vshll.u32 v14, $0x9  }
0x51: {  	v62 =	vshra.s32 v16, v17;
	v3 =	vshra.s32 v3, v60;
	vm3 =	vmand vm2, vm3  }
0x52: {  	v10 =	vadd.s32 v14, v10;
	vm2 =	vgt.f32 v7, $0.0e+00;
	v12 =	vand.u32 $0xFF, v62  }
0x53: {  	v7 =	vshll.u32 v11, $0x10;
	v63 =	vand.u32 $0xFF, v3;
	v3 =	vshra.s32 v61, v19  }
0x54: {  	v10 =	vsel vm3, v10, v0;
	vm3 =	vgt.f32 v8, $0.0e+00;
	v8 =	vshll.u32 v13, $0x10  }
0x55: {  	s23 =	simm.s32 $0x4F20;
	v11 =	vand.u32 $0xFF, v3;
	vm6 =	vne.s32 v12, $0x0;
	v3 =	vshll.u32 v15, $0x10  }
0x56: {  	s24 =	simm.s32 $0x0;
	s25 =	simm.s32 $0x60;
	v9 =	vshll.u32 v12, $0x9;
	vm7 =	vne.s32 v63, $0x0;
	[tilespmem:s23+$0x10] =	vst v10;
	v10 =	vshll.u32 v63, $0x9  }
.LBB2_7:
0x57: {  	v12 =	vld [tilespmem:s25+$0x10];
	s24 =	sadd.s32 $0x4, s24;
	v6 =	vadd.s32 v7, v6;
	vm8 =	vne.s32 v11, $0x0;
	v7 =	vshll.u32 v11, $0x9  }
0x58: {  	vm1 =	vmor vm2, vm1;
	v4 =	vadd.s32 v8, v4;
	v5 =	vadd.s32 v3, v5;
	v11 =	vld [tilespmem:s25+$0xFFFFFFF0];
	p0 =	slt.u32 s24, $0x26C  }
0x59: {  	vm0 =	vmor vm3, vm0;
	vm2 =	vmor vm5, vm4;
	vm1 =	vmand vm1, vm6;
	v3 =	vld [tilespmem:s25+$0x0]  }
0x5a: {  	s22 =	sadd.s32 $0x40, s22;
	v6 =	vadd.s32 v9, v6;
	vm0 =	vmand vm0, vm7;
	v4 =	vadd.s32 v10, v4;
	v8 =	vld [tilespmem:s25+$0xFFFFFFE0]  }
0x5b: {  	v5 =	vadd.s32 v7, v5;
	v6 =	vsel vm1, v6, v0;
	vm1 =	vmand vm2, vm8;
	v9 =	vld [tilespmem:s22+$0x10]  }
0x5c: {  	v4 =	vsel vm0, v4, v0;
	v5 =	vsel vm1, v5, v0;
	v7 =	vld [tilespmem:s22+$0xFFFFFFE0];
	v10 =	vshra.s32 v12, $0x1F;
	[tilespmem:s23+$0xFFFFFFE0] =	vst v6  }
0x5d: {  	v13 =	vld [tilespmem:s22+$0xFFFFFFF0];
	v6 =	vshra.s32 v11, $0x1F;
	vm0 =	vlt.f32 v11, $0.0e+00;
	v10 =	vor.u32 $0x80000000, v10;
	[tilespmem:s23+$0xFFFFFFF0] =	vst v4  }
0x5e: {  	v4 =	vor.u32 $0x80000000, v6;
	v14 =	vld [tilespmem:s22+$0x0];
	v6 =	vshra.s32 v3, $0x1F;
	v10 =	vxor.u32 v12, v10;
	[tilespmem:s23+$0x0] =	vst v5  }
0x5f: {  	v5 =	vshra.s32 v8, $0x1F;
	v6 =	vor.u32 $0x80000000, v6;
	v15 =	vshrl.u32 v10, $0x1  }
0x60: {  	v5 =	vor.u32 $0x80000000, v5;
	v16 =	vshrl.u32 v15, $0x11;
	v17 =	vshll.u32 v9, $0xE  }
0x61: {  	v4 =	vxor.u32 v11, v4;
	v5 =	vxor.u32 v8, v5;
	v16 =	vor.u32 v16, v17  }
0x62: {  	v18 =	vxor.u32 v3, v6;
	v17 =	vshrl.u32 v5, $0x1;
	v6 =	vshra.s32 v16, $0x2  }
0x63: {  	v19 =	vshrl.u32 v4, $0x1;
	v20 =	vshrl.u32 v18, $0x1;
	v16 =	vshrl.u32 v17, $0x11  }
0x64: {  	v21 =	vshll.u32 v7, $0xE;
	v22 =	vshrl.u32 v19, $0x11;
	v23 =	vshrl.u32 v20, $0x11  }
0x65: {  	v24 =	vshll.u32 v14, $0xE;
	v16 =	vor.u32 v16, v21;
	v21 =	vshll.u32 v13, $0xE  }
0x66: {  	v16 =	vshra.s32 v16, $0x2;
	v21 =	vor.u32 v22, v21;
	v22 =	vor.u32 v23, v24  }
0x67: {  	v17 =	vshrl.u32 v17, $0xE;
	v21 =	vshra.s32 v21, $0x2;
	v22 =	vshra.s32 v22, $0x2;
	v23 =	vld.idx.msk [tilespmem:v6+s14+$0x0], $0xffff  }
0x68: {  	v17 =	vand.u32 $0x18, v17;
	v6 =	vshrl.u32 v19, $0xE;
	v19 =	vshrl.u32 v20, $0xE  }
0x69: {  	v5 =	vshrl.u32 v5, $0x9;
	v20 =	vand.u32 $0x18, v6;
	v19 =	vand.u32 $0x18, v19  }
0x6a: {  	v4 =	vshrl.u32 v4, $0x9;
	v6 =	vor.u32 $0xFFFFFE00, v5;
	v5 =	vshrl.u32 v18, $0x9  }
0x6b: {  	v15 =	vshrl.u32 v15, $0xE;
	v4 =	vor.u32 $0xFFFFFE00, v4;
	v5 =	vor.u32 $0xFFFFFE00, v5;
	v16 =	vld.idx.msk [tilespmem:v16+s14+$0x0], $0xffff  }
0x6c: {  	vm1 =	vlt.f32 v12, $0.0e+00;
	vm2 =	vgt.f32 v12, $0.0e+00;
	v15 =	vand.u32 $0x18, v15;
	v18 =	vld.idx.msk [tilespmem:v21+s14+$0x0], $0xffff  }
0x6d: {  	v10 =	vshrl.u32 v10, $0x9;
	v9 =	vshll.u32 v9, $0x10;
	v15 =	vshra.s32 v23, v15;
	v12 =	vld.idx.msk [tilespmem:v22+s14+$0x0], $0xffff  }
0x6e: {  	vm2 =	vmor vm2, vm1;
	v10 =	vor.u32 $0xFFFFFE00, v10;
	v15 =	vand.u32 $0xFF, v15  }
0x6f: {  	v9 =	vadd.s32 v9, v10;
	vm3 =	vne.s32 v15, $0x0;
	v15 =	vshll.u32 v15, $0x9  }
0x70: {  	vm1 =	vlt.f32 v8, $0.0e+00;
	vm3 =	vmand vm2, vm3;
	v9 =	vadd.s32 v15, v9  }
0x71: {  	s23 =	sadd.s32 $0x40, s23;
	vm2 =	vgt.f32 v8, $0.0e+00;
	v10 =	vshra.s32 v16, v17;
	v8 =	vsel vm3, v9, v0  }
.Ltmp2:
0x72: {  	v7 =	vshll.u32 v7, $0x10;
	v9 =	vand.u32 $0xFF, v10;
	v10 =	vshra.s32 v18, v20;
	[tilespmem:s23+$0x10] =	vst v8;
	(pc) =	sbr.rel @p0 .LBB2_7-.Ltmp2, $4  }
0x73: {  	vm3 =	vgt.f32 v11, $0.0e+00;
	v10 =	vand.u32 $0xFF, v10;
	v11 =	vshra.s32 v12, v19  }
0x74: {  	vm4 =	vlt.f32 v3, $0.0e+00;
	v8 =	vshll.u32 v13, $0x10;
	v11 =	vand.u32 $0xFF, v11  }
0x75: {  	vm5 =	vgt.f32 v3, $0.0e+00;
	v3 =	vshll.u32 v14, $0x10;
	vm6 =	vne.s32 v9, $0x0  }
0x76: {  	s25 =	sadd.s32 $0x40, s25;
	v9 =	vshll.u32 v9, $0x9;
	vm7 =	vne.s32 v10, $0x0;
	v10 =	vshll.u32 v10, $0x9  }
0x77: {  	v6 =	vadd.s32 v7, v6  }
0x78: {  	vm8 =	vne.s32 v11, $0x0;
	v57 =	vshll.u32 v11, $0x9;
	vm1 =	vmor vm2, vm1  }
0x79: {  	v4 =	vadd.s32 v8, v4;
	v3 =	vadd.s32 v3, v5;
	vm0 =	vmor vm3, vm0  }
0x7a: {  	vm11 =	vmor vm5, vm4;
	vm1 =	vmand vm1, vm6;
	v58 =	vadd.s32 v9, v6  }
0x7b: {  	vm0 =	vmand vm0, vm7;
	v4 =	vadd.s32 v10, v4;
	v5 =	vsel vm1, v58, v0  }
0x7c: {  	vm12 =	vmand vm11, vm8;
	v3 =	vadd.s32 v57, v3;
	v4 =	vsel vm0, v4, v0;
	[tilespmem:s23+$0xFFFFFFE0] =	vst v5  }
0x7d: {  	v3 =	vsel vm12, v3, v0;
	[tilespmem:s23+$0xFFFFFFF0] =	vst v4  }
0x7e: {  	[tilespmem:s23+$0x0] =	vst v3  }
0x7f: {  	v3 =	vld [tilespmem:$0x2700];
	_ =	sdelay $0x3  }
0x80: {  	v4 =	vld [tilespmem:$0x4E80]  }
0x81: {  	v59 =	vshra.s32 v3, $0x1F  }
0x82: {  	v5 =	vor.u32 $0x80000000, v59  }
0x83: {  	v5 =	vxor.u32 v3, v5  }
0x84: {  	v60 =	vshrl.u32 v5, $0x1  }
0x85: {  	v62 =	vshll.u32 v4, $0xE;
	v61 =	vshrl.u32 v60, $0x11  }
0x86: {  	v7 =	vor.u32 v61, v62  }
0x87: {  	v7 =	vshra.s32 v7, $0x2;
	_ =	sdelay $0x4  }
0x88: {  	v7 =	vld.idx.msk [tilespmem:v7+s14+$0x0], $0xffff;
	_ =	sdelay $0x2  }
0x89: {  	v6 =	vshrl.u32 v60, $0xE  }
0x8a: {  	vm13 =	vlt.f32 v3, $0.0e+00;
	vm14 =	vgt.f32 v3, $0.0e+00;
	v6 =	vand.u32 $0x18, v6  }
0x8b: {  	v4 =	vshll.u32 v4, $0x10;
	v3 =	vshrl.u32 v5, $0x9;
	v6 =	vshra.s32 v7, v6  }
0x8c: {  	vm0 =	vmor vm14, vm13;
	v3 =	vor.u32 $0xFFFFFE00, v3;
	v6 =	vand.u32 $0xFF, v6  }
0x8d: {  	v3 =	vadd.s32 v4, v3;
	vm15 =	vne.s32 v6, $0x0;
	v63 =	vshll.u32 v6, $0x9  }
0x8e: {  	s21 =	sadd.s32 $0x1, s21;
	vm0 =	vmand vm0, vm15;
	v3 =	vadd.s32 v63, v3  }
0x8f: {  	p0 =	sne.s32 s21, $0x19;
	v3 =	vsel vm0, v3, v0  }
.Ltmp3:
0x90: {  	[tilespmem:$0x7600] =	vst v3;
	(pc) =	sbr.rel @p0 .LBB2_6-.Ltmp3, $4  }
0x91: {  	[spmem:s3] =	stream.indirect.scatter.add.s32 [tilespmem:s19], [sflag:$0x1], $0x1, s16, s18, $0xb8;
	[tilespmem:$0x11E08] =	vst v63  }
0x92: {  	_ =	swait.ge [sflag:s15], $0x2710  }
0x93: {  	[sflag:s15] =	ssyncset.done $0x0  }
0x94: {  	[sflag:s15] =	ssyncadd.s32 $0xFFFFD8F0  }
0x95: {  	[bflag:$0x0] =	sbarrier.arrive $0xFFFF  }
0x96: {  	[tilespmem:s16], [sflag:$0x1] =	stream.linear.gather [spmem:s7], $0x2000, $0x38;
	[tilespmem:$0x11E08] =	vst v63  }
0x97: {  	_ =	swait.ge [sflag:s15], $0x2000  }
0x98: {  	[sflag:s15] =	ssyncset.done $0x0  }
0x99: {  	[sflag:s15] =	ssyncadd.s32 $0xFFFFE000  }
0x9a: {  	[hbm4b:s10+s5] =	stream.linear.scatter [tilespmem:s16], [sflag:$0x1], $0x2000, $0x38;
	[tilespmem:$0x11E08] =	vst v63  }
0x9b: {  	_ =	swait.ge [sflag:s15], $0x2000  }
0x9c: {  	[sflag:s15] =	ssyncset.done $0x0  }
0x9d: {  	[sflag:s15] =	ssyncadd.s32 $0xFFFFE000  }
0x9e: {  	[tilespmem:s16], [sflag:$0x1] =	stream.linear.gather [spmem:s11], $0x2008, $0x38;
	[tilespmem:$0x11E08] =	vst v63  }
0x9f: {  	s20 =	sadd.s32 $0x1, s20;
	_ =	swait.ge [sflag:s15], $0x2008  }
0xa0: {  	p0 =	sne.s32 s20, s13;
	[sflag:s15] =	ssyncset.done $0x0  }
.Ltmp4:
0xa1: {  	[sflag:s15] =	ssyncadd.s32 $0xFFFFDFF8;
	(pc) =	sbr.rel @p0 .LBB2_1-.Ltmp4, $4  }
0xa2: {  	[hbm4b:s12+s5] =	stream.linear.scatter [tilespmem:s16], [sflag:$0x1], $0x2008, $0x38;
	[tilespmem:$0x11E08] =	vst v63  }
0xa3: {  	_ =	swait.ge [sflag:s15], $0x2008  }
0xa4: {  	[sflag:s15] =	ssyncset.done $0x0  }
0xa5: {  	[sflag:s15] =	ssyncadd.s32 $0xFFFFDFF8  }
0xa6: {  	_ =	sfence.sel $0x180000  }
0xa7: {  	[bflag:$0x0] =	sbarrier.arrive $0xFFFF  }
0xa8: {  	p0 =	sne.s32 s4, $0x0;
	_ =	strace $0x9000004A  }
0xa9: {  	s0 =	sadd.s32 @!p0 $0x100000, s0;
	[bflag:$0x2] =	sbarrier.arrive $0xFFFF  }
0xaa: {  	[sflag:s0] =	ssyncadd.tile.s32 @!p0 $0x1;
	_ =	shalt  }
.Lfunc_end2:
_tile_overlayer_lowered:
.L_overlay_start_2:
0xab: {  	(tag) =	ssettag $0x2  }
0xac: {  	s0 =	rddreg [dreg:$0x0];
	s2 =	stileid.u32  }
0xad: {  	s1 =	rddreg [dreg:$0x1];
	p0 =	sne.s32 s2, $0x0  }
0xae: {  	s3 =	rddreg [dreg:$0x2];
	[bflag:$0x3] =	sbarrier.arrive $0xFFFF;
	s2 =	simm.s32 @!p0 $0x1C01  }
0xaf: {  	[timem:s3], [sflag:s2] =	dma.local @!p0 [hbm:s0], s1  }
0xb0: {  	s0 =	simm.s32 @!p0 $0x1  }
0xb1: {  	_ =	swait.ge @!p0 [sflag:s0], s1  }
0xb2: {  	s1 =	ssub.s32 @!p0 $0x0, s1;
	[sflag:s0] =	ssyncset.done @!p0 $0x0  }
0xb3: {  	[sflag:s0] =	ssyncadd.s32 @!p0 s1  }
0xb4: {  	[bflag:$0x3] =	sbarrier.arrive $0xFFFF  }
0xb5: {  	_ =	shalt  }

</sc_bundles>
